<compile_context>
chip_gen: v7x
topology: tpu7x:2x2x1
jax: 0.10.2.dev20260603
libtpu: 0.0.44.dev20260713+nightly
codegen_flags: <defaults>
</compile_context>

<pallas_src>
import jax
import jax.numpy as jnp
from jax import lax
from jax.experimental import pallas as pl
from jax.experimental.pallas import tpu as pltpu
from jax.experimental.pallas import tpu_sc as plsc

NUM_MODELS = 8
NUM_BOXES = 100000
DIM = 128
BATCH = 16384

NW = 32
ROWS_PER_W = NUM_MODELS * BATCH // NW
R = 64
NCHUNK = ROWS_PER_W // R
NSLOT = 3


def _body(z_hbm, ld_hbm, ids_hbm, out_hbm, idx_v, ldbuf, obuf, sbuf,
          sem_z, sem_l, sem_c, sem_h):
    c = lax.axis_index("c")
    s = lax.axis_index("s")
    wid = s * 2 + c

    pltpu.sync_copy(ids_hbm.at[wid, pl.ds(0, 8)], idx_v.at[pl.ds(0, 8)])

    out_base = wid * ROWS_PER_W

    def gather_start(g, b):
        pltpu.async_copy(z_hbm.at[idx_v.at[g]], obuf.at[b], sem_z.at[b])
        pltpu.async_copy(ld_hbm.at[idx_v.at[g]], ldbuf.at[b], sem_l.at[b])

    def gather_wait(g, b):
        pltpu.make_async_copy(z_hbm.at[idx_v.at[g]], obuf.at[b],
                              sem_z.at[b]).wait()
        pltpu.make_async_copy(ld_hbm.at[idx_v.at[g]], ldbuf.at[b],
                              sem_l.at[b]).wait()

    def cstart(g, b):
        del g
        pltpu.async_copy(obuf.at[b], sbuf.at[s, b], sem_c.at[b])

    def cwait(g, b):
        del g
        pltpu.make_async_copy(obuf.at[b], sbuf.at[s, b], sem_c.at[b]).wait()

    def hstart(g, b):
        pltpu.async_copy(sbuf.at[s, b],
                         out_hbm.at[pl.ds(out_base + g * R, R)], sem_h.at[b])

    def hwait(g, b):
        pltpu.make_async_copy(sbuf.at[s, b],
                              out_hbm.at[pl.ds(out_base + g * R, R)],
                              sem_h.at[b]).wait()

    def compute(b):
        @plsc.parallel_loop(0, R, unroll=4)
        def _cmp(r):
            for j in range(DIM // 16):
                sl = pl.ds(j * 16, 16)
                obuf[b, r, sl] = obuf[b, r, sl] + jnp.exp(ldbuf[b, r, sl])

    def dispatch(g, fn):
        for b in range(NSLOT):
            @pl.when(g % NSLOT == b)
            def _():
                fn(g, b)

    for g in range(NSLOT - 1):
        gather_start(g, g % NSLOT)
    pltpu.sync_copy(ids_hbm.at[wid, pl.ds(8, NCHUNK - 8)],
                    idx_v.at[pl.ds(8, NCHUNK - 8)])

    def step(g, carry):
        pre = g + NSLOT - 1

        dispatch(g, gather_wait)

        @pl.when(g >= 1)
        def _():
            dispatch(g - 1, cwait)
            dispatch(g - 1, hstart)

        @pl.when(pre < NCHUNK)
        def _():
            dispatch(pre, gather_start)

        @pl.when(g >= NSLOT)
        def _():
            dispatch(g - NSLOT, hwait)

        dispatch(g, lambda gg, b: (compute(b), cstart(gg, b)))
        return carry

    lax.fori_loop(0, NCHUNK, step, 0)
    cwait(NCHUNK - 1, (NCHUNK - 1) % NSLOT)
    hstart(NCHUNK - 1, (NCHUNK - 1) % NSLOT)
    for g in range(NCHUNK - NSLOT, NCHUNK):
        hwait(g, g % NSLOT)


@jax.jit
def _sc_lookup(zf, lf, ids3):
    mesh = plsc.VectorSubcoreMesh(core_axis_name="c", subcore_axis_name="s")
    fn = pl.kernel(
        _body,
        mesh=mesh,
        out_type=jax.ShapeDtypeStruct((NUM_MODELS * BATCH, DIM), jnp.float32),
        scratch_types=[
            pltpu.VMEM((NCHUNK, R), jnp.int32),
            pltpu.VMEM((NSLOT, R, DIM), jnp.float32),
            pltpu.VMEM((NSLOT, R, DIM), jnp.float32),
            pltpu.VMEM_SHARED((16, NSLOT, R, DIM), jnp.float32),
            pltpu.SemaphoreType.DMA((NSLOT,)),
            pltpu.SemaphoreType.DMA((NSLOT,)),
            pltpu.SemaphoreType.DMA((NSLOT,)),
            pltpu.SemaphoreType.DMA((NSLOT,)),
        ],
    )
    return fn(zf, lf, ids3)


def kernel(z, logdelta, ids):
    zf = z.reshape(NUM_MODELS * NUM_BOXES, DIM)
    lf = logdelta.reshape(NUM_MODELS * NUM_BOXES, DIM)
    offs = (jnp.arange(NUM_MODELS, dtype=jnp.int32) * NUM_BOXES)[:, None]
    ids4 = (ids.astype(jnp.int32)[None, :] + offs).reshape(NW, NCHUNK, R)
    out = _sc_lookup(zf, lf, ids4)
    return out.reshape(NUM_MODELS, BATCH, DIM)

# --- scband reference (transcript-rebuilt; emitter-appended) ---
"""Pipeline reference for scband-delta-boxes-90348932039327 (READ-ONLY COPY).

The authoritative reference and input builder live on the scoring server;
editing this copy changes nothing except your own understanding.
"""

import jax, jax.numpy as jnp
import numpy as np

NUM_MODELS = 8
NUM_BOXES = 100000
DIM = 128
BATCH = 16384

def setup_inputs(seed: int = 0) -> dict:
    key = jax.random.key(seed)
    k1, k2, k3 = jax.random.split(key, 3)
    z = jax.random.uniform(k1, (NUM_MODELS, NUM_BOXES, DIM), dtype=jnp.float32)
    logdelta = jax.random.uniform(k2, (NUM_MODELS, NUM_BOXES, DIM), dtype=jnp.float32)
    ids = jax.random.randint(k3, (BATCH,), 0, NUM_BOXES, dtype=jnp.int64 if jax.config.jax_enable_x64 else jnp.int32)
    return {"z": z, "logdelta": logdelta, "ids": ids}

def reference(z, logdelta, ids):
    # DeltaBoxes.max(ids): gather per-box parameters across all models, then
    # compute max corner = z + exp(logdelta) for the gathered boxes.
    z_sel = jnp.take(z, ids, axis=1)            # [num_models, B, dim]
    ld_sel = jnp.take(logdelta, ids, axis=1)    # [num_models, B, dim]
    max_corner = z_sel + jnp.exp(ld_sel)
    return max_corner

if __name__ == "__main__":
    import jax
    _d = setup_inputs()
    print(jax.jit(kernel)(*tuple(_d.values())))

</pallas_src>

<mosaic_0001>
#map = affine_map<(d0, d1) -> (0, 0)>
#map1 = affine_map<(d0, d1) -> (0, 0, 0)>
module attributes {stable_mosaic.version = 14 : i64} {
  func.func @_body(%arg0: i32, %arg1: i32, %arg2: memref<800000x128xf32, #tpu.memory_space<hbm>>, %arg3: memref<800000x128xf32, #tpu.memory_space<hbm>>, %arg4: memref<32x64x64xi32, #tpu.memory_space<hbm>>, %arg5: memref<131072x128xf32, #tpu.memory_space<hbm>>, %arg6: memref<64x64xi32, #tpu.memory_space<vmem>>, %arg7: memref<3x64x128xf32, #tpu.memory_space<vmem>>, %arg8: memref<3x64x128xf32, #tpu.memory_space<vmem>>, %arg9: memref<16x3x64x128xf32, #tpu.memory_space<vmem_shared>>, %arg10: memref<3x!tpu.dma_semaphore, #tpu.memory_space<semaphore_mem>>, %arg11: memref<3x!tpu.dma_semaphore, #tpu.memory_space<semaphore_mem>>, %arg12: memref<3x!tpu.dma_semaphore, #tpu.memory_space<semaphore_mem>>, %arg13: memref<3x!tpu.dma_semaphore, #tpu.memory_space<semaphore_mem>>) attributes {dimension_semantics = [#tpu.dimension_semantics<core_parallel>, #tpu.dimension_semantics<subcore_parallel>], iteration_bounds = array<i64: 2, 16>, scalar_prefetch = 0 : i64, scratch_operands = 8 : i64, tpu.core_type = #tpu.core_type<sc_vector_subcore>, window_params = [{transform_indices = #map}, {transform_indices = #map}, {transform_indices = #map1}, {transform_indices = #map}]} {
    %mul3A = arith.constant 2 : i32
    %mul3A_0 = arith.muli %arg1, %mul3A : i32
    %add3A = arith.addi %mul3A_0, %arg0 : i32
    "tpu.region"() ({
      %run_scoped3A = tpu.sem_alloc : memref<!tpu.dma_semaphore, #tpu.memory_space<semaphore_mem>>
      %dma_start3A_135 = arith.constant 0 : i32
      %dma_start3A_136 = arith.constant 0 : i32
      %dma_start3A_137 = tpu.memref_slice %arg6[%dma_start3A_135, %dma_start3A_136] : memref<64x64xi32, #tpu.memory_space<vmem>> -> memref<8x64xi32, #tpu.memory_space<vmem>>
      %dma_start3A_138 = arith.constant 0 : i32
      %dma_start3A_139 = arith.constant 0 : i32
      %dma_start3A_140 = tpu.memref_slice %arg4[%add3A, %dma_start3A_138, %dma_start3A_139] : memref<32x64x64xi32, #tpu.memory_space<hbm>> -> memref<1x8x64xi32, #tpu.memory_space<hbm>>
      %dma_start3A_141 = tpu.memref_squeeze %dma_start3A_140 : memref<1x8x64xi32, #tpu.memory_space<hbm>> -> memref<8x64xi32, #tpu.memory_space<hbm>>
      %dma_start3A_142 = arith.constant 0 : i32
      %dma_start3A_143 = arith.constant 0 : i32
      %dma_start3A_144 = tpu.memref_slice %arg6[%dma_start3A_142, %dma_start3A_143] : memref<64x64xi32, #tpu.memory_space<vmem>> -> memref<8x64xi32, #tpu.memory_space<vmem>>
      %dma_start3A_145 = arith.constant 0 : i32
      %dma_start3A_146 = arith.constant 0 : i32
      %dma_start3A_147 = tpu.memref_slice %arg4[%add3A, %dma_start3A_145, %dma_start3A_146] : memref<32x64x64xi32, #tpu.memory_space<hbm>> -> memref<1x8x64xi32, #tpu.memory_space<hbm>>
      %dma_start3A_148 = tpu.memref_squeeze %dma_start3A_147 : memref<1x8x64xi32, #tpu.memory_space<hbm>> -> memref<8x64xi32, #tpu.memory_space<hbm>>
      tpu.enqueue_dma source(%dma_start3A_148 : memref<8x64xi32, #tpu.memory_space<hbm>>) target(%dma_start3A_144 : memref<8x64xi32, #tpu.memory_space<vmem>>) target_semaphore(%run_scoped3A : memref<!tpu.dma_semaphore, #tpu.memory_space<semaphore_mem>>)
      %dma_wait3A_149 = arith.constant 0 : i32
      %dma_wait3A_150 = arith.constant 0 : i32
      %dma_wait3A_151 = tpu.memref_slice %arg6[%dma_wait3A_149, %dma_wait3A_150] : memref<64x64xi32, #tpu.memory_space<vmem>> -> memref<8x64xi32, #tpu.memory_space<vmem>>
      %dma_wait3A_152 = arith.constant 0 : i32
      %dma_wait3A_153 = arith.constant 0 : i32
      %dma_wait3A_154 = tpu.memref_slice %arg4[%add3A, %dma_wait3A_152, %dma_wait3A_153] : memref<32x64x64xi32, #tpu.memory_space<hbm>> -> memref<1x8x64xi32, #tpu.memory_space<hbm>>
      %dma_wait3A_155 = tpu.memref_squeeze %dma_wait3A_154 : memref<1x8x64xi32, #tpu.memory_space<hbm>> -> memref<8x64xi32, #tpu.memory_space<hbm>>
      %dma_wait3A_156 = arith.constant 0 : i32
      %dma_wait3A_157 = arith.constant 0 : i32
      %dma_wait3A_158 = tpu.memref_slice %arg6[%dma_wait3A_156, %dma_wait3A_157] : memref<64x64xi32, #tpu.memory_space<vmem>> -> memref<8x64xi32, #tpu.memory_space<vmem>>
      %dma_wait3A_159 = arith.constant 0 : i32
      %dma_wait3A_160 = arith.constant 0 : i32
      %dma_wait3A_161 = tpu.memref_slice %arg4[%add3A, %dma_wait3A_159, %dma_wait3A_160] : memref<32x64x64xi32, #tpu.memory_space<hbm>> -> memref<1x8x64xi32, #tpu.memory_space<hbm>>
      %dma_wait3A_162 = tpu.memref_squeeze %dma_wait3A_161 : memref<1x8x64xi32, #tpu.memory_space<hbm>> -> memref<8x64xi32, #tpu.memory_space<hbm>>
      tpu.wait_dma2 semaphore(%run_scoped3A : memref<!tpu.dma_semaphore, #tpu.memory_space<semaphore_mem>>) src(%dma_wait3A_162 : memref<8x64xi32, #tpu.memory_space<hbm>>) dst(%dma_wait3A_158 : memref<8x64xi32, #tpu.memory_space<vmem>>)
      tpu.yield
    }) : () -> ()
    %mul3A_1 = arith.constant 4096 : i32
    %mul3A_2 = arith.muli %add3A, %mul3A_1 : i32
    %dma_start3A = arith.constant 0 : i32
    %dma_start3A_3 = arith.constant 0 : i32
    %dma_start3A_4 = arith.constant 0 : i32
    %dma_start3A_5 = arith.constant 0 : i32
    %dma_start3A_6 = arith.constant 0 : i32
    %dma_start3A_7 = tpu.memref_slice %arg8[%dma_start3A_3, %dma_start3A_5, %dma_start3A_6] : memref<3x64x128xf32, #tpu.memory_space<vmem>> -> memref<1x64x128xf32, #tpu.memory_space<vmem>>
    %dma_start3A_8 = tpu.memref_squeeze %dma_start3A_7 : memref<1x64x128xf32, #tpu.memory_space<vmem>> -> memref<64x128xf32, #tpu.memory_space<vmem>>
    %dma_start3A_9 = arith.constant 0 : i32
    %dma_start3A_10 = tpu.memref_slice %arg6[%dma_start3A, %dma_start3A_9] : memref<64x64xi32, #tpu.memory_space<vmem>> -> memref<1x64xi32, #tpu.memory_space<vmem>>
    %dma_start3A_11 = tpu.memref_squeeze %dma_start3A_10 : memref<1x64xi32, #tpu.memory_space<vmem>> -> memref<64xi32, #tpu.memory_space<vmem>>
    %dma_start3A_12 = arith.constant 0 : i32
    %dma_start3A_13 = arith.constant 0 : i32
    %dma_start3A_14 = tpu.memref_slice %arg2[%dma_start3A_12, %dma_start3A_13] : memref<800000x128xf32, #tpu.memory_space<hbm>> -> memref<800000x128xf32, #tpu.memory_space<hbm>>
    %dma_start3A_15 = tpu.memref_slice %arg10[%dma_start3A_4] : memref<3x!tpu.dma_semaphore, #tpu.memory_space<semaphore_mem>> -> memref<1x!tpu.dma_semaphore, #tpu.memory_space<semaphore_mem>>
    %dma_start3A_16 = tpu.memref_squeeze %dma_start3A_15 : memref<1x!tpu.dma_semaphore, #tpu.memory_space<semaphore_mem>> -> memref<!tpu.dma_semaphore, #tpu.memory_space<semaphore_mem>>
    tpu.enqueue_indirect_dma source(%dma_start3A_14 : memref<800000x128xf32, #tpu.memory_space<hbm>>) target(%dma_start3A_8 : memref<64x128xf32, #tpu.memory_space<vmem>>) offsets(%dma_start3A_11 : memref<64xi32, #tpu.memory_space<vmem>>) semaphore(%dma_start3A_16 : memref<!tpu.dma_semaphore, #tpu.memory_space<semaphore_mem>>)
    %dma_start3A_17 = arith.constant 0 : i32
    %dma_start3A_18 = arith.constant 0 : i32
    %dma_start3A_19 = arith.constant 0 : i32
    %dma_start3A_20 = arith.constant 0 : i32
    %dma_start3A_21 = arith.constant 0 : i32
    %dma_start3A_22 = tpu.memref_slice %arg7[%dma_start3A_18, %dma_start3A_20, %dma_start3A_21] : memref<3x64x128xf32, #tpu.memory_space<vmem>> -> memref<1x64x128xf32, #tpu.memory_space<vmem>>
    %dma_start3A_23 = tpu.memref_squeeze %dma_start3A_22 : memref<1x64x128xf32, #tpu.memory_space<vmem>> -> memref<64x128xf32, #tpu.memory_space<vmem>>
    %dma_start3A_24 = arith.constant 0 : i32
    %dma_start3A_25 = tpu.memref_slice %arg6[%dma_start3A_17, %dma_start3A_24] : memref<64x64xi32, #tpu.memory_space<vmem>> -> memref<1x64xi32, #tpu.memory_space<vmem>>
    %dma_start3A_26 = tpu.memref_squeeze %dma_start3A_25 : memref<1x64xi32, #tpu.memory_space<vmem>> -> memref<64xi32, #tpu.memory_space<vmem>>
    %dma_start3A_27 = arith.constant 0 : i32
    %dma_start3A_28 = arith.constant 0 : i32
    %dma_start3A_29 = tpu.memref_slice %arg3[%dma_start3A_27, %dma_start3A_28] : memref<800000x128xf32, #tpu.memory_space<hbm>> -> memref<800000x128xf32, #tpu.memory_space<hbm>>
    %dma_start3A_30 = tpu.memref_slice %arg11[%dma_start3A_19] : memref<3x!tpu.dma_semaphore, #tpu.memory_space<semaphore_mem>> -> memref<1x!tpu.dma_semaphore, #tpu.memory_space<semaphore_mem>>
    %dma_start3A_31 = tpu.memref_squeeze %dma_start3A_30 : memref<1x!tpu.dma_semaphore, #tpu.memory_space<semaphore_mem>> -> memref<!tpu.dma_semaphore, #tpu.memory_space<semaphore_mem>>
    tpu.enqueue_indirect_dma source(%dma_start3A_29 : memref<800000x128xf32, #tpu.memory_space<hbm>>) target(%dma_start3A_23 : memref<64x128xf32, #tpu.memory_space<vmem>>) offsets(%dma_start3A_26 : memref<64xi32, #tpu.memory_space<vmem>>) semaphore(%dma_start3A_31 : memref<!tpu.dma_semaphore, #tpu.memory_space<semaphore_mem>>)
    %dma_start3A_32 = arith.constant 1 : i32
    %dma_start3A_33 = arith.constant 1 : i32
    %dma_start3A_34 = arith.constant 1 : i32
    %dma_start3A_35 = arith.constant 0 : i32
    %dma_start3A_36 = arith.constant 0 : i32
    %dma_start3A_37 = tpu.memref_slice %arg8[%dma_start3A_33, %dma_start3A_35, %dma_start3A_36] : memref<3x64x128xf32, #tpu.memory_space<vmem>> -> memref<1x64x128xf32, #tpu.memory_space<vmem>>
    %dma_start3A_38 = tpu.memref_squeeze %dma_start3A_37 : memref<1x64x128xf32, #tpu.memory_space<vmem>> -> memref<64x128xf32, #tpu.memory_space<vmem>>
    %dma_start3A_39 = arith.constant 0 : i32
    %dma_start3A_40 = tpu.memref_slice %arg6[%dma_start3A_32, %dma_start3A_39] : memref<64x64xi32, #tpu.memory_space<vmem>> -> memref<1x64xi32, #tpu.memory_space<vmem>>
    %dma_start3A_41 = tpu.memref_squeeze %dma_start3A_40 : memref<1x64xi32, #tpu.memory_space<vmem>> -> memref<64xi32, #tpu.memory_space<vmem>>
    %dma_start3A_42 = arith.constant 0 : i32
    %dma_start3A_43 = arith.constant 0 : i32
    %dma_start3A_44 = tpu.memref_slice %arg2[%dma_start3A_42, %dma_start3A_43] : memref<800000x128xf32, #tpu.memory_space<hbm>> -> memref<800000x128xf32, #tpu.memory_space<hbm>>
    %dma_start3A_45 = tpu.memref_slice %arg10[%dma_start3A_34] : memref<3x!tpu.dma_semaphore, #tpu.memory_space<semaphore_mem>> -> memref<1x!tpu.dma_semaphore, #tpu.memory_space<semaphore_mem>>
    %dma_start3A_46 = tpu.memref_squeeze %dma_start3A_45 : memref<1x!tpu.dma_semaphore, #tpu.memory_space<semaphore_mem>> -> memref<!tpu.dma_semaphore, #tpu.memory_space<semaphore_mem>>
    tpu.enqueue_indirect_dma source(%dma_start3A_44 : memref<800000x128xf32, #tpu.memory_space<hbm>>) target(%dma_start3A_38 : memref<64x128xf32, #tpu.memory_space<vmem>>) offsets(%dma_start3A_41 : memref<64xi32, #tpu.memory_space<vmem>>) semaphore(%dma_start3A_46 : memref<!tpu.dma_semaphore, #tpu.memory_space<semaphore_mem>>)
    %dma_start3A_47 = arith.constant 1 : i32
    %dma_start3A_48 = arith.constant 1 : i32
    %dma_start3A_49 = arith.constant 1 : i32
    %dma_start3A_50 = arith.constant 0 : i32
    %dma_start3A_51 = arith.constant 0 : i32
    %dma_start3A_52 = tpu.memref_slice %arg7[%dma_start3A_48, %dma_start3A_50, %dma_start3A_51] : memref<3x64x128xf32, #tpu.memory_space<vmem>> -> memref<1x64x128xf32, #tpu.memory_space<vmem>>
    %dma_start3A_53 = tpu.memref_squeeze %dma_start3A_52 : memref<1x64x128xf32, #tpu.memory_space<vmem>> -> memref<64x128xf32, #tpu.memory_space<vmem>>
    %dma_start3A_54 = arith.constant 0 : i32
    %dma_start3A_55 = tpu.memref_slice %arg6[%dma_start3A_47, %dma_start3A_54] : memref<64x64xi32, #tpu.memory_space<vmem>> -> memref<1x64xi32, #tpu.memory_space<vmem>>
    %dma_start3A_56 = tpu.memref_squeeze %dma_start3A_55 : memref<1x64xi32, #tpu.memory_space<vmem>> -> memref<64xi32, #tpu.memory_space<vmem>>
    %dma_start3A_57 = arith.constant 0 : i32
    %dma_start3A_58 = arith.constant 0 : i32
    %dma_start3A_59 = tpu.memref_slice %arg3[%dma_start3A_57, %dma_start3A_58] : memref<800000x128xf32, #tpu.memory_space<hbm>> -> memref<800000x128xf32, #tpu.memory_space<hbm>>
    %dma_start3A_60 = tpu.memref_slice %arg11[%dma_start3A_49] : memref<3x!tpu.dma_semaphore, #tpu.memory_space<semaphore_mem>> -> memref<1x!tpu.dma_semaphore, #tpu.memory_space<semaphore_mem>>
    %dma_start3A_61 = tpu.memref_squeeze %dma_start3A_60 : memref<1x!tpu.dma_semaphore, #tpu.memory_space<semaphore_mem>> -> memref<!tpu.dma_semaphore, #tpu.memory_space<semaphore_mem>>
    tpu.enqueue_indirect_dma source(%dma_start3A_59 : memref<800000x128xf32, #tpu.memory_space<hbm>>) target(%dma_start3A_53 : memref<64x128xf32, #tpu.memory_space<vmem>>) offsets(%dma_start3A_56 : memref<64xi32, #tpu.memory_space<vmem>>) semaphore(%dma_start3A_61 : memref<!tpu.dma_semaphore, #tpu.memory_space<semaphore_mem>>)
    "tpu.region"() ({
      %run_scoped3A = tpu.sem_alloc : memref<!tpu.dma_semaphore, #tpu.memory_space<semaphore_mem>>
      %dma_start3A_135 = arith.constant 8 : i32
      %dma_start3A_136 = arith.constant 0 : i32
      %dma_start3A_137 = tpu.memref_slice %arg6[%dma_start3A_135, %dma_start3A_136] : memref<64x64xi32, #tpu.memory_space<vmem>> -> memref<56x64xi32, #tpu.memory_space<vmem>>
      %dma_start3A_138 = arith.constant 8 : i32
      %dma_start3A_139 = arith.constant 0 : i32
      %dma_start3A_140 = tpu.memref_slice %arg4[%add3A, %dma_start3A_138, %dma_start3A_139] : memref<32x64x64xi32, #tpu.memory_space<hbm>> -> memref<1x56x64xi32, #tpu.memory_space<hbm>>
      %dma_start3A_141 = tpu.memref_squeeze %dma_start3A_140 : memref<1x56x64xi32, #tpu.memory_space<hbm>> -> memref<56x64xi32, #tpu.memory_space<hbm>>
      %dma_start3A_142 = arith.constant 8 : i32
      %dma_start3A_143 = arith.constant 0 : i32
      %dma_start3A_144 = tpu.memref_slice %arg6[%dma_start3A_142, %dma_start3A_143] : memref<64x64xi32, #tpu.memory_space<vmem>> -> memref<56x64xi32, #tpu.memory_space<vmem>>
      %dma_start3A_145 = arith.constant 8 : i32
      %dma_start3A_146 = arith.constant 0 : i32
      %dma_start3A_147 = tpu.memref_slice %arg4[%add3A, %dma_start3A_145, %dma_start3A_146] : memref<32x64x64xi32, #tpu.memory_space<hbm>> -> memref<1x56x64xi32, #tpu.memory_space<hbm>>
      %dma_start3A_148 = tpu.memref_squeeze %dma_start3A_147 : memref<1x56x64xi32, #tpu.memory_space<hbm>> -> memref<56x64xi32, #tpu.memory_space<hbm>>
      tpu.enqueue_dma source(%dma_start3A_148 : memref<56x64xi32, #tpu.memory_space<hbm>>) target(%dma_start3A_144 : memref<56x64xi32, #tpu.memory_space<vmem>>) target_semaphore(%run_scoped3A : memref<!tpu.dma_semaphore, #tpu.memory_space<semaphore_mem>>)
      %dma_wait3A_149 = arith.constant 8 : i32
      %dma_wait3A_150 = arith.constant 0 : i32
      %dma_wait3A_151 = tpu.memref_slice %arg6[%dma_wait3A_149, %dma_wait3A_150] : memref<64x64xi32, #tpu.memory_space<vmem>> -> memref<56x64xi32, #tpu.memory_space<vmem>>
      %dma_wait3A_152 = arith.constant 8 : i32
      %dma_wait3A_153 = arith.constant 0 : i32
      %dma_wait3A_154 = tpu.memref_slice %arg4[%add3A, %dma_wait3A_152, %dma_wait3A_153] : memref<32x64x64xi32, #tpu.memory_space<hbm>> -> memref<1x56x64xi32, #tpu.memory_space<hbm>>
      %dma_wait3A_155 = tpu.memref_squeeze %dma_wait3A_154 : memref<1x56x64xi32, #tpu.memory_space<hbm>> -> memref<56x64xi32, #tpu.memory_space<hbm>>
      %dma_wait3A_156 = arith.constant 8 : i32
      %dma_wait3A_157 = arith.constant 0 : i32
      %dma_wait3A_158 = tpu.memref_slice %arg6[%dma_wait3A_156, %dma_wait3A_157] : memref<64x64xi32, #tpu.memory_space<vmem>> -> memref<56x64xi32, #tpu.memory_space<vmem>>
      %dma_wait3A_159 = arith.constant 8 : i32
      %dma_wait3A_160 = arith.constant 0 : i32
      %dma_wait3A_161 = tpu.memref_slice %arg4[%add3A, %dma_wait3A_159, %dma_wait3A_160] : memref<32x64x64xi32, #tpu.memory_space<hbm>> -> memref<1x56x64xi32, #tpu.memory_space<hbm>>
      %dma_wait3A_162 = tpu.memref_squeeze %dma_wait3A_161 : memref<1x56x64xi32, #tpu.memory_space<hbm>> -> memref<56x64xi32, #tpu.memory_space<hbm>>
      tpu.wait_dma2 semaphore(%run_scoped3A : memref<!tpu.dma_semaphore, #tpu.memory_space<semaphore_mem>>) src(%dma_wait3A_162 : memref<56x64xi32, #tpu.memory_space<hbm>>) dst(%dma_wait3A_158 : memref<56x64xi32, #tpu.memory_space<vmem>>)
      tpu.yield
    }) : () -> ()
    %scan3A = arith.constant 0 : i32
    %scan3A_62 = arith.constant 0 : i32
    %scan3A_63 = arith.constant 64 : i32
    %scan3A_64 = arith.addi %scan3A_62, %scan3A_63 : i32
    %scan3A_65 = arith.constant 1 : i32
    scf.for %scan3A_135 = %scan3A_62 to %scan3A_64 step %scan3A_65  : i32 {
      %add3A_136 = arith.constant 3 : i32
      %add3A_137 = arith.addi %scan3A_135, %add3A_136 : i32
      %sub3A = arith.constant 1 : i32
      %sub3A_138 = arith.subi %add3A_137, %sub3A : i32
      %jit3A = arith.constant 3 : i32
      %eq3A = arith.constant 0 : i32
      %eq3A_139 = arith.cmpi eq, %jit3A, %eq3A : i32
      %jit3A_140 = arith.constant 1 : i32
      %select_n3A = arith.select %eq3A_139, %jit3A_140, %jit3A : i32
      %rem3A = arith.remsi %scan3A_135, %select_n3A : i32
      %ne3A = arith.constant 0 : i32
      %ne3A_141 = arith.cmpi ne, %rem3A, %ne3A : i32
      %lt3A = arith.constant 0 : i32
      %lt3A_142 = arith.cmpi slt, %rem3A, %lt3A : i32
      %lt3A_143 = arith.constant 0 : i32
      %lt3A_144 = arith.cmpi slt, %select_n3A, %lt3A_143 : i32
      %ne3A_145 = arith.xori %lt3A_142, %lt3A_144 : i1
      %and3A = arith.andi %ne3A_145, %ne3A_141 : i1
      %add3A_146 = arith.addi %rem3A, %select_n3A : i32
      %select_n3A_147 = arith.select %and3A, %add3A_146, %rem3A : i32
      %eq3A_148 = arith.constant 0 : i32
      %eq3A_149 = arith.cmpi eq, %select_n3A_147, %eq3A_148 : i32
      %convert_element_type3A = arith.extui %eq3A_149 : i1 to i32
      %cond3A = arith.constant 0 : i32
      %cond3A_150 = arith.cmpi ne, %convert_element_type3A, %cond3A : i32
      scf.if %cond3A_150 {
        %dma_wait3A_270 = arith.constant 0 : i32
        %dma_wait3A_271 = arith.constant 0 : i32
        %dma_wait3A_272 = arith.constant 0 : i32
        %dma_wait3A_273 = arith.constant 0 : i32
        %dma_wait3A_274 = tpu.memref_slice %arg8[%dma_wait3A_270, %dma_wait3A_272, %dma_wait3A_273] : memref<3x64x128xf32, #tpu.memory_space<vmem>> -> memref<1x64x128xf32, #tpu.memory_space<vmem>>
        %dma_wait3A_275 = tpu.memref_squeeze %dma_wait3A_274 : memref<1x64x128xf32, #tpu.memory_space<vmem>> -> memref<64x128xf32, #tpu.memory_space<vmem>>
        %dma_wait3A_276 = arith.constant 0 : i32
        %dma_wait3A_277 = tpu.memref_slice %arg6[%scan3A_135, %dma_wait3A_276] : memref<64x64xi32, #tpu.memory_space<vmem>> -> memref<1x64xi32, #tpu.memory_space<vmem>>
        %dma_wait3A_278 = tpu.memref_squeeze %dma_wait3A_277 : memref<1x64xi32, #tpu.memory_space<vmem>> -> memref<64xi32, #tpu.memory_space<vmem>>
        %dma_wait3A_279 = arith.constant 0 : i32
        %dma_wait3A_280 = arith.constant 0 : i32
        %dma_wait3A_281 = tpu.memref_slice %arg2[%dma_wait3A_279, %dma_wait3A_280] : memref<800000x128xf32, #tpu.memory_space<hbm>> -> memref<800000x128xf32, #tpu.memory_space<hbm>>
        %dma_wait3A_282 = tpu.memref_slice %arg10[%dma_wait3A_271] : memref<3x!tpu.dma_semaphore, #tpu.memory_space<semaphore_mem>> -> memref<1x!tpu.dma_semaphore, #tpu.memory_space<semaphore_mem>>
        %dma_wait3A_283 = tpu.memref_squeeze %dma_wait3A_282 : memref<1x!tpu.dma_semaphore, #tpu.memory_space<semaphore_mem>> -> memref<!tpu.dma_semaphore, #tpu.memory_space<semaphore_mem>>
        tpu.wait_indirect_dma semaphore(%dma_wait3A_283 : memref<!tpu.dma_semaphore, #tpu.memory_space<semaphore_mem>>) src(%dma_wait3A_281 : memref<800000x128xf32, #tpu.memory_space<hbm>>) dst(%dma_wait3A_275 : memref<64x128xf32, #tpu.memory_space<vmem>>)
        %dma_wait3A_284 = arith.constant 0 : i32
        %dma_wait3A_285 = arith.constant 0 : i32
        %dma_wait3A_286 = arith.constant 0 : i32
        %dma_wait3A_287 = arith.constant 0 : i32
        %dma_wait3A_288 = tpu.memref_slice %arg7[%dma_wait3A_284, %dma_wait3A_286, %dma_wait3A_287] : memref<3x64x128xf32, #tpu.memory_space<vmem>> -> memref<1x64x128xf32, #tpu.memory_space<vmem>>
        %dma_wait3A_289 = tpu.memref_squeeze %dma_wait3A_288 : memref<1x64x128xf32, #tpu.memory_space<vmem>> -> memref<64x128xf32, #tpu.memory_space<vmem>>
        %dma_wait3A_290 = arith.constant 0 : i32
        %dma_wait3A_291 = tpu.memref_slice %arg6[%scan3A_135, %dma_wait3A_290] : memref<64x64xi32, #tpu.memory_space<vmem>> -> memref<1x64xi32, #tpu.memory_space<vmem>>
        %dma_wait3A_292 = tpu.memref_squeeze %dma_wait3A_291 : memref<1x64xi32, #tpu.memory_space<vmem>> -> memref<64xi32, #tpu.memory_space<vmem>>
        %dma_wait3A_293 = arith.constant 0 : i32
        %dma_wait3A_294 = arith.constant 0 : i32
        %dma_wait3A_295 = tpu.memref_slice %arg3[%dma_wait3A_293, %dma_wait3A_294] : memref<800000x128xf32, #tpu.memory_space<hbm>> -> memref<800000x128xf32, #tpu.memory_space<hbm>>
        %dma_wait3A_296 = tpu.memref_slice %arg11[%dma_wait3A_285] : memref<3x!tpu.dma_semaphore, #tpu.memory_space<semaphore_mem>> -> memref<1x!tpu.dma_semaphore, #tpu.memory_space<semaphore_mem>>
        %dma_wait3A_297 = tpu.memref_squeeze %dma_wait3A_296 : memref<1x!tpu.dma_semaphore, #tpu.memory_space<semaphore_mem>> -> memref<!tpu.dma_semaphore, #tpu.memory_space<semaphore_mem>>
        tpu.wait_indirect_dma semaphore(%dma_wait3A_297 : memref<!tpu.dma_semaphore, #tpu.memory_space<semaphore_mem>>) src(%dma_wait3A_295 : memref<800000x128xf32, #tpu.memory_space<hbm>>) dst(%dma_wait3A_289 : memref<64x128xf32, #tpu.memory_space<vmem>>)
      } else {
      }
      %jit3A_151 = arith.constant 3 : i32
      %eq3A_152 = arith.constant 0 : i32
      %eq3A_153 = arith.cmpi eq, %jit3A_151, %eq3A_152 : i32
      %jit3A_154 = arith.constant 1 : i32
      %select_n3A_155 = arith.select %eq3A_153, %jit3A_154, %jit3A_151 : i32
      %rem3A_156 = arith.remsi %scan3A_135, %select_n3A_155 : i32
      %ne3A_157 = arith.constant 0 : i32
      %ne3A_158 = arith.cmpi ne, %rem3A_156, %ne3A_157 : i32
      %lt3A_159 = arith.constant 0 : i32
      %lt3A_160 = arith.cmpi slt, %rem3A_156, %lt3A_159 : i32
      %lt3A_161 = arith.constant 0 : i32
      %lt3A_162 = arith.cmpi slt, %select_n3A_155, %lt3A_161 : i32
      %ne3A_163 = arith.xori %lt3A_160, %lt3A_162 : i1
      %and3A_164 = arith.andi %ne3A_163, %ne3A_158 : i1
      %add3A_165 = arith.addi %rem3A_156, %select_n3A_155 : i32
      %select_n3A_166 = arith.select %and3A_164, %add3A_165, %rem3A_156 : i32
      %eq3A_167 = arith.constant 1 : i32
      %eq3A_168 = arith.cmpi eq, %select_n3A_166, %eq3A_167 : i32
      %convert_element_type3A_169 = arith.extui %eq3A_168 : i1 to i32
      %cond3A_170 = arith.constant 0 : i32
      %cond3A_171 = arith.cmpi ne, %convert_element_type3A_169, %cond3A_170 : i32
      scf.if %cond3A_171 {
        %dma_wait3A_270 = arith.constant 1 : i32
        %dma_wait3A_271 = arith.constant 1 : i32
        %dma_wait3A_272 = arith.constant 0 : i32
        %dma_wait3A_273 = arith.constant 0 : i32
        %dma_wait3A_274 = tpu.memref_slice %arg8[%dma_wait3A_270, %dma_wait3A_272, %dma_wait3A_273] : memref<3x64x128xf32, #tpu.memory_space<vmem>> -> memref<1x64x128xf32, #tpu.memory_space<vmem>>
        %dma_wait3A_275 = tpu.memref_squeeze %dma_wait3A_274 : memref<1x64x128xf32, #tpu.memory_space<vmem>> -> memref<64x128xf32, #tpu.memory_space<vmem>>
        %dma_wait3A_276 = arith.constant 0 : i32
        %dma_wait3A_277 = tpu.memref_slice %arg6[%scan3A_135, %dma_wait3A_276] : memref<64x64xi32, #tpu.memory_space<vmem>> -> memref<1x64xi32, #tpu.memory_space<vmem>>
        %dma_wait3A_278 = tpu.memref_squeeze %dma_wait3A_277 : memref<1x64xi32, #tpu.memory_space<vmem>> -> memref<64xi32, #tpu.memory_space<vmem>>
        %dma_wait3A_279 = arith.constant 0 : i32
        %dma_wait3A_280 = arith.constant 0 : i32
        %dma_wait3A_281 = tpu.memref_slice %arg2[%dma_wait3A_279, %dma_wait3A_280] : memref<800000x128xf32, #tpu.memory_space<hbm>> -> memref<800000x128xf32, #tpu.memory_space<hbm>>
        %dma_wait3A_282 = tpu.memref_slice %arg10[%dma_wait3A_271] : memref<3x!tpu.dma_semaphore, #tpu.memory_space<semaphore_mem>> -> memref<1x!tpu.dma_semaphore, #tpu.memory_space<semaphore_mem>>
        %dma_wait3A_283 = tpu.memref_squeeze %dma_wait3A_282 : memref<1x!tpu.dma_semaphore, #tpu.memory_space<semaphore_mem>> -> memref<!tpu.dma_semaphore, #tpu.memory_space<semaphore_mem>>
        tpu.wait_indirect_dma semaphore(%dma_wait3A_283 : memref<!tpu.dma_semaphore, #tpu.memory_space<semaphore_mem>>) src(%dma_wait3A_281 : memref<800000x128xf32, #tpu.memory_space<hbm>>) dst(%dma_wait3A_275 : memref<64x128xf32, #tpu.memory_space<vmem>>)
        %dma_wait3A_284 = arith.constant 1 : i32
        %dma_wait3A_285 = arith.constant 1 : i32
        %dma_wait3A_286 = arith.constant 0 : i32
        %dma_wait3A_287 = arith.constant 0 : i32
        %dma_wait3A_288 = tpu.memref_slice %arg7[%dma_wait3A_284, %dma_wait3A_286, %dma_wait3A_287] : memref<3x64x128xf32, #tpu.memory_space<vmem>> -> memref<1x64x128xf32, #tpu.memory_space<vmem>>
        %dma_wait3A_289 = tpu.memref_squeeze %dma_wait3A_288 : memref<1x64x128xf32, #tpu.memory_space<vmem>> -> memref<64x128xf32, #tpu.memory_space<vmem>>
        %dma_wait3A_290 = arith.constant 0 : i32
        %dma_wait3A_291 = tpu.memref_slice %arg6[%scan3A_135, %dma_wait3A_290] : memref<64x64xi32, #tpu.memory_space<vmem>> -> memref<1x64xi32, #tpu.memory_space<vmem>>
        %dma_wait3A_292 = tpu.memref_squeeze %dma_wait3A_291 : memref<1x64xi32, #tpu.memory_space<vmem>> -> memref<64xi32, #tpu.memory_space<vmem>>
        %dma_wait3A_293 = arith.constant 0 : i32
        %dma_wait3A_294 = arith.constant 0 : i32
        %dma_wait3A_295 = tpu.memref_slice %arg3[%dma_wait3A_293, %dma_wait3A_294] : memref<800000x128xf32, #tpu.memory_space<hbm>> -> memref<800000x128xf32, #tpu.memory_space<hbm>>
        %dma_wait3A_296 = tpu.memref_slice %arg11[%dma_wait3A_285] : memref<3x!tpu.dma_semaphore, #tpu.memory_space<semaphore_mem>> -> memref<1x!tpu.dma_semaphore, #tpu.memory_space<semaphore_mem>>
        %dma_wait3A_297 = tpu.memref_squeeze %dma_wait3A_296 : memref<1x!tpu.dma_semaphore, #tpu.memory_space<semaphore_mem>> -> memref<!tpu.dma_semaphore, #tpu.memory_space<semaphore_mem>>
        tpu.wait_indirect_dma semaphore(%dma_wait3A_297 : memref<!tpu.dma_semaphore, #tpu.memory_space<semaphore_mem>>) src(%dma_wait3A_295 : memref<800000x128xf32, #tpu.memory_space<hbm>>) dst(%dma_wait3A_289 : memref<64x128xf32, #tpu.memory_space<vmem>>)
      } else {
      }
      %jit3A_172 = arith.constant 3 : i32
      %eq3A_173 = arith.constant 0 : i32
      %eq3A_174 = arith.cmpi eq, %jit3A_172, %eq3A_173 : i32
      %jit3A_175 = arith.constant 1 : i32
      %select_n3A_176 = arith.select %eq3A_174, %jit3A_175, %jit3A_172 : i32
      %rem3A_177 = arith.remsi %scan3A_135, %select_n3A_176 : i32
      %ne3A_178 = arith.constant 0 : i32
      %ne3A_179 = arith.cmpi ne, %rem3A_177, %ne3A_178 : i32
      %lt3A_180 = arith.constant 0 : i32
      %lt3A_181 = arith.cmpi slt, %rem3A_177, %lt3A_180 : i32
      %lt3A_182 = arith.constant 0 : i32
      %lt3A_183 = arith.cmpi slt, %select_n3A_176, %lt3A_182 : i32
      %ne3A_184 = arith.xori %lt3A_181, %lt3A_183 : i1
      %and3A_185 = arith.andi %ne3A_184, %ne3A_179 : i1
      %add3A_186 = arith.addi %rem3A_177, %select_n3A_176 : i32
      %select_n3A_187 = arith.select %and3A_185, %add3A_186, %rem3A_177 : i32
      %eq3A_188 = arith.constant 2 : i32
      %eq3A_189 = arith.cmpi eq, %select_n3A_187, %eq3A_188 : i32
      %convert_element_type3A_190 = arith.extui %eq3A_189 : i1 to i32
      %cond3A_191 = arith.constant 0 : i32
      %cond3A_192 = arith.cmpi ne, %convert_element_type3A_190, %cond3A_191 : i32
      scf.if %cond3A_192 {
        %dma_wait3A_270 = arith.constant 2 : i32
        %dma_wait3A_271 = arith.constant 2 : i32
        %dma_wait3A_272 = arith.constant 0 : i32
        %dma_wait3A_273 = arith.constant 0 : i32
        %dma_wait3A_274 = tpu.memref_slice %arg8[%dma_wait3A_270, %dma_wait3A_272, %dma_wait3A_273] : memref<3x64x128xf32, #tpu.memory_space<vmem>> -> memref<1x64x128xf32, #tpu.memory_space<vmem>>
        %dma_wait3A_275 = tpu.memref_squeeze %dma_wait3A_274 : memref<1x64x128xf32, #tpu.memory_space<vmem>> -> memref<64x128xf32, #tpu.memory_space<vmem>>
        %dma_wait3A_276 = arith.constant 0 : i32
        %dma_wait3A_277 = tpu.memref_slice %arg6[%scan3A_135, %dma_wait3A_276] : memref<64x64xi32, #tpu.memory_space<vmem>> -> memref<1x64xi32, #tpu.memory_space<vmem>>
        %dma_wait3A_278 = tpu.memref_squeeze %dma_wait3A_277 : memref<1x64xi32, #tpu.memory_space<vmem>> -> memref<64xi32, #tpu.memory_space<vmem>>
        %dma_wait3A_279 = arith.constant 0 : i32
        %dma_wait3A_280 = arith.constant 0 : i32
        %dma_wait3A_281 = tpu.memref_slice %arg2[%dma_wait3A_279, %dma_wait3A_280] : memref<800000x128xf32, #tpu.memory_space<hbm>> -> memref<800000x128xf32, #tpu.memory_space<hbm>>
        %dma_wait3A_282 = tpu.memref_slice %arg10[%dma_wait3A_271] : memref<3x!tpu.dma_semaphore, #tpu.memory_space<semaphore_mem>> -> memref<1x!tpu.dma_semaphore, #tpu.memory_space<semaphore_mem>>
        %dma_wait3A_283 = tpu.memref_squeeze %dma_wait3A_282 : memref<1x!tpu.dma_semaphore, #tpu.memory_space<semaphore_mem>> -> memref<!tpu.dma_semaphore, #tpu.memory_space<semaphore_mem>>
        tpu.wait_indirect_dma semaphore(%dma_wait3A_283 : memref<!tpu.dma_semaphore, #tpu.memory_space<semaphore_mem>>) src(%dma_wait3A_281 : memref<800000x128xf32, #tpu.memory_space<hbm>>) dst(%dma_wait3A_275 : memref<64x128xf32, #tpu.memory_space<vmem>>)
        %dma_wait3A_284 = arith.constant 2 : i32
        %dma_wait3A_285 = arith.constant 2 : i32
        %dma_wait3A_286 = arith.constant 0 : i32
        %dma_wait3A_287 = arith.constant 0 : i32
        %dma_wait3A_288 = tpu.memref_slice %arg7[%dma_wait3A_284, %dma_wait3A_286, %dma_wait3A_287] : memref<3x64x128xf32, #tpu.memory_space<vmem>> -> memref<1x64x128xf32, #tpu.memory_space<vmem>>
        %dma_wait3A_289 = tpu.memref_squeeze %dma_wait3A_288 : memref<1x64x128xf32, #tpu.memory_space<vmem>> -> memref<64x128xf32, #tpu.memory_space<vmem>>
        %dma_wait3A_290 = arith.constant 0 : i32
        %dma_wait3A_291 = tpu.memref_slice %arg6[%scan3A_135, %dma_wait3A_290] : memref<64x64xi32, #tpu.memory_space<vmem>> -> memref<1x64xi32, #tpu.memory_space<vmem>>
        %dma_wait3A_292 = tpu.memref_squeeze %dma_wait3A_291 : memref<1x64xi32, #tpu.memory_space<vmem>> -> memref<64xi32, #tpu.memory_space<vmem>>
        %dma_wait3A_293 = arith.constant 0 : i32
        %dma_wait3A_294 = arith.constant 0 : i32
        %dma_wait3A_295 = tpu.memref_slice %arg3[%dma_wait3A_293, %dma_wait3A_294] : memref<800000x128xf32, #tpu.memory_space<hbm>> -> memref<800000x128xf32, #tpu.memory_space<hbm>>
        %dma_wait3A_296 = tpu.memref_slice %arg11[%dma_wait3A_285] : memref<3x!tpu.dma_semaphore, #tpu.memory_space<semaphore_mem>> -> memref<1x!tpu.dma_semaphore, #tpu.memory_space<semaphore_mem>>
        %dma_wait3A_297 = tpu.memref_squeeze %dma_wait3A_296 : memref<1x!tpu.dma_semaphore, #tpu.memory_space<semaphore_mem>> -> memref<!tpu.dma_semaphore, #tpu.memory_space<semaphore_mem>>
        tpu.wait_indirect_dma semaphore(%dma_wait3A_297 : memref<!tpu.dma_semaphore, #tpu.memory_space<semaphore_mem>>) src(%dma_wait3A_295 : memref<800000x128xf32, #tpu.memory_space<hbm>>) dst(%dma_wait3A_289 : memref<64x128xf32, #tpu.memory_space<vmem>>)
      } else {
      }
      %ge3A = arith.constant 1 : i32
      %ge3A_193 = arith.cmpi sge, %scan3A_135, %ge3A : i32
      %convert_element_type3A_194 = arith.extui %ge3A_193 : i1 to i32
      %cond3A_195 = arith.constant 0 : i32
      %cond3A_196 = arith.cmpi ne, %convert_element_type3A_194, %cond3A_195 : i32
      scf.if %cond3A_196 {
        %sub3A_270 = arith.constant 1 : i32
        %sub3A_271 = arith.subi %scan3A_135, %sub3A_270 : i32
        %jit3A_272 = arith.constant 3 : i32
        %eq3A_273 = arith.constant 0 : i32
        %eq3A_274 = arith.cmpi eq, %jit3A_272, %eq3A_273 : i32
        %jit3A_275 = arith.constant 1 : i32
        %select_n3A_276 = arith.select %eq3A_274, %jit3A_275, %jit3A_272 : i32
        %rem3A_277 = arith.remsi %sub3A_271, %select_n3A_276 : i32
        %ne3A_278 = arith.constant 0 : i32
        %ne3A_279 = arith.cmpi ne, %rem3A_277, %ne3A_278 : i32
        %lt3A_280 = arith.constant 0 : i32
        %lt3A_281 = arith.cmpi slt, %rem3A_277, %lt3A_280 : i32
        %lt3A_282 = arith.constant 0 : i32
        %lt3A_283 = arith.cmpi slt, %select_n3A_276, %lt3A_282 : i32
        %ne3A_284 = arith.xori %lt3A_281, %lt3A_283 : i1
        %and3A_285 = arith.andi %ne3A_284, %ne3A_279 : i1
        %add3A_286 = arith.addi %rem3A_277, %select_n3A_276 : i32
        %select_n3A_287 = arith.select %and3A_285, %add3A_286, %rem3A_277 : i32
        %eq3A_288 = arith.constant 0 : i32
        %eq3A_289 = arith.cmpi eq, %select_n3A_287, %eq3A_288 : i32
        %convert_element_type3A_290 = arith.extui %eq3A_289 : i1 to i32
        %cond3A_291 = arith.constant 0 : i32
        %cond3A_292 = arith.cmpi ne, %convert_element_type3A_290, %cond3A_291 : i32
        scf.if %cond3A_292 {
          %dma_wait3A_400 = arith.constant 0 : i32
          %dma_wait3A_401 = arith.constant 0 : i32
          %dma_wait3A_402 = arith.constant 0 : i32
          %dma_wait3A_403 = arith.constant 0 : i32
          %dma_wait3A_404 = arith.constant 0 : i32
          %dma_wait3A_405 = tpu.memref_slice %arg8[%dma_wait3A_400, %dma_wait3A_403, %dma_wait3A_404] : memref<3x64x128xf32, #tpu.memory_space<vmem>> -> memref<1x64x128xf32, #tpu.memory_space<vmem>>
          %dma_wait3A_406 = tpu.memref_squeeze %dma_wait3A_405 : memref<1x64x128xf32, #tpu.memory_space<vmem>> -> memref<64x128xf32, #tpu.memory_space<vmem>>
          %dma_wait3A_407 = arith.constant 0 : i32
          %dma_wait3A_408 = arith.constant 0 : i32
          %dma_wait3A_409 = tpu.memref_slice %arg9[%arg1, %dma_wait3A_401, %dma_wait3A_407, %dma_wait3A_408] : memref<16x3x64x128xf32, #tpu.memory_space<vmem_shared>> -> memref<1x1x64x128xf32, #tpu.memory_space<vmem_shared>>
          %dma_wait3A_410 = tpu.memref_squeeze %dma_wait3A_409 : memref<1x1x64x128xf32, #tpu.memory_space<vmem_shared>> -> memref<64x128xf32, #tpu.memory_space<vmem_shared>>
          %dma_wait3A_411 = tpu.memref_slice %arg12[%dma_wait3A_402] : memref<3x!tpu.dma_semaphore, #tpu.memory_space<semaphore_mem>> -> memref<1x!tpu.dma_semaphore, #tpu.memory_space<semaphore_mem>>
          %dma_wait3A_412 = tpu.memref_squeeze %dma_wait3A_411 : memref<1x!tpu.dma_semaphore, #tpu.memory_space<semaphore_mem>> -> memref<!tpu.dma_semaphore, #tpu.memory_space<semaphore_mem>>
          %dma_wait3A_413 = arith.constant 0 : i32
          %dma_wait3A_414 = arith.constant 0 : i32
          %dma_wait3A_415 = tpu.memref_slice %arg9[%arg1, %dma_wait3A_401, %dma_wait3A_413, %dma_wait3A_414] : memref<16x3x64x128xf32, #tpu.memory_space<vmem_shared>> -> memref<1x1x64x128xf32, #tpu.memory_space<vmem_shared>>
          %dma_wait3A_416 = tpu.memref_squeeze %dma_wait3A_415 : memref<1x1x64x128xf32, #tpu.memory_space<vmem_shared>> -> memref<64x128xf32, #tpu.memory_space<vmem_shared>>
          %dma_wait3A_417 = arith.constant 0 : i32
          %dma_wait3A_418 = arith.constant 0 : i32
          %dma_wait3A_419 = tpu.memref_slice %arg8[%dma_wait3A_400, %dma_wait3A_417, %dma_wait3A_418] : memref<3x64x128xf32, #tpu.memory_space<vmem>> -> memref<1x64x128xf32, #tpu.memory_space<vmem>>
          %dma_wait3A_420 = tpu.memref_squeeze %dma_wait3A_419 : memref<1x64x128xf32, #tpu.memory_space<vmem>> -> memref<64x128xf32, #tpu.memory_space<vmem>>
          tpu.wait_dma2 semaphore(%dma_wait3A_412 : memref<!tpu.dma_semaphore, #tpu.memory_space<semaphore_mem>>) src(%dma_wait3A_420 : memref<64x128xf32, #tpu.memory_space<vmem>>) dst(%dma_wait3A_416 : memref<64x128xf32, #tpu.memory_space<vmem_shared>>)
        } else {
        }
        %jit3A_293 = arith.constant 3 : i32
        %eq3A_294 = arith.constant 0 : i32
        %eq3A_295 = arith.cmpi eq, %jit3A_293, %eq3A_294 : i32
        %jit3A_296 = arith.constant 1 : i32
        %select_n3A_297 = arith.select %eq3A_295, %jit3A_296, %jit3A_293 : i32
        %rem3A_298 = arith.remsi %sub3A_271, %select_n3A_297 : i32
        %ne3A_299 = arith.constant 0 : i32
        %ne3A_300 = arith.cmpi ne, %rem3A_298, %ne3A_299 : i32
        %lt3A_301 = arith.constant 0 : i32
        %lt3A_302 = arith.cmpi slt, %rem3A_298, %lt3A_301 : i32
        %lt3A_303 = arith.constant 0 : i32
        %lt3A_304 = arith.cmpi slt, %select_n3A_297, %lt3A_303 : i32
        %ne3A_305 = arith.xori %lt3A_302, %lt3A_304 : i1
        %and3A_306 = arith.andi %ne3A_305, %ne3A_300 : i1
        %add3A_307 = arith.addi %rem3A_298, %select_n3A_297 : i32
        %select_n3A_308 = arith.select %and3A_306, %add3A_307, %rem3A_298 : i32
        %eq3A_309 = arith.constant 1 : i32
        %eq3A_310 = arith.cmpi eq, %select_n3A_308, %eq3A_309 : i32
        %convert_element_type3A_311 = arith.extui %eq3A_310 : i1 to i32
        %cond3A_312 = arith.constant 0 : i32
        %cond3A_313 = arith.cmpi ne, %convert_element_type3A_311, %cond3A_312 : i32
        scf.if %cond3A_313 {
          %dma_wait3A_400 = arith.constant 1 : i32
          %dma_wait3A_401 = arith.constant 1 : i32
          %dma_wait3A_402 = arith.constant 1 : i32
          %dma_wait3A_403 = arith.constant 0 : i32
          %dma_wait3A_404 = arith.constant 0 : i32
          %dma_wait3A_405 = tpu.memref_slice %arg8[%dma_wait3A_400, %dma_wait3A_403, %dma_wait3A_404] : memref<3x64x128xf32, #tpu.memory_space<vmem>> -> memref<1x64x128xf32, #tpu.memory_space<vmem>>
          %dma_wait3A_406 = tpu.memref_squeeze %dma_wait3A_405 : memref<1x64x128xf32, #tpu.memory_space<vmem>> -> memref<64x128xf32, #tpu.memory_space<vmem>>
          %dma_wait3A_407 = arith.constant 0 : i32
          %dma_wait3A_408 = arith.constant 0 : i32
          %dma_wait3A_409 = tpu.memref_slice %arg9[%arg1, %dma_wait3A_401, %dma_wait3A_407, %dma_wait3A_408] : memref<16x3x64x128xf32, #tpu.memory_space<vmem_shared>> -> memref<1x1x64x128xf32, #tpu.memory_space<vmem_shared>>
          %dma_wait3A_410 = tpu.memref_squeeze %dma_wait3A_409 : memref<1x1x64x128xf32, #tpu.memory_space<vmem_shared>> -> memref<64x128xf32, #tpu.memory_space<vmem_shared>>
          %dma_wait3A_411 = tpu.memref_slice %arg12[%dma_wait3A_402] : memref<3x!tpu.dma_semaphore, #tpu.memory_space<semaphore_mem>> -> memref<1x!tpu.dma_semaphore, #tpu.memory_space<semaphore_mem>>
          %dma_wait3A_412 = tpu.memref_squeeze %dma_wait3A_411 : memref<1x!tpu.dma_semaphore, #tpu.memory_space<semaphore_mem>> -> memref<!tpu.dma_semaphore, #tpu.memory_space<semaphore_mem>>
          %dma_wait3A_413 = arith.constant 0 : i32
          %dma_wait3A_414 = arith.constant 0 : i32
          %dma_wait3A_415 = tpu.memref_slice %arg9[%arg1, %dma_wait3A_401, %dma_wait3A_413, %dma_wait3A_414] : memref<16x3x64x128xf32, #tpu.memory_space<vmem_shared>> -> memref<1x1x64x128xf32, #tpu.memory_space<vmem_shared>>
          %dma_wait3A_416 = tpu.memref_squeeze %dma_wait3A_415 : memref<1x1x64x128xf32, #tpu.memory_space<vmem_shared>> -> memref<64x128xf32, #tpu.memory_space<vmem_shared>>
          %dma_wait3A_417 = arith.constant 0 : i32
          %dma_wait3A_418 = arith.constant 0 : i32
          %dma_wait3A_419 = tpu.memref_slice %arg8[%dma_wait3A_400, %dma_wait3A_417, %dma_wait3A_418] : memref<3x64x128xf32, #tpu.memory_space<vmem>> -> memref<1x64x128xf32, #tpu.memory_space<vmem>>
          %dma_wait3A_420 = tpu.memref_squeeze %dma_wait3A_419 : memref<1x64x128xf32, #tpu.memory_space<vmem>> -> memref<64x128xf32, #tpu.memory_space<vmem>>
          tpu.wait_dma2 semaphore(%dma_wait3A_412 : memref<!tpu.dma_semaphore, #tpu.memory_space<semaphore_mem>>) src(%dma_wait3A_420 : memref<64x128xf32, #tpu.memory_space<vmem>>) dst(%dma_wait3A_416 : memref<64x128xf32, #tpu.memory_space<vmem_shared>>)
        } else {
        }
        %jit3A_314 = arith.constant 3 : i32
        %eq3A_315 = arith.constant 0 : i32
        %eq3A_316 = arith.cmpi eq, %jit3A_314, %eq3A_315 : i32
        %jit3A_317 = arith.constant 1 : i32
        %select_n3A_318 = arith.select %eq3A_316, %jit3A_317, %jit3A_314 : i32
        %rem3A_319 = arith.remsi %sub3A_271, %select_n3A_318 : i32
        %ne3A_320 = arith.constant 0 : i32
        %ne3A_321 = arith.cmpi ne, %rem3A_319, %ne3A_320 : i32
        %lt3A_322 = arith.constant 0 : i32
        %lt3A_323 = arith.cmpi slt, %rem3A_319, %lt3A_322 : i32
        %lt3A_324 = arith.constant 0 : i32
        %lt3A_325 = arith.cmpi slt, %select_n3A_318, %lt3A_324 : i32
        %ne3A_326 = arith.xori %lt3A_323, %lt3A_325 : i1
        %and3A_327 = arith.andi %ne3A_326, %ne3A_321 : i1
        %add3A_328 = arith.addi %rem3A_319, %select_n3A_318 : i32
        %select_n3A_329 = arith.select %and3A_327, %add3A_328, %rem3A_319 : i32
        %eq3A_330 = arith.constant 2 : i32
        %eq3A_331 = arith.cmpi eq, %select_n3A_329, %eq3A_330 : i32
        %convert_element_type3A_332 = arith.extui %eq3A_331 : i1 to i32
        %cond3A_333 = arith.constant 0 : i32
        %cond3A_334 = arith.cmpi ne, %convert_element_type3A_332, %cond3A_333 : i32
        scf.if %cond3A_334 {
          %dma_wait3A_400 = arith.constant 2 : i32
          %dma_wait3A_401 = arith.constant 2 : i32
          %dma_wait3A_402 = arith.constant 2 : i32
          %dma_wait3A_403 = arith.constant 0 : i32
          %dma_wait3A_404 = arith.constant 0 : i32
          %dma_wait3A_405 = tpu.memref_slice %arg8[%dma_wait3A_400, %dma_wait3A_403, %dma_wait3A_404] : memref<3x64x128xf32, #tpu.memory_space<vmem>> -> memref<1x64x128xf32, #tpu.memory_space<vmem>>
          %dma_wait3A_406 = tpu.memref_squeeze %dma_wait3A_405 : memref<1x64x128xf32, #tpu.memory_space<vmem>> -> memref<64x128xf32, #tpu.memory_space<vmem>>
          %dma_wait3A_407 = arith.constant 0 : i32
          %dma_wait3A_408 = arith.constant 0 : i32
          %dma_wait3A_409 = tpu.memref_slice %arg9[%arg1, %dma_wait3A_401, %dma_wait3A_407, %dma_wait3A_408] : memref<16x3x64x128xf32, #tpu.memory_space<vmem_shared>> -> memref<1x1x64x128xf32, #tpu.memory_space<vmem_shared>>
          %dma_wait3A_410 = tpu.memref_squeeze %dma_wait3A_409 : memref<1x1x64x128xf32, #tpu.memory_space<vmem_shared>> -> memref<64x128xf32, #tpu.memory_space<vmem_shared>>
          %dma_wait3A_411 = tpu.memref_slice %arg12[%dma_wait3A_402] : memref<3x!tpu.dma_semaphore, #tpu.memory_space<semaphore_mem>> -> memref<1x!tpu.dma_semaphore, #tpu.memory_space<semaphore_mem>>
          %dma_wait3A_412 = tpu.memref_squeeze %dma_wait3A_411 : memref<1x!tpu.dma_semaphore, #tpu.memory_space<semaphore_mem>> -> memref<!tpu.dma_semaphore, #tpu.memory_space<semaphore_mem>>
          %dma_wait3A_413 = arith.constant 0 : i32
          %dma_wait3A_414 = arith.constant 0 : i32
          %dma_wait3A_415 = tpu.memref_slice %arg9[%arg1, %dma_wait3A_401, %dma_wait3A_413, %dma_wait3A_414] : memref<16x3x64x128xf32, #tpu.memory_space<vmem_shared>> -> memref<1x1x64x128xf32, #tpu.memory_space<vmem_shared>>
          %dma_wait3A_416 = tpu.memref_squeeze %dma_wait3A_415 : memref<1x1x64x128xf32, #tpu.memory_space<vmem_shared>> -> memref<64x128xf32, #tpu.memory_space<vmem_shared>>
          %dma_wait3A_417 = arith.constant 0 : i32
          %dma_wait3A_418 = arith.constant 0 : i32
          %dma_wait3A_419 = tpu.memref_slice %arg8[%dma_wait3A_400, %dma_wait3A_417, %dma_wait3A_418] : memref<3x64x128xf32, #tpu.memory_space<vmem>> -> memref<1x64x128xf32, #tpu.memory_space<vmem>>
          %dma_wait3A_420 = tpu.memref_squeeze %dma_wait3A_419 : memref<1x64x128xf32, #tpu.memory_space<vmem>> -> memref<64x128xf32, #tpu.memory_space<vmem>>
          tpu.wait_dma2 semaphore(%dma_wait3A_412 : memref<!tpu.dma_semaphore, #tpu.memory_space<semaphore_mem>>) src(%dma_wait3A_420 : memref<64x128xf32, #tpu.memory_space<vmem>>) dst(%dma_wait3A_416 : memref<64x128xf32, #tpu.memory_space<vmem_shared>>)
        } else {
        }
        %sub3A_335 = arith.constant 1 : i32
        %sub3A_336 = arith.subi %scan3A_135, %sub3A_335 : i32
        %jit3A_337 = arith.constant 3 : i32
        %eq3A_338 = arith.constant 0 : i32
        %eq3A_339 = arith.cmpi eq, %jit3A_337, %eq3A_338 : i32
        %jit3A_340 = arith.constant 1 : i32
        %select_n3A_341 = arith.select %eq3A_339, %jit3A_340, %jit3A_337 : i32
        %rem3A_342 = arith.remsi %sub3A_336, %select_n3A_341 : i32
        %ne3A_343 = arith.constant 0 : i32
        %ne3A_344 = arith.cmpi ne, %rem3A_342, %ne3A_343 : i32
        %lt3A_345 = arith.constant 0 : i32
        %lt3A_346 = arith.cmpi slt, %rem3A_342, %lt3A_345 : i32
        %lt3A_347 = arith.constant 0 : i32
        %lt3A_348 = arith.cmpi slt, %select_n3A_341, %lt3A_347 : i32
        %ne3A_349 = arith.xori %lt3A_346, %lt3A_348 : i1
        %and3A_350 = arith.andi %ne3A_349, %ne3A_344 : i1
        %add3A_351 = arith.addi %rem3A_342, %select_n3A_341 : i32
        %select_n3A_352 = arith.select %and3A_350, %add3A_351, %rem3A_342 : i32
        %eq3A_353 = arith.constant 0 : i32
        %eq3A_354 = arith.cmpi eq, %select_n3A_352, %eq3A_353 : i32
        %convert_element_type3A_355 = arith.extui %eq3A_354 : i1 to i32
        %cond3A_356 = arith.constant 0 : i32
        %cond3A_357 = arith.cmpi ne, %convert_element_type3A_355, %cond3A_356 : i32
        scf.if %cond3A_357 {
          %mul3A_400 = arith.constant 64 : i32
          %mul3A_401 = arith.muli %sub3A_336, %mul3A_400 : i32
          %add3A_402 = arith.addi %mul3A_2, %mul3A_401 : i32
          %dma_start3A_403 = arith.constant 0 : i32
          %dma_start3A_404 = arith.constant 0 : i32
          %dma_start3A_405 = tpu.memref_slice %arg13[%dma_start3A_404] : memref<3x!tpu.dma_semaphore, #tpu.memory_space<semaphore_mem>> -> memref<1x!tpu.dma_semaphore, #tpu.memory_space<semaphore_mem>>
          %dma_start3A_406 = tpu.memref_squeeze %dma_start3A_405 : memref<1x!tpu.dma_semaphore, #tpu.memory_space<semaphore_mem>> -> memref<!tpu.dma_semaphore, #tpu.memory_space<semaphore_mem>>
          %dma_start3A_407 = arith.constant 0 : i32
          %dma_start3A_408 = tpu.memref_slice %arg5[%add3A_402, %dma_start3A_407] : memref<131072x128xf32, #tpu.memory_space<hbm>> -> memref<64x128xf32, #tpu.memory_space<hbm>>
          %dma_start3A_409 = arith.constant 0 : i32
          %dma_start3A_410 = arith.constant 0 : i32
          %dma_start3A_411 = tpu.memref_slice %arg9[%arg1, %dma_start3A_403, %dma_start3A_409, %dma_start3A_410] : memref<16x3x64x128xf32, #tpu.memory_space<vmem_shared>> -> memref<1x1x64x128xf32, #tpu.memory_space<vmem_shared>>
          %dma_start3A_412 = tpu.memref_squeeze %dma_start3A_411 : memref<1x1x64x128xf32, #tpu.memory_space<vmem_shared>> -> memref<64x128xf32, #tpu.memory_space<vmem_shared>>
          tpu.enqueue_dma source(%dma_start3A_412 : memref<64x128xf32, #tpu.memory_space<vmem_shared>>) target(%dma_start3A_408 : memref<64x128xf32, #tpu.memory_space<hbm>>) target_semaphore(%dma_start3A_406 : memref<!tpu.dma_semaphore, #tpu.memory_space<semaphore_mem>>)
        } else {
        }
        %jit3A_358 = arith.constant 3 : i32
        %eq3A_359 = arith.constant 0 : i32
        %eq3A_360 = arith.cmpi eq, %jit3A_358, %eq3A_359 : i32
        %jit3A_361 = arith.constant 1 : i32
        %select_n3A_362 = arith.select %eq3A_360, %jit3A_361, %jit3A_358 : i32
        %rem3A_363 = arith.remsi %sub3A_336, %select_n3A_362 : i32
        %ne3A_364 = arith.constant 0 : i32
        %ne3A_365 = arith.cmpi ne, %rem3A_363, %ne3A_364 : i32
        %lt3A_366 = arith.constant 0 : i32
        %lt3A_367 = arith.cmpi slt, %rem3A_363, %lt3A_366 : i32
        %lt3A_368 = arith.constant 0 : i32
        %lt3A_369 = arith.cmpi slt, %select_n3A_362, %lt3A_368 : i32
        %ne3A_370 = arith.xori %lt3A_367, %lt3A_369 : i1
        %and3A_371 = arith.andi %ne3A_370, %ne3A_365 : i1
        %add3A_372 = arith.addi %rem3A_363, %select_n3A_362 : i32
        %select_n3A_373 = arith.select %and3A_371, %add3A_372, %rem3A_363 : i32
        %eq3A_374 = arith.constant 1 : i32
        %eq3A_375 = arith.cmpi eq, %select_n3A_373, %eq3A_374 : i32
        %convert_element_type3A_376 = arith.extui %eq3A_375 : i1 to i32
        %cond3A_377 = arith.constant 0 : i32
        %cond3A_378 = arith.cmpi ne, %convert_element_type3A_376, %cond3A_377 : i32
        scf.if %cond3A_378 {
          %mul3A_400 = arith.constant 64 : i32
          %mul3A_401 = arith.muli %sub3A_336, %mul3A_400 : i32
          %add3A_402 = arith.addi %mul3A_2, %mul3A_401 : i32
          %dma_start3A_403 = arith.constant 1 : i32
          %dma_start3A_404 = arith.constant 1 : i32
          %dma_start3A_405 = tpu.memref_slice %arg13[%dma_start3A_404] : memref<3x!tpu.dma_semaphore, #tpu.memory_space<semaphore_mem>> -> memref<1x!tpu.dma_semaphore, #tpu.memory_space<semaphore_mem>>
          %dma_start3A_406 = tpu.memref_squeeze %dma_start3A_405 : memref<1x!tpu.dma_semaphore, #tpu.memory_space<semaphore_mem>> -> memref<!tpu.dma_semaphore, #tpu.memory_space<semaphore_mem>>
          %dma_start3A_407 = arith.constant 0 : i32
          %dma_start3A_408 = tpu.memref_slice %arg5[%add3A_402, %dma_start3A_407] : memref<131072x128xf32, #tpu.memory_space<hbm>> -> memref<64x128xf32, #tpu.memory_space<hbm>>
          %dma_start3A_409 = arith.constant 0 : i32
          %dma_start3A_410 = arith.constant 0 : i32
          %dma_start3A_411 = tpu.memref_slice %arg9[%arg1, %dma_start3A_403, %dma_start3A_409, %dma_start3A_410] : memref<16x3x64x128xf32, #tpu.memory_space<vmem_shared>> -> memref<1x1x64x128xf32, #tpu.memory_space<vmem_shared>>
          %dma_start3A_412 = tpu.memref_squeeze %dma_start3A_411 : memref<1x1x64x128xf32, #tpu.memory_space<vmem_shared>> -> memref<64x128xf32, #tpu.memory_space<vmem_shared>>
          tpu.enqueue_dma source(%dma_start3A_412 : memref<64x128xf32, #tpu.memory_space<vmem_shared>>) target(%dma_start3A_408 : memref<64x128xf32, #tpu.memory_space<hbm>>) target_semaphore(%dma_start3A_406 : memref<!tpu.dma_semaphore, #tpu.memory_space<semaphore_mem>>)
        } else {
        }
        %jit3A_379 = arith.constant 3 : i32
        %eq3A_380 = arith.constant 0 : i32
        %eq3A_381 = arith.cmpi eq, %jit3A_379, %eq3A_380 : i32
        %jit3A_382 = arith.constant 1 : i32
        %select_n3A_383 = arith.select %eq3A_381, %jit3A_382, %jit3A_379 : i32
        %rem3A_384 = arith.remsi %sub3A_336, %select_n3A_383 : i32
        %ne3A_385 = arith.constant 0 : i32
        %ne3A_386 = arith.cmpi ne, %rem3A_384, %ne3A_385 : i32
        %lt3A_387 = arith.constant 0 : i32
        %lt3A_388 = arith.cmpi slt, %rem3A_384, %lt3A_387 : i32
        %lt3A_389 = arith.constant 0 : i32
        %lt3A_390 = arith.cmpi slt, %select_n3A_383, %lt3A_389 : i32
        %ne3A_391 = arith.xori %lt3A_388, %lt3A_390 : i1
        %and3A_392 = arith.andi %ne3A_391, %ne3A_386 : i1
        %add3A_393 = arith.addi %rem3A_384, %select_n3A_383 : i32
        %select_n3A_394 = arith.select %and3A_392, %add3A_393, %rem3A_384 : i32
        %eq3A_395 = arith.constant 2 : i32
        %eq3A_396 = arith.cmpi eq, %select_n3A_394, %eq3A_395 : i32
        %convert_element_type3A_397 = arith.extui %eq3A_396 : i1 to i32
        %cond3A_398 = arith.constant 0 : i32
        %cond3A_399 = arith.cmpi ne, %convert_element_type3A_397, %cond3A_398 : i32
        scf.if %cond3A_399 {
          %mul3A_400 = arith.constant 64 : i32
          %mul3A_401 = arith.muli %sub3A_336, %mul3A_400 : i32
          %add3A_402 = arith.addi %mul3A_2, %mul3A_401 : i32
          %dma_start3A_403 = arith.constant 2 : i32
          %dma_start3A_404 = arith.constant 2 : i32
          %dma_start3A_405 = tpu.memref_slice %arg13[%dma_start3A_404] : memref<3x!tpu.dma_semaphore, #tpu.memory_space<semaphore_mem>> -> memref<1x!tpu.dma_semaphore, #tpu.memory_space<semaphore_mem>>
          %dma_start3A_406 = tpu.memref_squeeze %dma_start3A_405 : memref<1x!tpu.dma_semaphore, #tpu.memory_space<semaphore_mem>> -> memref<!tpu.dma_semaphore, #tpu.memory_space<semaphore_mem>>
          %dma_start3A_407 = arith.constant 0 : i32
          %dma_start3A_408 = tpu.memref_slice %arg5[%add3A_402, %dma_start3A_407] : memref<131072x128xf32, #tpu.memory_space<hbm>> -> memref<64x128xf32, #tpu.memory_space<hbm>>
          %dma_start3A_409 = arith.constant 0 : i32
          %dma_start3A_410 = arith.constant 0 : i32
          %dma_start3A_411 = tpu.memref_slice %arg9[%arg1, %dma_start3A_403, %dma_start3A_409, %dma_start3A_410] : memref<16x3x64x128xf32, #tpu.memory_space<vmem_shared>> -> memref<1x1x64x128xf32, #tpu.memory_space<vmem_shared>>
          %dma_start3A_412 = tpu.memref_squeeze %dma_start3A_411 : memref<1x1x64x128xf32, #tpu.memory_space<vmem_shared>> -> memref<64x128xf32, #tpu.memory_space<vmem_shared>>
          tpu.enqueue_dma source(%dma_start3A_412 : memref<64x128xf32, #tpu.memory_space<vmem_shared>>) target(%dma_start3A_408 : memref<64x128xf32, #tpu.memory_space<hbm>>) target_semaphore(%dma_start3A_406 : memref<!tpu.dma_semaphore, #tpu.memory_space<semaphore_mem>>)
        } else {
        }
      } else {
      }
      %lt3A_197 = arith.constant 64 : i32
      %lt3A_198 = arith.cmpi slt, %sub3A_138, %lt3A_197 : i32
      %convert_element_type3A_199 = arith.extui %lt3A_198 : i1 to i32
      %cond3A_200 = arith.constant 0 : i32
      %cond3A_201 = arith.cmpi ne, %convert_element_type3A_199, %cond3A_200 : i32
      scf.if %cond3A_201 {
        %jit3A_270 = arith.constant 3 : i32
        %eq3A_271 = arith.constant 0 : i32
        %eq3A_272 = arith.cmpi eq, %jit3A_270, %eq3A_271 : i32
        %jit3A_273 = arith.constant 1 : i32
        %select_n3A_274 = arith.select %eq3A_272, %jit3A_273, %jit3A_270 : i32
        %rem3A_275 = arith.remsi %sub3A_138, %select_n3A_274 : i32
        %ne3A_276 = arith.constant 0 : i32
        %ne3A_277 = arith.cmpi ne, %rem3A_275, %ne3A_276 : i32
        %lt3A_278 = arith.constant 0 : i32
        %lt3A_279 = arith.cmpi slt, %rem3A_275, %lt3A_278 : i32
        %lt3A_280 = arith.constant 0 : i32
        %lt3A_281 = arith.cmpi slt, %select_n3A_274, %lt3A_280 : i32
        %ne3A_282 = arith.xori %lt3A_279, %lt3A_281 : i1
        %and3A_283 = arith.andi %ne3A_282, %ne3A_277 : i1
        %add3A_284 = arith.addi %rem3A_275, %select_n3A_274 : i32
        %select_n3A_285 = arith.select %and3A_283, %add3A_284, %rem3A_275 : i32
        %eq3A_286 = arith.constant 0 : i32
        %eq3A_287 = arith.cmpi eq, %select_n3A_285, %eq3A_286 : i32
        %convert_element_type3A_288 = arith.extui %eq3A_287 : i1 to i32
        %cond3A_289 = arith.constant 0 : i32
        %cond3A_290 = arith.cmpi ne, %convert_element_type3A_288, %cond3A_289 : i32
        scf.if %cond3A_290 {
          %dma_start3A_333 = arith.constant 0 : i32
          %dma_start3A_334 = arith.constant 0 : i32
          %dma_start3A_335 = arith.constant 0 : i32
          %dma_start3A_336 = arith.constant 0 : i32
          %dma_start3A_337 = tpu.memref_slice %arg8[%dma_start3A_333, %dma_start3A_335, %dma_start3A_336] : memref<3x64x128xf32, #tpu.memory_space<vmem>> -> memref<1x64x128xf32, #tpu.memory_space<vmem>>
          %dma_start3A_338 = tpu.memref_squeeze %dma_start3A_337 : memref<1x64x128xf32, #tpu.memory_space<vmem>> -> memref<64x128xf32, #tpu.memory_space<vmem>>
          %dma_start3A_339 = arith.constant 0 : i32
          %dma_start3A_340 = tpu.memref_slice %arg6[%sub3A_138, %dma_start3A_339] : memref<64x64xi32, #tpu.memory_space<vmem>> -> memref<1x64xi32, #tpu.memory_space<vmem>>
          %dma_start3A_341 = tpu.memref_squeeze %dma_start3A_340 : memref<1x64xi32, #tpu.memory_space<vmem>> -> memref<64xi32, #tpu.memory_space<vmem>>
          %dma_start3A_342 = arith.constant 0 : i32
          %dma_start3A_343 = arith.constant 0 : i32
          %dma_start3A_344 = tpu.memref_slice %arg2[%dma_start3A_342, %dma_start3A_343] : memref<800000x128xf32, #tpu.memory_space<hbm>> -> memref<800000x128xf32, #tpu.memory_space<hbm>>
          %dma_start3A_345 = tpu.memref_slice %arg10[%dma_start3A_334] : memref<3x!tpu.dma_semaphore, #tpu.memory_space<semaphore_mem>> -> memref<1x!tpu.dma_semaphore, #tpu.memory_space<semaphore_mem>>
          %dma_start3A_346 = tpu.memref_squeeze %dma_start3A_345 : memref<1x!tpu.dma_semaphore, #tpu.memory_space<semaphore_mem>> -> memref<!tpu.dma_semaphore, #tpu.memory_space<semaphore_mem>>
          tpu.enqueue_indirect_dma source(%dma_start3A_344 : memref<800000x128xf32, #tpu.memory_space<hbm>>) target(%dma_start3A_338 : memref<64x128xf32, #tpu.memory_space<vmem>>) offsets(%dma_start3A_341 : memref<64xi32, #tpu.memory_space<vmem>>) semaphore(%dma_start3A_346 : memref<!tpu.dma_semaphore, #tpu.memory_space<semaphore_mem>>)
          %dma_start3A_347 = arith.constant 0 : i32
          %dma_start3A_348 = arith.constant 0 : i32
          %dma_start3A_349 = arith.constant 0 : i32
          %dma_start3A_350 = arith.constant 0 : i32
          %dma_start3A_351 = tpu.memref_slice %arg7[%dma_start3A_347, %dma_start3A_349, %dma_start3A_350] : memref<3x64x128xf32, #tpu.memory_space<vmem>> -> memref<1x64x128xf32, #tpu.memory_space<vmem>>
          %dma_start3A_352 = tpu.memref_squeeze %dma_start3A_351 : memref<1x64x128xf32, #tpu.memory_space<vmem>> -> memref<64x128xf32, #tpu.memory_space<vmem>>
          %dma_start3A_353 = arith.constant 0 : i32
          %dma_start3A_354 = tpu.memref_slice %arg6[%sub3A_138, %dma_start3A_353] : memref<64x64xi32, #tpu.memory_space<vmem>> -> memref<1x64xi32, #tpu.memory_space<vmem>>
          %dma_start3A_355 = tpu.memref_squeeze %dma_start3A_354 : memref<1x64xi32, #tpu.memory_space<vmem>> -> memref<64xi32, #tpu.memory_space<vmem>>
          %dma_start3A_356 = arith.constant 0 : i32
          %dma_start3A_357 = arith.constant 0 : i32
          %dma_start3A_358 = tpu.memref_slice %arg3[%dma_start3A_356, %dma_start3A_357] : memref<800000x128xf32, #tpu.memory_space<hbm>> -> memref<800000x128xf32, #tpu.memory_space<hbm>>
          %dma_start3A_359 = tpu.memref_slice %arg11[%dma_start3A_348] : memref<3x!tpu.dma_semaphore, #tpu.memory_space<semaphore_mem>> -> memref<1x!tpu.dma_semaphore, #tpu.memory_space<semaphore_mem>>
          %dma_start3A_360 = tpu.memref_squeeze %dma_start3A_359 : memref<1x!tpu.dma_semaphore, #tpu.memory_space<semaphore_mem>> -> memref<!tpu.dma_semaphore, #tpu.memory_space<semaphore_mem>>
          tpu.enqueue_indirect_dma source(%dma_start3A_358 : memref<800000x128xf32, #tpu.memory_space<hbm>>) target(%dma_start3A_352 : memref<64x128xf32, #tpu.memory_space<vmem>>) offsets(%dma_start3A_355 : memref<64xi32, #tpu.memory_space<vmem>>) semaphore(%dma_start3A_360 : memref<!tpu.dma_semaphore, #tpu.memory_space<semaphore_mem>>)
        } else {
        }
        %jit3A_291 = arith.constant 3 : i32
        %eq3A_292 = arith.constant 0 : i32
        %eq3A_293 = arith.cmpi eq, %jit3A_291, %eq3A_292 : i32
        %jit3A_294 = arith.constant 1 : i32
        %select_n3A_295 = arith.select %eq3A_293, %jit3A_294, %jit3A_291 : i32
        %rem3A_296 = arith.remsi %sub3A_138, %select_n3A_295 : i32
        %ne3A_297 = arith.constant 0 : i32
        %ne3A_298 = arith.cmpi ne, %rem3A_296, %ne3A_297 : i32
        %lt3A_299 = arith.constant 0 : i32
        %lt3A_300 = arith.cmpi slt, %rem3A_296, %lt3A_299 : i32
        %lt3A_301 = arith.constant 0 : i32
        %lt3A_302 = arith.cmpi slt, %select_n3A_295, %lt3A_301 : i32
        %ne3A_303 = arith.xori %lt3A_300, %lt3A_302 : i1
        %and3A_304 = arith.andi %ne3A_303, %ne3A_298 : i1
        %add3A_305 = arith.addi %rem3A_296, %select_n3A_295 : i32
        %select_n3A_306 = arith.select %and3A_304, %add3A_305, %rem3A_296 : i32
        %eq3A_307 = arith.constant 1 : i32
        %eq3A_308 = arith.cmpi eq, %select_n3A_306, %eq3A_307 : i32
        %convert_element_type3A_309 = arith.extui %eq3A_308 : i1 to i32
        %cond3A_310 = arith.constant 0 : i32
        %cond3A_311 = arith.cmpi ne, %convert_element_type3A_309, %cond3A_310 : i32
        scf.if %cond3A_311 {
          %dma_start3A_333 = arith.constant 1 : i32
          %dma_start3A_334 = arith.constant 1 : i32
          %dma_start3A_335 = arith.constant 0 : i32
          %dma_start3A_336 = arith.constant 0 : i32
          %dma_start3A_337 = tpu.memref_slice %arg8[%dma_start3A_333, %dma_start3A_335, %dma_start3A_336] : memref<3x64x128xf32, #tpu.memory_space<vmem>> -> memref<1x64x128xf32, #tpu.memory_space<vmem>>
          %dma_start3A_338 = tpu.memref_squeeze %dma_start3A_337 : memref<1x64x128xf32, #tpu.memory_space<vmem>> -> memref<64x128xf32, #tpu.memory_space<vmem>>
          %dma_start3A_339 = arith.constant 0 : i32
          %dma_start3A_340 = tpu.memref_slice %arg6[%sub3A_138, %dma_start3A_339] : memref<64x64xi32, #tpu.memory_space<vmem>> -> memref<1x64xi32, #tpu.memory_space<vmem>>
          %dma_start3A_341 = tpu.memref_squeeze %dma_start3A_340 : memref<1x64xi32, #tpu.memory_space<vmem>> -> memref<64xi32, #tpu.memory_space<vmem>>
          %dma_start3A_342 = arith.constant 0 : i32
          %dma_start3A_343 = arith.constant 0 : i32
          %dma_start3A_344 = tpu.memref_slice %arg2[%dma_start3A_342, %dma_start3A_343] : memref<800000x128xf32, #tpu.memory_space<hbm>> -> memref<800000x128xf32, #tpu.memory_space<hbm>>
          %dma_start3A_345 = tpu.memref_slice %arg10[%dma_start3A_334] : memref<3x!tpu.dma_semaphore, #tpu.memory_space<semaphore_mem>> -> memref<1x!tpu.dma_semaphore, #tpu.memory_space<semaphore_mem>>
          %dma_start3A_346 = tpu.memref_squeeze %dma_start3A_345 : memref<1x!tpu.dma_semaphore, #tpu.memory_space<semaphore_mem>> -> memref<!tpu.dma_semaphore, #tpu.memory_space<semaphore_mem>>
          tpu.enqueue_indirect_dma source(%dma_start3A_344 : memref<800000x128xf32, #tpu.memory_space<hbm>>) target(%dma_start3A_338 : memref<64x128xf32, #tpu.memory_space<vmem>>) offsets(%dma_start3A_341 : memref<64xi32, #tpu.memory_space<vmem>>) semaphore(%dma_start3A_346 : memref<!tpu.dma_semaphore, #tpu.memory_space<semaphore_mem>>)
          %dma_start3A_347 = arith.constant 1 : i32
          %dma_start3A_348 = arith.constant 1 : i32
          %dma_start3A_349 = arith.constant 0 : i32
          %dma_start3A_350 = arith.constant 0 : i32
          %dma_start3A_351 = tpu.memref_slice %arg7[%dma_start3A_347, %dma_start3A_349, %dma_start3A_350] : memref<3x64x128xf32, #tpu.memory_space<vmem>> -> memref<1x64x128xf32, #tpu.memory_space<vmem>>
          %dma_start3A_352 = tpu.memref_squeeze %dma_start3A_351 : memref<1x64x128xf32, #tpu.memory_space<vmem>> -> memref<64x128xf32, #tpu.memory_space<vmem>>
          %dma_start3A_353 = arith.constant 0 : i32
          %dma_start3A_354 = tpu.memref_slice %arg6[%sub3A_138, %dma_start3A_353] : memref<64x64xi32, #tpu.memory_space<vmem>> -> memref<1x64xi32, #tpu.memory_space<vmem>>
          %dma_start3A_355 = tpu.memref_squeeze %dma_start3A_354 : memref<1x64xi32, #tpu.memory_space<vmem>> -> memref<64xi32, #tpu.memory_space<vmem>>
          %dma_start3A_356 = arith.constant 0 : i32
          %dma_start3A_357 = arith.constant 0 : i32
          %dma_start3A_358 = tpu.memref_slice %arg3[%dma_start3A_356, %dma_start3A_357] : memref<800000x128xf32, #tpu.memory_space<hbm>> -> memref<800000x128xf32, #tpu.memory_space<hbm>>
          %dma_start3A_359 = tpu.memref_slice %arg11[%dma_start3A_348] : memref<3x!tpu.dma_semaphore, #tpu.memory_space<semaphore_mem>> -> memref<1x!tpu.dma_semaphore, #tpu.memory_space<semaphore_mem>>
          %dma_start3A_360 = tpu.memref_squeeze %dma_start3A_359 : memref<1x!tpu.dma_semaphore, #tpu.memory_space<semaphore_mem>> -> memref<!tpu.dma_semaphore, #tpu.memory_space<semaphore_mem>>
          tpu.enqueue_indirect_dma source(%dma_start3A_358 : memref<800000x128xf32, #tpu.memory_space<hbm>>) target(%dma_start3A_352 : memref<64x128xf32, #tpu.memory_space<vmem>>) offsets(%dma_start3A_355 : memref<64xi32, #tpu.memory_space<vmem>>) semaphore(%dma_start3A_360 : memref<!tpu.dma_semaphore, #tpu.memory_space<semaphore_mem>>)
        } else {
        }
        %jit3A_312 = arith.constant 3 : i32
        %eq3A_313 = arith.constant 0 : i32
        %eq3A_314 = arith.cmpi eq, %jit3A_312, %eq3A_313 : i32
        %jit3A_315 = arith.constant 1 : i32
        %select_n3A_316 = arith.select %eq3A_314, %jit3A_315, %jit3A_312 : i32
        %rem3A_317 = arith.remsi %sub3A_138, %select_n3A_316 : i32
        %ne3A_318 = arith.constant 0 : i32
        %ne3A_319 = arith.cmpi ne, %rem3A_317, %ne3A_318 : i32
        %lt3A_320 = arith.constant 0 : i32
        %lt3A_321 = arith.cmpi slt, %rem3A_317, %lt3A_320 : i32
        %lt3A_322 = arith.constant 0 : i32
        %lt3A_323 = arith.cmpi slt, %select_n3A_316, %lt3A_322 : i32
        %ne3A_324 = arith.xori %lt3A_321, %lt3A_323 : i1
        %and3A_325 = arith.andi %ne3A_324, %ne3A_319 : i1
        %add3A_326 = arith.addi %rem3A_317, %select_n3A_316 : i32
        %select_n3A_327 = arith.select %and3A_325, %add3A_326, %rem3A_317 : i32
        %eq3A_328 = arith.constant 2 : i32
        %eq3A_329 = arith.cmpi eq, %select_n3A_327, %eq3A_328 : i32
        %convert_element_type3A_330 = arith.extui %eq3A_329 : i1 to i32
        %cond3A_331 = arith.constant 0 : i32
        %cond3A_332 = arith.cmpi ne, %convert_element_type3A_330, %cond3A_331 : i32
        scf.if %cond3A_332 {
          %dma_start3A_333 = arith.constant 2 : i32
          %dma_start3A_334 = arith.constant 2 : i32
          %dma_start3A_335 = arith.constant 0 : i32
          %dma_start3A_336 = arith.constant 0 : i32
          %dma_start3A_337 = tpu.memref_slice %arg8[%dma_start3A_333, %dma_start3A_335, %dma_start3A_336] : memref<3x64x128xf32, #tpu.memory_space<vmem>> -> memref<1x64x128xf32, #tpu.memory_space<vmem>>
          %dma_start3A_338 = tpu.memref_squeeze %dma_start3A_337 : memref<1x64x128xf32, #tpu.memory_space<vmem>> -> memref<64x128xf32, #tpu.memory_space<vmem>>
          %dma_start3A_339 = arith.constant 0 : i32
          %dma_start3A_340 = tpu.memref_slice %arg6[%sub3A_138, %dma_start3A_339] : memref<64x64xi32, #tpu.memory_space<vmem>> -> memref<1x64xi32, #tpu.memory_space<vmem>>
          %dma_start3A_341 = tpu.memref_squeeze %dma_start3A_340 : memref<1x64xi32, #tpu.memory_space<vmem>> -> memref<64xi32, #tpu.memory_space<vmem>>
          %dma_start3A_342 = arith.constant 0 : i32
          %dma_start3A_343 = arith.constant 0 : i32
          %dma_start3A_344 = tpu.memref_slice %arg2[%dma_start3A_342, %dma_start3A_343] : memref<800000x128xf32, #tpu.memory_space<hbm>> -> memref<800000x128xf32, #tpu.memory_space<hbm>>
          %dma_start3A_345 = tpu.memref_slice %arg10[%dma_start3A_334] : memref<3x!tpu.dma_semaphore, #tpu.memory_space<semaphore_mem>> -> memref<1x!tpu.dma_semaphore, #tpu.memory_space<semaphore_mem>>
          %dma_start3A_346 = tpu.memref_squeeze %dma_start3A_345 : memref<1x!tpu.dma_semaphore, #tpu.memory_space<semaphore_mem>> -> memref<!tpu.dma_semaphore, #tpu.memory_space<semaphore_mem>>
          tpu.enqueue_indirect_dma source(%dma_start3A_344 : memref<800000x128xf32, #tpu.memory_space<hbm>>) target(%dma_start3A_338 : memref<64x128xf32, #tpu.memory_space<vmem>>) offsets(%dma_start3A_341 : memref<64xi32, #tpu.memory_space<vmem>>) semaphore(%dma_start3A_346 : memref<!tpu.dma_semaphore, #tpu.memory_space<semaphore_mem>>)
          %dma_start3A_347 = arith.constant 2 : i32
          %dma_start3A_348 = arith.constant 2 : i32
          %dma_start3A_349 = arith.constant 0 : i32
          %dma_start3A_350 = arith.constant 0 : i32
          %dma_start3A_351 = tpu.memref_slice %arg7[%dma_start3A_347, %dma_start3A_349, %dma_start3A_350] : memref<3x64x128xf32, #tpu.memory_space<vmem>> -> memref<1x64x128xf32, #tpu.memory_space<vmem>>
          %dma_start3A_352 = tpu.memref_squeeze %dma_start3A_351 : memref<1x64x128xf32, #tpu.memory_space<vmem>> -> memref<64x128xf32, #tpu.memory_space<vmem>>
          %dma_start3A_353 = arith.constant 0 : i32
          %dma_start3A_354 = tpu.memref_slice %arg6[%sub3A_138, %dma_start3A_353] : memref<64x64xi32, #tpu.memory_space<vmem>> -> memref<1x64xi32, #tpu.memory_space<vmem>>
          %dma_start3A_355 = tpu.memref_squeeze %dma_start3A_354 : memref<1x64xi32, #tpu.memory_space<vmem>> -> memref<64xi32, #tpu.memory_space<vmem>>
          %dma_start3A_356 = arith.constant 0 : i32
          %dma_start3A_357 = arith.constant 0 : i32
          %dma_start3A_358 = tpu.memref_slice %arg3[%dma_start3A_356, %dma_start3A_357] : memref<800000x128xf32, #tpu.memory_space<hbm>> -> memref<800000x128xf32, #tpu.memory_space<hbm>>
          %dma_start3A_359 = tpu.memref_slice %arg11[%dma_start3A_348] : memref<3x!tpu.dma_semaphore, #tpu.memory_space<semaphore_mem>> -> memref<1x!tpu.dma_semaphore, #tpu.memory_space<semaphore_mem>>
          %dma_start3A_360 = tpu.memref_squeeze %dma_start3A_359 : memref<1x!tpu.dma_semaphore, #tpu.memory_space<semaphore_mem>> -> memref<!tpu.dma_semaphore, #tpu.memory_space<semaphore_mem>>
          tpu.enqueue_indirect_dma source(%dma_start3A_358 : memref<800000x128xf32, #tpu.memory_space<hbm>>) target(%dma_start3A_352 : memref<64x128xf32, #tpu.memory_space<vmem>>) offsets(%dma_start3A_355 : memref<64xi32, #tpu.memory_space<vmem>>) semaphore(%dma_start3A_360 : memref<!tpu.dma_semaphore, #tpu.memory_space<semaphore_mem>>)
        } else {
        }
      } else {
      }
      %ge3A_202 = arith.constant 3 : i32
      %ge3A_203 = arith.cmpi sge, %scan3A_135, %ge3A_202 : i32
      %convert_element_type3A_204 = arith.extui %ge3A_203 : i1 to i32
      %cond3A_205 = arith.constant 0 : i32
      %cond3A_206 = arith.cmpi ne, %convert_element_type3A_204, %cond3A_205 : i32
      scf.if %cond3A_206 {
        %sub3A_270 = arith.constant 3 : i32
        %sub3A_271 = arith.subi %scan3A_135, %sub3A_270 : i32
        %jit3A_272 = arith.constant 3 : i32
        %eq3A_273 = arith.constant 0 : i32
        %eq3A_274 = arith.cmpi eq, %jit3A_272, %eq3A_273 : i32
        %jit3A_275 = arith.constant 1 : i32
        %select_n3A_276 = arith.select %eq3A_274, %jit3A_275, %jit3A_272 : i32
        %rem3A_277 = arith.remsi %sub3A_271, %select_n3A_276 : i32
        %ne3A_278 = arith.constant 0 : i32
        %ne3A_279 = arith.cmpi ne, %rem3A_277, %ne3A_278 : i32
        %lt3A_280 = arith.constant 0 : i32
        %lt3A_281 = arith.cmpi slt, %rem3A_277, %lt3A_280 : i32
        %lt3A_282 = arith.constant 0 : i32
        %lt3A_283 = arith.cmpi slt, %select_n3A_276, %lt3A_282 : i32
        %ne3A_284 = arith.xori %lt3A_281, %lt3A_283 : i1
        %and3A_285 = arith.andi %ne3A_284, %ne3A_279 : i1
        %add3A_286 = arith.addi %rem3A_277, %select_n3A_276 : i32
        %select_n3A_287 = arith.select %and3A_285, %add3A_286, %rem3A_277 : i32
        %eq3A_288 = arith.constant 0 : i32
        %eq3A_289 = arith.cmpi eq, %select_n3A_287, %eq3A_288 : i32
        %convert_element_type3A_290 = arith.extui %eq3A_289 : i1 to i32
        %cond3A_291 = arith.constant 0 : i32
        %cond3A_292 = arith.cmpi ne, %convert_element_type3A_290, %cond3A_291 : i32
        scf.if %cond3A_292 {
          %mul3A_335 = arith.constant 64 : i32
          %mul3A_336 = arith.muli %sub3A_271, %mul3A_335 : i32
          %add3A_337 = arith.addi %mul3A_2, %mul3A_336 : i32
          %dma_wait3A_338 = arith.constant 0 : i32
          %dma_wait3A_339 = arith.constant 0 : i32
          %dma_wait3A_340 = tpu.memref_slice %arg13[%dma_wait3A_339] : memref<3x!tpu.dma_semaphore, #tpu.memory_space<semaphore_mem>> -> memref<1x!tpu.dma_semaphore, #tpu.memory_space<semaphore_mem>>
          %dma_wait3A_341 = tpu.memref_squeeze %dma_wait3A_340 : memref<1x!tpu.dma_semaphore, #tpu.memory_space<semaphore_mem>> -> memref<!tpu.dma_semaphore, #tpu.memory_space<semaphore_mem>>
          %dma_wait3A_342 = arith.constant 0 : i32
          %dma_wait3A_343 = tpu.memref_slice %arg5[%add3A_337, %dma_wait3A_342] : memref<131072x128xf32, #tpu.memory_space<hbm>> -> memref<64x128xf32, #tpu.memory_space<hbm>>
          %dma_wait3A_344 = arith.constant 0 : i32
          %dma_wait3A_345 = arith.constant 0 : i32
          %dma_wait3A_346 = tpu.memref_slice %arg9[%arg1, %dma_wait3A_338, %dma_wait3A_344, %dma_wait3A_345] : memref<16x3x64x128xf32, #tpu.memory_space<vmem_shared>> -> memref<1x1x64x128xf32, #tpu.memory_space<vmem_shared>>
          %dma_wait3A_347 = tpu.memref_squeeze %dma_wait3A_346 : memref<1x1x64x128xf32, #tpu.memory_space<vmem_shared>> -> memref<64x128xf32, #tpu.memory_space<vmem_shared>>
          tpu.wait_dma2 semaphore(%dma_wait3A_341 : memref<!tpu.dma_semaphore, #tpu.memory_space<semaphore_mem>>) src(%dma_wait3A_347 : memref<64x128xf32, #tpu.memory_space<vmem_shared>>) dst(%dma_wait3A_343 : memref<64x128xf32, #tpu.memory_space<hbm>>)
        } else {
        }
        %jit3A_293 = arith.constant 3 : i32
        %eq3A_294 = arith.constant 0 : i32
        %eq3A_295 = arith.cmpi eq, %jit3A_293, %eq3A_294 : i32
        %jit3A_296 = arith.constant 1 : i32
        %select_n3A_297 = arith.select %eq3A_295, %jit3A_296, %jit3A_293 : i32
        %rem3A_298 = arith.remsi %sub3A_271, %select_n3A_297 : i32
        %ne3A_299 = arith.constant 0 : i32
        %ne3A_300 = arith.cmpi ne, %rem3A_298, %ne3A_299 : i32
        %lt3A_301 = arith.constant 0 : i32
        %lt3A_302 = arith.cmpi slt, %rem3A_298, %lt3A_301 : i32
        %lt3A_303 = arith.constant 0 : i32
        %lt3A_304 = arith.cmpi slt, %select_n3A_297, %lt3A_303 : i32
        %ne3A_305 = arith.xori %lt3A_302, %lt3A_304 : i1
        %and3A_306 = arith.andi %ne3A_305, %ne3A_300 : i1
        %add3A_307 = arith.addi %rem3A_298, %select_n3A_297 : i32
        %select_n3A_308 = arith.select %and3A_306, %add3A_307, %rem3A_298 : i32
        %eq3A_309 = arith.constant 1 : i32
        %eq3A_310 = arith.cmpi eq, %select_n3A_308, %eq3A_309 : i32
        %convert_element_type3A_311 = arith.extui %eq3A_310 : i1 to i32
        %cond3A_312 = arith.constant 0 : i32
        %cond3A_313 = arith.cmpi ne, %convert_element_type3A_311, %cond3A_312 : i32
        scf.if %cond3A_313 {
          %mul3A_335 = arith.constant 64 : i32
          %mul3A_336 = arith.muli %sub3A_271, %mul3A_335 : i32
          %add3A_337 = arith.addi %mul3A_2, %mul3A_336 : i32
          %dma_wait3A_338 = arith.constant 1 : i32
          %dma_wait3A_339 = arith.constant 1 : i32
          %dma_wait3A_340 = tpu.memref_slice %arg13[%dma_wait3A_339] : memref<3x!tpu.dma_semaphore, #tpu.memory_space<semaphore_mem>> -> memref<1x!tpu.dma_semaphore, #tpu.memory_space<semaphore_mem>>
          %dma_wait3A_341 = tpu.memref_squeeze %dma_wait3A_340 : memref<1x!tpu.dma_semaphore, #tpu.memory_space<semaphore_mem>> -> memref<!tpu.dma_semaphore, #tpu.memory_space<semaphore_mem>>
          %dma_wait3A_342 = arith.constant 0 : i32
          %dma_wait3A_343 = tpu.memref_slice %arg5[%add3A_337, %dma_wait3A_342] : memref<131072x128xf32, #tpu.memory_space<hbm>> -> memref<64x128xf32, #tpu.memory_space<hbm>>
          %dma_wait3A_344 = arith.constant 0 : i32
          %dma_wait3A_345 = arith.constant 0 : i32
          %dma_wait3A_346 = tpu.memref_slice %arg9[%arg1, %dma_wait3A_338, %dma_wait3A_344, %dma_wait3A_345] : memref<16x3x64x128xf32, #tpu.memory_space<vmem_shared>> -> memref<1x1x64x128xf32, #tpu.memory_space<vmem_shared>>
          %dma_wait3A_347 = tpu.memref_squeeze %dma_wait3A_346 : memref<1x1x64x128xf32, #tpu.memory_space<vmem_shared>> -> memref<64x128xf32, #tpu.memory_space<vmem_shared>>
          tpu.wait_dma2 semaphore(%dma_wait3A_341 : memref<!tpu.dma_semaphore, #tpu.memory_space<semaphore_mem>>) src(%dma_wait3A_347 : memref<64x128xf32, #tpu.memory_space<vmem_shared>>) dst(%dma_wait3A_343 : memref<64x128xf32, #tpu.memory_space<hbm>>)
        } else {
        }
        %jit3A_314 = arith.constant 3 : i32
        %eq3A_315 = arith.constant 0 : i32
        %eq3A_316 = arith.cmpi eq, %jit3A_314, %eq3A_315 : i32
        %jit3A_317 = arith.constant 1 : i32
        %select_n3A_318 = arith.select %eq3A_316, %jit3A_317, %jit3A_314 : i32
        %rem3A_319 = arith.remsi %sub3A_271, %select_n3A_318 : i32
        %ne3A_320 = arith.constant 0 : i32
        %ne3A_321 = arith.cmpi ne, %rem3A_319, %ne3A_320 : i32
        %lt3A_322 = arith.constant 0 : i32
        %lt3A_323 = arith.cmpi slt, %rem3A_319, %lt3A_322 : i32
        %lt3A_324 = arith.constant 0 : i32
        %lt3A_325 = arith.cmpi slt, %select_n3A_318, %lt3A_324 : i32
        %ne3A_326 = arith.xori %lt3A_323, %lt3A_325 : i1
        %and3A_327 = arith.andi %ne3A_326, %ne3A_321 : i1
        %add3A_328 = arith.addi %rem3A_319, %select_n3A_318 : i32
        %select_n3A_329 = arith.select %and3A_327, %add3A_328, %rem3A_319 : i32
        %eq3A_330 = arith.constant 2 : i32
        %eq3A_331 = arith.cmpi eq, %select_n3A_329, %eq3A_330 : i32
        %convert_element_type3A_332 = arith.extui %eq3A_331 : i1 to i32
        %cond3A_333 = arith.constant 0 : i32
        %cond3A_334 = arith.cmpi ne, %convert_element_type3A_332, %cond3A_333 : i32
        scf.if %cond3A_334 {
          %mul3A_335 = arith.constant 64 : i32
          %mul3A_336 = arith.muli %sub3A_271, %mul3A_335 : i32
          %add3A_337 = arith.addi %mul3A_2, %mul3A_336 : i32
          %dma_wait3A_338 = arith.constant 2 : i32
          %dma_wait3A_339 = arith.constant 2 : i32
          %dma_wait3A_340 = tpu.memref_slice %arg13[%dma_wait3A_339] : memref<3x!tpu.dma_semaphore, #tpu.memory_space<semaphore_mem>> -> memref<1x!tpu.dma_semaphore, #tpu.memory_space<semaphore_mem>>
          %dma_wait3A_341 = tpu.memref_squeeze %dma_wait3A_340 : memref<1x!tpu.dma_semaphore, #tpu.memory_space<semaphore_mem>> -> memref<!tpu.dma_semaphore, #tpu.memory_space<semaphore_mem>>
          %dma_wait3A_342 = arith.constant 0 : i32
          %dma_wait3A_343 = tpu.memref_slice %arg5[%add3A_337, %dma_wait3A_342] : memref<131072x128xf32, #tpu.memory_space<hbm>> -> memref<64x128xf32, #tpu.memory_space<hbm>>
          %dma_wait3A_344 = arith.constant 0 : i32
          %dma_wait3A_345 = arith.constant 0 : i32
          %dma_wait3A_346 = tpu.memref_slice %arg9[%arg1, %dma_wait3A_338, %dma_wait3A_344, %dma_wait3A_345] : memref<16x3x64x128xf32, #tpu.memory_space<vmem_shared>> -> memref<1x1x64x128xf32, #tpu.memory_space<vmem_shared>>
          %dma_wait3A_347 = tpu.memref_squeeze %dma_wait3A_346 : memref<1x1x64x128xf32, #tpu.memory_space<vmem_shared>> -> memref<64x128xf32, #tpu.memory_space<vmem_shared>>
          tpu.wait_dma2 semaphore(%dma_wait3A_341 : memref<!tpu.dma_semaphore, #tpu.memory_space<semaphore_mem>>) src(%dma_wait3A_347 : memref<64x128xf32, #tpu.memory_space<vmem_shared>>) dst(%dma_wait3A_343 : memref<64x128xf32, #tpu.memory_space<hbm>>)
        } else {
        }
      } else {
      }
      %jit3A_207 = arith.constant 3 : i32
      %eq3A_208 = arith.constant 0 : i32
      %eq3A_209 = arith.cmpi eq, %jit3A_207, %eq3A_208 : i32
      %jit3A_210 = arith.constant 1 : i32
      %select_n3A_211 = arith.select %eq3A_209, %jit3A_210, %jit3A_207 : i32
      %rem3A_212 = arith.remsi %scan3A_135, %select_n3A_211 : i32
      %ne3A_213 = arith.constant 0 : i32
      %ne3A_214 = arith.cmpi ne, %rem3A_212, %ne3A_213 : i32
      %lt3A_215 = arith.constant 0 : i32
      %lt3A_216 = arith.cmpi slt, %rem3A_212, %lt3A_215 : i32
      %lt3A_217 = arith.constant 0 : i32
      %lt3A_218 = arith.cmpi slt, %select_n3A_211, %lt3A_217 : i32
      %ne3A_219 = arith.xori %lt3A_216, %lt3A_218 : i1
      %and3A_220 = arith.andi %ne3A_219, %ne3A_214 : i1
      %add3A_221 = arith.addi %rem3A_212, %select_n3A_211 : i32
      %select_n3A_222 = arith.select %and3A_220, %add3A_221, %rem3A_212 : i32
      %eq3A_223 = arith.constant 0 : i32
      %eq3A_224 = arith.cmpi eq, %select_n3A_222, %eq3A_223 : i32
      %convert_element_type3A_225 = arith.extui %eq3A_224 : i1 to i32
      %cond3A_226 = arith.constant 0 : i32
      %cond3A_227 = arith.cmpi ne, %convert_element_type3A_225, %cond3A_226 : i32
      scf.if %cond3A_227 {
        %parallel_loop3A = arith.constant 0 : i32
        %parallel_loop3A_270 = arith.constant 64 : i32
        %parallel_loop3A_271 = arith.constant 1 : i32
        scf.for %parallel_loop3A_293 = %parallel_loop3A to %parallel_loop3A_270 step %parallel_loop3A_271  : i32 {
          %parallel_loop3A_294 = arith.constant 0 : i32
          %parallel_loop3A_295 = arith.index_cast %parallel_loop3A_294 : i32 to index
          %parallel_loop3A_296 = arith.index_cast %parallel_loop3A_293 : i32 to index
          %parallel_loop3A_297 = arith.constant 0 : index
          %parallel_loop3A_298 = tpu.vector_load %arg8[%parallel_loop3A_295, %parallel_loop3A_296, %parallel_loop3A_297] {strides = array<i32>} : memref<3x64x128xf32, #tpu.memory_space<vmem>>, vector<1x1x16xf32>,
          %parallel_loop3A_299 = vector.shape_cast %parallel_loop3A_298 : vector<1x1x16xf32> to vector<16xf32>
          %parallel_loop3A_300 = arith.constant 0 : i32
          %parallel_loop3A_301 = arith.index_cast %parallel_loop3A_300 : i32 to index
          %parallel_loop3A_302 = arith.index_cast %parallel_loop3A_293 : i32 to index
          %parallel_loop3A_303 = arith.constant 0 : index
          %parallel_loop3A_304 = tpu.vector_load %arg7[%parallel_loop3A_301, %parallel_loop3A_302, %parallel_loop3A_303] {strides = array<i32>} : memref<3x64x128xf32, #tpu.memory_space<vmem>>, vector<1x1x16xf32>,
          %parallel_loop3A_305 = vector.shape_cast %parallel_loop3A_304 : vector<1x1x16xf32> to vector<16xf32>
          %parallel_loop3A_306 = math.exp %parallel_loop3A_305 : vector<16xf32>
          %parallel_loop3A_307 = arith.addf %parallel_loop3A_299, %parallel_loop3A_306 : vector<16xf32>
          %parallel_loop3A_308 = arith.constant 0 : i32
          %parallel_loop3A_309 = arith.index_cast %parallel_loop3A_308 : i32 to index
          %parallel_loop3A_310 = arith.index_cast %parallel_loop3A_293 : i32 to index
          %parallel_loop3A_311 = arith.constant 0 : index
          %parallel_loop3A_312 = tpu.vector_load %arg8[%parallel_loop3A_309, %parallel_loop3A_310, %parallel_loop3A_311] {strides = array<i32>} : memref<3x64x128xf32, #tpu.memory_space<vmem>>, vector<1x1x16xf32>,
          %parallel_loop3A_313 = vector.shape_cast %parallel_loop3A_312 : vector<1x1x16xf32> to vector<16xf32>
          %parallel_loop3A_314 = vector.shape_cast %parallel_loop3A_307 : vector<16xf32> to vector<1x1x16xf32>
          tpu.vector_store %arg8[%parallel_loop3A_309, %parallel_loop3A_310, %parallel_loop3A_311], %parallel_loop3A_314 {strides = array<i32>} : memref<3x64x128xf32, #tpu.memory_space<vmem>>, vector<1x1x16xf32>,
          %parallel_loop3A_315 = arith.constant 0 : i32
          %parallel_loop3A_316 = arith.index_cast %parallel_loop3A_315 : i32 to index
          %parallel_loop3A_317 = arith.index_cast %parallel_loop3A_293 : i32 to index
          %parallel_loop3A_318 = arith.constant 16 : index
          %parallel_loop3A_319 = tpu.vector_load %arg8[%parallel_loop3A_316, %parallel_loop3A_317, %parallel_loop3A_318] {strides = array<i32>} : memref<3x64x128xf32, #tpu.memory_space<vmem>>, vector<1x1x16xf32>,
          %parallel_loop3A_320 = vector.shape_cast %parallel_loop3A_319 : vector<1x1x16xf32> to vector<16xf32>
          %parallel_loop3A_321 = arith.constant 0 : i32
          %parallel_loop3A_322 = arith.index_cast %parallel_loop3A_321 : i32 to index
          %parallel_loop3A_323 = arith.index_cast %parallel_loop3A_293 : i32 to index
          %parallel_loop3A_324 = arith.constant 16 : index
          %parallel_loop3A_325 = tpu.vector_load %arg7[%parallel_loop3A_322, %parallel_loop3A_323, %parallel_loop3A_324] {strides = array<i32>} : memref<3x64x128xf32, #tpu.memory_space<vmem>>, vector<1x1x16xf32>,
          %parallel_loop3A_326 = vector.shape_cast %parallel_loop3A_325 : vector<1x1x16xf32> to vector<16xf32>
          %parallel_loop3A_327 = math.exp %parallel_loop3A_326 : vector<16xf32>
          %parallel_loop3A_328 = arith.addf %parallel_loop3A_320, %parallel_loop3A_327 : vector<16xf32>
          %parallel_loop3A_329 = arith.constant 0 : i32
          %parallel_loop3A_330 = arith.index_cast %parallel_loop3A_329 : i32 to index
          %parallel_loop3A_331 = arith.index_cast %parallel_loop3A_293 : i32 to index
          %parallel_loop3A_332 = arith.constant 16 : index
          %parallel_loop3A_333 = tpu.vector_load %arg8[%parallel_loop3A_330, %parallel_loop3A_331, %parallel_loop3A_332] {strides = array<i32>} : memref<3x64x128xf32, #tpu.memory_space<vmem>>, vector<1x1x16xf32>,
          %parallel_loop3A_334 = vector.shape_cast %parallel_loop3A_333 : vector<1x1x16xf32> to vector<16xf32>
          %parallel_loop3A_335 = vector.shape_cast %parallel_loop3A_328 : vector<16xf32> to vector<1x1x16xf32>
          tpu.vector_store %arg8[%parallel_loop3A_330, %parallel_loop3A_331, %parallel_loop3A_332], %parallel_loop3A_335 {strides = array<i32>} : memref<3x64x128xf32, #tpu.memory_space<vmem>>, vector<1x1x16xf32>,
          %parallel_loop3A_336 = arith.constant 0 : i32
          %parallel_loop3A_337 = arith.index_cast %parallel_loop3A_336 : i32 to index
          %parallel_loop3A_338 = arith.index_cast %parallel_loop3A_293 : i32 to index
          %parallel_loop3A_339 = arith.constant 32 : index
          %parallel_loop3A_340 = tpu.vector_load %arg8[%parallel_loop3A_337, %parallel_loop3A_338, %parallel_loop3A_339] {strides = array<i32>} : memref<3x64x128xf32, #tpu.memory_space<vmem>>, vector<1x1x16xf32>,
          %parallel_loop3A_341 = vector.shape_cast %parallel_loop3A_340 : vector<1x1x16xf32> to vector<16xf32>
          %parallel_loop3A_342 = arith.constant 0 : i32
          %parallel_loop3A_343 = arith.index_cast %parallel_loop3A_342 : i32 to index
          %parallel_loop3A_344 = arith.index_cast %parallel_loop3A_293 : i32 to index
          %parallel_loop3A_345 = arith.constant 32 : index
          %parallel_loop3A_346 = tpu.vector_load %arg7[%parallel_loop3A_343, %parallel_loop3A_344, %parallel_loop3A_345] {strides = array<i32>} : memref<3x64x128xf32, #tpu.memory_space<vmem>>, vector<1x1x16xf32>,
          %parallel_loop3A_347 = vector.shape_cast %parallel_loop3A_346 : vector<1x1x16xf32> to vector<16xf32>
          %parallel_loop3A_348 = math.exp %parallel_loop3A_347 : vector<16xf32>
          %parallel_loop3A_349 = arith.addf %parallel_loop3A_341, %parallel_loop3A_348 : vector<16xf32>
          %parallel_loop3A_350 = arith.constant 0 : i32
          %parallel_loop3A_351 = arith.index_cast %parallel_loop3A_350 : i32 to index
          %parallel_loop3A_352 = arith.index_cast %parallel_loop3A_293 : i32 to index
          %parallel_loop3A_353 = arith.constant 32 : index
          %parallel_loop3A_354 = tpu.vector_load %arg8[%parallel_loop3A_351, %parallel_loop3A_352, %parallel_loop3A_353] {strides = array<i32>} : memref<3x64x128xf32, #tpu.memory_space<vmem>>, vector<1x1x16xf32>,
          %parallel_loop3A_355 = vector.shape_cast %parallel_loop3A_354 : vector<1x1x16xf32> to vector<16xf32>
          %parallel_loop3A_356 = vector.shape_cast %parallel_loop3A_349 : vector<16xf32> to vector<1x1x16xf32>
          tpu.vector_store %arg8[%parallel_loop3A_351, %parallel_loop3A_352, %parallel_loop3A_353], %parallel_loop3A_356 {strides = array<i32>} : memref<3x64x128xf32, #tpu.memory_space<vmem>>, vector<1x1x16xf32>,
          %parallel_loop3A_357 = arith.constant 0 : i32
          %parallel_loop3A_358 = arith.index_cast %parallel_loop3A_357 : i32 to index
          %parallel_loop3A_359 = arith.index_cast %parallel_loop3A_293 : i32 to index
          %parallel_loop3A_360 = arith.constant 48 : index
          %parallel_loop3A_361 = tpu.vector_load %arg8[%parallel_loop3A_358, %parallel_loop3A_359, %parallel_loop3A_360] {strides = array<i32>} : memref<3x64x128xf32, #tpu.memory_space<vmem>>, vector<1x1x16xf32>,
          %parallel_loop3A_362 = vector.shape_cast %parallel_loop3A_361 : vector<1x1x16xf32> to vector<16xf32>
          %parallel_loop3A_363 = arith.constant 0 : i32
          %parallel_loop3A_364 = arith.index_cast %parallel_loop3A_363 : i32 to index
          %parallel_loop3A_365 = arith.index_cast %parallel_loop3A_293 : i32 to index
          %parallel_loop3A_366 = arith.constant 48 : index
          %parallel_loop3A_367 = tpu.vector_load %arg7[%parallel_loop3A_364, %parallel_loop3A_365, %parallel_loop3A_366] {strides = array<i32>} : memref<3x64x128xf32, #tpu.memory_space<vmem>>, vector<1x1x16xf32>,
          %parallel_loop3A_368 = vector.shape_cast %parallel_loop3A_367 : vector<1x1x16xf32> to vector<16xf32>
          %parallel_loop3A_369 = math.exp %parallel_loop3A_368 : vector<16xf32>
          %parallel_loop3A_370 = arith.addf %parallel_loop3A_362, %parallel_loop3A_369 : vector<16xf32>
          %parallel_loop3A_371 = arith.constant 0 : i32
          %parallel_loop3A_372 = arith.index_cast %parallel_loop3A_371 : i32 to index
          %parallel_loop3A_373 = arith.index_cast %parallel_loop3A_293 : i32 to index
          %parallel_loop3A_374 = arith.constant 48 : index
          %parallel_loop3A_375 = tpu.vector_load %arg8[%parallel_loop3A_372, %parallel_loop3A_373, %parallel_loop3A_374] {strides = array<i32>} : memref<3x64x128xf32, #tpu.memory_space<vmem>>, vector<1x1x16xf32>,
          %parallel_loop3A_376 = vector.shape_cast %parallel_loop3A_375 : vector<1x1x16xf32> to vector<16xf32>
          %parallel_loop3A_377 = vector.shape_cast %parallel_loop3A_370 : vector<16xf32> to vector<1x1x16xf32>
          tpu.vector_store %arg8[%parallel_loop3A_372, %parallel_loop3A_373, %parallel_loop3A_374], %parallel_loop3A_377 {strides = array<i32>} : memref<3x64x128xf32, #tpu.memory_space<vmem>>, vector<1x1x16xf32>,
          %parallel_loop3A_378 = arith.constant 0 : i32
          %parallel_loop3A_379 = arith.index_cast %parallel_loop3A_378 : i32 to index
          %parallel_loop3A_380 = arith.index_cast %parallel_loop3A_293 : i32 to index
          %parallel_loop3A_381 = arith.constant 64 : index
          %parallel_loop3A_382 = tpu.vector_load %arg8[%parallel_loop3A_379, %parallel_loop3A_380, %parallel_loop3A_381] {strides = array<i32>} : memref<3x64x128xf32, #tpu.memory_space<vmem>>, vector<1x1x16xf32>,
          %parallel_loop3A_383 = vector.shape_cast %parallel_loop3A_382 : vector<1x1x16xf32> to vector<16xf32>
          %parallel_loop3A_384 = arith.constant 0 : i32
          %parallel_loop3A_385 = arith.index_cast %parallel_loop3A_384 : i32 to index
          %parallel_loop3A_386 = arith.index_cast %parallel_loop3A_293 : i32 to index
          %parallel_loop3A_387 = arith.constant 64 : index
          %parallel_loop3A_388 = tpu.vector_load %arg7[%parallel_loop3A_385, %parallel_loop3A_386, %parallel_loop3A_387] {strides = array<i32>} : memref<3x64x128xf32, #tpu.memory_space<vmem>>, vector<1x1x16xf32>,
          %parallel_loop3A_389 = vector.shape_cast %parallel_loop3A_388 : vector<1x1x16xf32> to vector<16xf32>
          %parallel_loop3A_390 = math.exp %parallel_loop3A_389 : vector<16xf32>
          %parallel_loop3A_391 = arith.addf %parallel_loop3A_383, %parallel_loop3A_390 : vector<16xf32>
          %parallel_loop3A_392 = arith.constant 0 : i32
          %parallel_loop3A_393 = arith.index_cast %parallel_loop3A_392 : i32 to index
          %parallel_loop3A_394 = arith.index_cast %parallel_loop3A_293 : i32 to index
          %parallel_loop3A_395 = arith.constant 64 : index
          %parallel_loop3A_396 = tpu.vector_load %arg8[%parallel_loop3A_393, %parallel_loop3A_394, %parallel_loop3A_395] {strides = array<i32>} : memref<3x64x128xf32, #tpu.memory_space<vmem>>, vector<1x1x16xf32>,
          %parallel_loop3A_397 = vector.shape_cast %parallel_loop3A_396 : vector<1x1x16xf32> to vector<16xf32>
          %parallel_loop3A_398 = vector.shape_cast %parallel_loop3A_391 : vector<16xf32> to vector<1x1x16xf32>
          tpu.vector_store %arg8[%parallel_loop3A_393, %parallel_loop3A_394, %parallel_loop3A_395], %parallel_loop3A_398 {strides = array<i32>} : memref<3x64x128xf32, #tpu.memory_space<vmem>>, vector<1x1x16xf32>,
          %parallel_loop3A_399 = arith.constant 0 : i32
          %parallel_loop3A_400 = arith.index_cast %parallel_loop3A_399 : i32 to index
          %parallel_loop3A_401 = arith.index_cast %parallel_loop3A_293 : i32 to index
          %parallel_loop3A_402 = arith.constant 80 : index
          %parallel_loop3A_403 = tpu.vector_load %arg8[%parallel_loop3A_400, %parallel_loop3A_401, %parallel_loop3A_402] {strides = array<i32>} : memref<3x64x128xf32, #tpu.memory_space<vmem>>, vector<1x1x16xf32>,
          %parallel_loop3A_404 = vector.shape_cast %parallel_loop3A_403 : vector<1x1x16xf32> to vector<16xf32>
          %parallel_loop3A_405 = arith.constant 0 : i32
          %parallel_loop3A_406 = arith.index_cast %parallel_loop3A_405 : i32 to index
          %parallel_loop3A_407 = arith.index_cast %parallel_loop3A_293 : i32 to index
          %parallel_loop3A_408 = arith.constant 80 : index
          %parallel_loop3A_409 = tpu.vector_load %arg7[%parallel_loop3A_406, %parallel_loop3A_407, %parallel_loop3A_408] {strides = array<i32>} : memref<3x64x128xf32, #tpu.memory_space<vmem>>, vector<1x1x16xf32>,
          %parallel_loop3A_410 = vector.shape_cast %parallel_loop3A_409 : vector<1x1x16xf32> to vector<16xf32>
          %parallel_loop3A_411 = math.exp %parallel_loop3A_410 : vector<16xf32>
          %parallel_loop3A_412 = arith.addf %parallel_loop3A_404, %parallel_loop3A_411 : vector<16xf32>
          %parallel_loop3A_413 = arith.constant 0 : i32
          %parallel_loop3A_414 = arith.index_cast %parallel_loop3A_413 : i32 to index
          %parallel_loop3A_415 = arith.index_cast %parallel_loop3A_293 : i32 to index
          %parallel_loop3A_416 = arith.constant 80 : index
          %parallel_loop3A_417 = tpu.vector_load %arg8[%parallel_loop3A_414, %parallel_loop3A_415, %parallel_loop3A_416] {strides = array<i32>} : memref<3x64x128xf32, #tpu.memory_space<vmem>>, vector<1x1x16xf32>,
          %parallel_loop3A_418 = vector.shape_cast %parallel_loop3A_417 : vector<1x1x16xf32> to vector<16xf32>
          %parallel_loop3A_419 = vector.shape_cast %parallel_loop3A_412 : vector<16xf32> to vector<1x1x16xf32>
          tpu.vector_store %arg8[%parallel_loop3A_414, %parallel_loop3A_415, %parallel_loop3A_416], %parallel_loop3A_419 {strides = array<i32>} : memref<3x64x128xf32, #tpu.memory_space<vmem>>, vector<1x1x16xf32>,
          %parallel_loop3A_420 = arith.constant 0 : i32
          %parallel_loop3A_421 = arith.index_cast %parallel_loop3A_420 : i32 to index
          %parallel_loop3A_422 = arith.index_cast %parallel_loop3A_293 : i32 to index
          %parallel_loop3A_423 = arith.constant 96 : index
          %parallel_loop3A_424 = tpu.vector_load %arg8[%parallel_loop3A_421, %parallel_loop3A_422, %parallel_loop3A_423] {strides = array<i32>} : memref<3x64x128xf32, #tpu.memory_space<vmem>>, vector<1x1x16xf32>,
          %parallel_loop3A_425 = vector.shape_cast %parallel_loop3A_424 : vector<1x1x16xf32> to vector<16xf32>
          %parallel_loop3A_426 = arith.constant 0 : i32
          %parallel_loop3A_427 = arith.index_cast %parallel_loop3A_426 : i32 to index
          %parallel_loop3A_428 = arith.index_cast %parallel_loop3A_293 : i32 to index
          %parallel_loop3A_429 = arith.constant 96 : index
          %parallel_loop3A_430 = tpu.vector_load %arg7[%parallel_loop3A_427, %parallel_loop3A_428, %parallel_loop3A_429] {strides = array<i32>} : memref<3x64x128xf32, #tpu.memory_space<vmem>>, vector<1x1x16xf32>,
          %parallel_loop3A_431 = vector.shape_cast %parallel_loop3A_430 : vector<1x1x16xf32> to vector<16xf32>
          %parallel_loop3A_432 = math.exp %parallel_loop3A_431 : vector<16xf32>
          %parallel_loop3A_433 = arith.addf %parallel_loop3A_425, %parallel_loop3A_432 : vector<16xf32>
          %parallel_loop3A_434 = arith.constant 0 : i32
          %parallel_loop3A_435 = arith.index_cast %parallel_loop3A_434 : i32 to index
          %parallel_loop3A_436 = arith.index_cast %parallel_loop3A_293 : i32 to index
          %parallel_loop3A_437 = arith.constant 96 : index
          %parallel_loop3A_438 = tpu.vector_load %arg8[%parallel_loop3A_435, %parallel_loop3A_436, %parallel_loop3A_437] {strides = array<i32>} : memref<3x64x128xf32, #tpu.memory_space<vmem>>, vector<1x1x16xf32>,
          %parallel_loop3A_439 = vector.shape_cast %parallel_loop3A_438 : vector<1x1x16xf32> to vector<16xf32>
          %parallel_loop3A_440 = vector.shape_cast %parallel_loop3A_433 : vector<16xf32> to vector<1x1x16xf32>
          tpu.vector_store %arg8[%parallel_loop3A_435, %parallel_loop3A_436, %parallel_loop3A_437], %parallel_loop3A_440 {strides = array<i32>} : memref<3x64x128xf32, #tpu.memory_space<vmem>>, vector<1x1x16xf32>,
          %parallel_loop3A_441 = arith.constant 0 : i32
          %parallel_loop3A_442 = arith.index_cast %parallel_loop3A_441 : i32 to index
          %parallel_loop3A_443 = arith.index_cast %parallel_loop3A_293 : i32 to index
          %parallel_loop3A_444 = arith.constant 112 : index
          %parallel_loop3A_445 = tpu.vector_load %arg8[%parallel_loop3A_442, %parallel_loop3A_443, %parallel_loop3A_444] {strides = array<i32>} : memref<3x64x128xf32, #tpu.memory_space<vmem>>, vector<1x1x16xf32>,
          %parallel_loop3A_446 = vector.shape_cast %parallel_loop3A_445 : vector<1x1x16xf32> to vector<16xf32>
          %parallel_loop3A_447 = arith.constant 0 : i32
          %parallel_loop3A_448 = arith.index_cast %parallel_loop3A_447 : i32 to index
          %parallel_loop3A_449 = arith.index_cast %parallel_loop3A_293 : i32 to index
          %parallel_loop3A_450 = arith.constant 112 : index
          %parallel_loop3A_451 = tpu.vector_load %arg7[%parallel_loop3A_448, %parallel_loop3A_449, %parallel_loop3A_450] {strides = array<i32>} : memref<3x64x128xf32, #tpu.memory_space<vmem>>, vector<1x1x16xf32>,
          %parallel_loop3A_452 = vector.shape_cast %parallel_loop3A_451 : vector<1x1x16xf32> to vector<16xf32>
          %parallel_loop3A_453 = math.exp %parallel_loop3A_452 : vector<16xf32>
          %parallel_loop3A_454 = arith.addf %parallel_loop3A_446, %parallel_loop3A_453 : vector<16xf32>
          %parallel_loop3A_455 = arith.constant 0 : i32
          %parallel_loop3A_456 = arith.index_cast %parallel_loop3A_455 : i32 to index
          %parallel_loop3A_457 = arith.index_cast %parallel_loop3A_293 : i32 to index
          %parallel_loop3A_458 = arith.constant 112 : index
          %parallel_loop3A_459 = tpu.vector_load %arg8[%parallel_loop3A_456, %parallel_loop3A_457, %parallel_loop3A_458] {strides = array<i32>} : memref<3x64x128xf32, #tpu.memory_space<vmem>>, vector<1x1x16xf32>,
          %parallel_loop3A_460 = vector.shape_cast %parallel_loop3A_459 : vector<1x1x16xf32> to vector<16xf32>
          %parallel_loop3A_461 = vector.shape_cast %parallel_loop3A_454 : vector<16xf32> to vector<1x1x16xf32>
          tpu.vector_store %arg8[%parallel_loop3A_456, %parallel_loop3A_457, %parallel_loop3A_458], %parallel_loop3A_461 {strides = array<i32>} : memref<3x64x128xf32, #tpu.memory_space<vmem>>, vector<1x1x16xf32>,
        } {sc.loop_unroll_factor = 4 : i64, sc.parallel_access}
        %dma_start3A_272 = arith.constant 0 : i32
        %dma_start3A_273 = arith.constant 0 : i32
        %dma_start3A_274 = arith.constant 0 : i32
        %dma_start3A_275 = arith.constant 0 : i32
        %dma_start3A_276 = arith.constant 0 : i32
        %dma_start3A_277 = tpu.memref_slice %arg8[%dma_start3A_272, %dma_start3A_275, %dma_start3A_276] : memref<3x64x128xf32, #tpu.memory_space<vmem>> -> memref<1x64x128xf32, #tpu.memory_space<vmem>>
        %dma_start3A_278 = tpu.memref_squeeze %dma_start3A_277 : memref<1x64x128xf32, #tpu.memory_space<vmem>> -> memref<64x128xf32, #tpu.memory_space<vmem>>
        %dma_start3A_279 = arith.constant 0 : i32
        %dma_start3A_280 = arith.constant 0 : i32
        %dma_start3A_281 = tpu.memref_slice %arg9[%arg1, %dma_start3A_273, %dma_start3A_279, %dma_start3A_280] : memref<16x3x64x128xf32, #tpu.memory_space<vmem_shared>> -> memref<1x1x64x128xf32, #tpu.memory_space<vmem_shared>>
        %dma_start3A_282 = tpu.memref_squeeze %dma_start3A_281 : memref<1x1x64x128xf32, #tpu.memory_space<vmem_shared>> -> memref<64x128xf32, #tpu.memory_space<vmem_shared>>
        %dma_start3A_283 = tpu.memref_slice %arg12[%dma_start3A_274] : memref<3x!tpu.dma_semaphore, #tpu.memory_space<semaphore_mem>> -> memref<1x!tpu.dma_semaphore, #tpu.memory_space<semaphore_mem>>
        %dma_start3A_284 = tpu.memref_squeeze %dma_start3A_283 : memref<1x!tpu.dma_semaphore, #tpu.memory_space<semaphore_mem>> -> memref<!tpu.dma_semaphore, #tpu.memory_space<semaphore_mem>>
        %dma_start3A_285 = arith.constant 0 : i32
        %dma_start3A_286 = arith.constant 0 : i32
        %dma_start3A_287 = tpu.memref_slice %arg9[%arg1, %dma_start3A_273, %dma_start3A_285, %dma_start3A_286] : memref<16x3x64x128xf32, #tpu.memory_space<vmem_shared>> -> memref<1x1x64x128xf32, #tpu.memory_space<vmem_shared>>
        %dma_start3A_288 = tpu.memref_squeeze %dma_start3A_287 : memref<1x1x64x128xf32, #tpu.memory_space<vmem_shared>> -> memref<64x128xf32, #tpu.memory_space<vmem_shared>>
        %dma_start3A_289 = arith.constant 0 : i32
        %dma_start3A_290 = arith.constant 0 : i32
        %dma_start3A_291 = tpu.memref_slice %arg8[%dma_start3A_272, %dma_start3A_289, %dma_start3A_290] : memref<3x64x128xf32, #tpu.memory_space<vmem>> -> memref<1x64x128xf32, #tpu.memory_space<vmem>>
        %dma_start3A_292 = tpu.memref_squeeze %dma_start3A_291 : memref<1x64x128xf32, #tpu.memory_space<vmem>> -> memref<64x128xf32, #tpu.memory_space<vmem>>
        tpu.enqueue_dma source(%dma_start3A_292 : memref<64x128xf32, #tpu.memory_space<vmem>>) target(%dma_start3A_288 : memref<64x128xf32, #tpu.memory_space<vmem_shared>>) target_semaphore(%dma_start3A_284 : memref<!tpu.dma_semaphore, #tpu.memory_space<semaphore_mem>>)
      } else {
      }
      %jit3A_228 = arith.constant 3 : i32
      %eq3A_229 = arith.constant 0 : i32
      %eq3A_230 = arith.cmpi eq, %jit3A_228, %eq3A_229 : i32
      %jit3A_231 = arith.constant 1 : i32
      %select_n3A_232 = arith.select %eq3A_230, %jit3A_231, %jit3A_228 : i32
      %rem3A_233 = arith.remsi %scan3A_135, %select_n3A_232 : i32
      %ne3A_234 = arith.constant 0 : i32
      %ne3A_235 = arith.cmpi ne, %rem3A_233, %ne3A_234 : i32
      %lt3A_236 = arith.constant 0 : i32
      %lt3A_237 = arith.cmpi slt, %rem3A_233, %lt3A_236 : i32
      %lt3A_238 = arith.constant 0 : i32
      %lt3A_239 = arith.cmpi slt, %select_n3A_232, %lt3A_238 : i32
      %ne3A_240 = arith.xori %lt3A_237, %lt3A_239 : i1
      %and3A_241 = arith.andi %ne3A_240, %ne3A_235 : i1
      %add3A_242 = arith.addi %rem3A_233, %select_n3A_232 : i32
      %select_n3A_243 = arith.select %and3A_241, %add3A_242, %rem3A_233 : i32
      %eq3A_244 = arith.constant 1 : i32
      %eq3A_245 = arith.cmpi eq, %select_n3A_243, %eq3A_244 : i32
      %convert_element_type3A_246 = arith.extui %eq3A_245 : i1 to i32
      %cond3A_247 = arith.constant 0 : i32
      %cond3A_248 = arith.cmpi ne, %convert_element_type3A_246, %cond3A_247 : i32
      scf.if %cond3A_248 {
        %parallel_loop3A = arith.constant 0 : i32
        %parallel_loop3A_270 = arith.constant 64 : i32
        %parallel_loop3A_271 = arith.constant 1 : i32
        scf.for %parallel_loop3A_293 = %parallel_loop3A to %parallel_loop3A_270 step %parallel_loop3A_271  : i32 {
          %parallel_loop3A_294 = arith.constant 1 : i32
          %parallel_loop3A_295 = arith.index_cast %parallel_loop3A_294 : i32 to index
          %parallel_loop3A_296 = arith.index_cast %parallel_loop3A_293 : i32 to index
          %parallel_loop3A_297 = arith.constant 0 : index
          %parallel_loop3A_298 = tpu.vector_load %arg8[%parallel_loop3A_295, %parallel_loop3A_296, %parallel_loop3A_297] {strides = array<i32>} : memref<3x64x128xf32, #tpu.memory_space<vmem>>, vector<1x1x16xf32>,
          %parallel_loop3A_299 = vector.shape_cast %parallel_loop3A_298 : vector<1x1x16xf32> to vector<16xf32>
          %parallel_loop3A_300 = arith.constant 1 : i32
          %parallel_loop3A_301 = arith.index_cast %parallel_loop3A_300 : i32 to index
          %parallel_loop3A_302 = arith.index_cast %parallel_loop3A_293 : i32 to index
          %parallel_loop3A_303 = arith.constant 0 : index
          %parallel_loop3A_304 = tpu.vector_load %arg7[%parallel_loop3A_301, %parallel_loop3A_302, %parallel_loop3A_303] {strides = array<i32>} : memref<3x64x128xf32, #tpu.memory_space<vmem>>, vector<1x1x16xf32>,
          %parallel_loop3A_305 = vector.shape_cast %parallel_loop3A_304 : vector<1x1x16xf32> to vector<16xf32>
          %parallel_loop3A_306 = math.exp %parallel_loop3A_305 : vector<16xf32>
          %parallel_loop3A_307 = arith.addf %parallel_loop3A_299, %parallel_loop3A_306 : vector<16xf32>
          %parallel_loop3A_308 = arith.constant 1 : i32
          %parallel_loop3A_309 = arith.index_cast %parallel_loop3A_308 : i32 to index
          %parallel_loop3A_310 = arith.index_cast %parallel_loop3A_293 : i32 to index
          %parallel_loop3A_311 = arith.constant 0 : index
          %parallel_loop3A_312 = tpu.vector_load %arg8[%parallel_loop3A_309, %parallel_loop3A_310, %parallel_loop3A_311] {strides = array<i32>} : memref<3x64x128xf32, #tpu.memory_space<vmem>>, vector<1x1x16xf32>,
          %parallel_loop3A_313 = vector.shape_cast %parallel_loop3A_312 : vector<1x1x16xf32> to vector<16xf32>
          %parallel_loop3A_314 = vector.shape_cast %parallel_loop3A_307 : vector<16xf32> to vector<1x1x16xf32>
          tpu.vector_store %arg8[%parallel_loop3A_309, %parallel_loop3A_310, %parallel_loop3A_311], %parallel_loop3A_314 {strides = array<i32>} : memref<3x64x128xf32, #tpu.memory_space<vmem>>, vector<1x1x16xf32>,
          %parallel_loop3A_315 = arith.constant 1 : i32
          %parallel_loop3A_316 = arith.index_cast %parallel_loop3A_315 : i32 to index
          %parallel_loop3A_317 = arith.index_cast %parallel_loop3A_293 : i32 to index
          %parallel_loop3A_318 = arith.constant 16 : index
          %parallel_loop3A_319 = tpu.vector_load %arg8[%parallel_loop3A_316, %parallel_loop3A_317, %parallel_loop3A_318] {strides = array<i32>} : memref<3x64x128xf32, #tpu.memory_space<vmem>>, vector<1x1x16xf32>,
          %parallel_loop3A_320 = vector.shape_cast %parallel_loop3A_319 : vector<1x1x16xf32> to vector<16xf32>
          %parallel_loop3A_321 = arith.constant 1 : i32
          %parallel_loop3A_322 = arith.index_cast %parallel_loop3A_321 : i32 to index
          %parallel_loop3A_323 = arith.index_cast %parallel_loop3A_293 : i32 to index
          %parallel_loop3A_324 = arith.constant 16 : index
          %parallel_loop3A_325 = tpu.vector_load %arg7[%parallel_loop3A_322, %parallel_loop3A_323, %parallel_loop3A_324] {strides = array<i32>} : memref<3x64x128xf32, #tpu.memory_space<vmem>>, vector<1x1x16xf32>,
          %parallel_loop3A_326 = vector.shape_cast %parallel_loop3A_325 : vector<1x1x16xf32> to vector<16xf32>
          %parallel_loop3A_327 = math.exp %parallel_loop3A_326 : vector<16xf32>
          %parallel_loop3A_328 = arith.addf %parallel_loop3A_320, %parallel_loop3A_327 : vector<16xf32>
          %parallel_loop3A_329 = arith.constant 1 : i32
          %parallel_loop3A_330 = arith.index_cast %parallel_loop3A_329 : i32 to index
          %parallel_loop3A_331 = arith.index_cast %parallel_loop3A_293 : i32 to index
          %parallel_loop3A_332 = arith.constant 16 : index
          %parallel_loop3A_333 = tpu.vector_load %arg8[%parallel_loop3A_330, %parallel_loop3A_331, %parallel_loop3A_332] {strides = array<i32>} : memref<3x64x128xf32, #tpu.memory_space<vmem>>, vector<1x1x16xf32>,
          %parallel_loop3A_334 = vector.shape_cast %parallel_loop3A_333 : vector<1x1x16xf32> to vector<16xf32>
          %parallel_loop3A_335 = vector.shape_cast %parallel_loop3A_328 : vector<16xf32> to vector<1x1x16xf32>
          tpu.vector_store %arg8[%parallel_loop3A_330, %parallel_loop3A_331, %parallel_loop3A_332], %parallel_loop3A_335 {strides = array<i32>} : memref<3x64x128xf32, #tpu.memory_space<vmem>>, vector<1x1x16xf32>,
          %parallel_loop3A_336 = arith.constant 1 : i32
          %parallel_loop3A_337 = arith.index_cast %parallel_loop3A_336 : i32 to index
          %parallel_loop3A_338 = arith.index_cast %parallel_loop3A_293 : i32 to index
          %parallel_loop3A_339 = arith.constant 32 : index
          %parallel_loop3A_340 = tpu.vector_load %arg8[%parallel_loop3A_337, %parallel_loop3A_338, %parallel_loop3A_339] {strides = array<i32>} : memref<3x64x128xf32, #tpu.memory_space<vmem>>, vector<1x1x16xf32>,
          %parallel_loop3A_341 = vector.shape_cast %parallel_loop3A_340 : vector<1x1x16xf32> to vector<16xf32>
          %parallel_loop3A_342 = arith.constant 1 : i32
          %parallel_loop3A_343 = arith.index_cast %parallel_loop3A_342 : i32 to index
          %parallel_loop3A_344 = arith.index_cast %parallel_loop3A_293 : i32 to index
          %parallel_loop3A_345 = arith.constant 32 : index
          %parallel_loop3A_346 = tpu.vector_load %arg7[%parallel_loop3A_343, %parallel_loop3A_344, %parallel_loop3A_345] {strides = array<i32>} : memref<3x64x128xf32, #tpu.memory_space<vmem>>, vector<1x1x16xf32>,
          %parallel_loop3A_347 = vector.shape_cast %parallel_loop3A_346 : vector<1x1x16xf32> to vector<16xf32>
          %parallel_loop3A_348 = math.exp %parallel_loop3A_347 : vector<16xf32>
          %parallel_loop3A_349 = arith.addf %parallel_loop3A_341, %parallel_loop3A_348 : vector<16xf32>
          %parallel_loop3A_350 = arith.constant 1 : i32
          %parallel_loop3A_351 = arith.index_cast %parallel_loop3A_350 : i32 to index
          %parallel_loop3A_352 = arith.index_cast %parallel_loop3A_293 : i32 to index
          %parallel_loop3A_353 = arith.constant 32 : index
          %parallel_loop3A_354 = tpu.vector_load %arg8[%parallel_loop3A_351, %parallel_loop3A_352, %parallel_loop3A_353] {strides = array<i32>} : memref<3x64x128xf32, #tpu.memory_space<vmem>>, vector<1x1x16xf32>,
          %parallel_loop3A_355 = vector.shape_cast %parallel_loop3A_354 : vector<1x1x16xf32> to vector<16xf32>
          %parallel_loop3A_356 = vector.shape_cast %parallel_loop3A_349 : vector<16xf32> to vector<1x1x16xf32>
          tpu.vector_store %arg8[%parallel_loop3A_351, %parallel_loop3A_352, %parallel_loop3A_353], %parallel_loop3A_356 {strides = array<i32>} : memref<3x64x128xf32, #tpu.memory_space<vmem>>, vector<1x1x16xf32>,
          %parallel_loop3A_357 = arith.constant 1 : i32
          %parallel_loop3A_358 = arith.index_cast %parallel_loop3A_357 : i32 to index
          %parallel_loop3A_359 = arith.index_cast %parallel_loop3A_293 : i32 to index
          %parallel_loop3A_360 = arith.constant 48 : index
          %parallel_loop3A_361 = tpu.vector_load %arg8[%parallel_loop3A_358, %parallel_loop3A_359, %parallel_loop3A_360] {strides = array<i32>} : memref<3x64x128xf32, #tpu.memory_space<vmem>>, vector<1x1x16xf32>,
          %parallel_loop3A_362 = vector.shape_cast %parallel_loop3A_361 : vector<1x1x16xf32> to vector<16xf32>
          %parallel_loop3A_363 = arith.constant 1 : i32
          %parallel_loop3A_364 = arith.index_cast %parallel_loop3A_363 : i32 to index
          %parallel_loop3A_365 = arith.index_cast %parallel_loop3A_293 : i32 to index
          %parallel_loop3A_366 = arith.constant 48 : index
          %parallel_loop3A_367 = tpu.vector_load %arg7[%parallel_loop3A_364, %parallel_loop3A_365, %parallel_loop3A_366] {strides = array<i32>} : memref<3x64x128xf32, #tpu.memory_space<vmem>>, vector<1x1x16xf32>,
          %parallel_loop3A_368 = vector.shape_cast %parallel_loop3A_367 : vector<1x1x16xf32> to vector<16xf32>
          %parallel_loop3A_369 = math.exp %parallel_loop3A_368 : vector<16xf32>
          %parallel_loop3A_370 = arith.addf %parallel_loop3A_362, %parallel_loop3A_369 : vector<16xf32>
          %parallel_loop3A_371 = arith.constant 1 : i32
          %parallel_loop3A_372 = arith.index_cast %parallel_loop3A_371 : i32 to index
          %parallel_loop3A_373 = arith.index_cast %parallel_loop3A_293 : i32 to index
          %parallel_loop3A_374 = arith.constant 48 : index
          %parallel_loop3A_375 = tpu.vector_load %arg8[%parallel_loop3A_372, %parallel_loop3A_373, %parallel_loop3A_374] {strides = array<i32>} : memref<3x64x128xf32, #tpu.memory_space<vmem>>, vector<1x1x16xf32>,
          %parallel_loop3A_376 = vector.shape_cast %parallel_loop3A_375 : vector<1x1x16xf32> to vector<16xf32>
          %parallel_loop3A_377 = vector.shape_cast %parallel_loop3A_370 : vector<16xf32> to vector<1x1x16xf32>
          tpu.vector_store %arg8[%parallel_loop3A_372, %parallel_loop3A_373, %parallel_loop3A_374], %parallel_loop3A_377 {strides = array<i32>} : memref<3x64x128xf32, #tpu.memory_space<vmem>>, vector<1x1x16xf32>,
          %parallel_loop3A_378 = arith.constant 1 : i32
          %parallel_loop3A_379 = arith.index_cast %parallel_loop3A_378 : i32 to index
          %parallel_loop3A_380 = arith.index_cast %parallel_loop3A_293 : i32 to index
          %parallel_loop3A_381 = arith.constant 64 : index
          %parallel_loop3A_382 = tpu.vector_load %arg8[%parallel_loop3A_379, %parallel_loop3A_380, %parallel_loop3A_381] {strides = array<i32>} : memref<3x64x128xf32, #tpu.memory_space<vmem>>, vector<1x1x16xf32>,
          %parallel_loop3A_383 = vector.shape_cast %parallel_loop3A_382 : vector<1x1x16xf32> to vector<16xf32>
          %parallel_loop3A_384 = arith.constant 1 : i32
          %parallel_loop3A_385 = arith.index_cast %parallel_loop3A_384 : i32 to index
          %parallel_loop3A_386 = arith.index_cast %parallel_loop3A_293 : i32 to index
          %parallel_loop3A_387 = arith.constant 64 : index
          %parallel_loop3A_388 = tpu.vector_load %arg7[%parallel_loop3A_385, %parallel_loop3A_386, %parallel_loop3A_387] {strides = array<i32>} : memref<3x64x128xf32, #tpu.memory_space<vmem>>, vector<1x1x16xf32>,
          %parallel_loop3A_389 = vector.shape_cast %parallel_loop3A_388 : vector<1x1x16xf32> to vector<16xf32>
          %parallel_loop3A_390 = math.exp %parallel_loop3A_389 : vector<16xf32>
          %parallel_loop3A_391 = arith.addf %parallel_loop3A_383, %parallel_loop3A_390 : vector<16xf32>
          %parallel_loop3A_392 = arith.constant 1 : i32
          %parallel_loop3A_393 = arith.index_cast %parallel_loop3A_392 : i32 to index
          %parallel_loop3A_394 = arith.index_cast %parallel_loop3A_293 : i32 to index
          %parallel_loop3A_395 = arith.constant 64 : index
          %parallel_loop3A_396 = tpu.vector_load %arg8[%parallel_loop3A_393, %parallel_loop3A_394, %parallel_loop3A_395] {strides = array<i32>} : memref<3x64x128xf32, #tpu.memory_space<vmem>>, vector<1x1x16xf32>,
          %parallel_loop3A_397 = vector.shape_cast %parallel_loop3A_396 : vector<1x1x16xf32> to vector<16xf32>
          %parallel_loop3A_398 = vector.shape_cast %parallel_loop3A_391 : vector<16xf32> to vector<1x1x16xf32>
          tpu.vector_store %arg8[%parallel_loop3A_393, %parallel_loop3A_394, %parallel_loop3A_395], %parallel_loop3A_398 {strides = array<i32>} : memref<3x64x128xf32, #tpu.memory_space<vmem>>, vector<1x1x16xf32>,
          %parallel_loop3A_399 = arith.constant 1 : i32
          %parallel_loop3A_400 = arith.index_cast %parallel_loop3A_399 : i32 to index
          %parallel_loop3A_401 = arith.index_cast %parallel_loop3A_293 : i32 to index
          %parallel_loop3A_402 = arith.constant 80 : index
          %parallel_loop3A_403 = tpu.vector_load %arg8[%parallel_loop3A_400, %parallel_loop3A_401, %parallel_loop3A_402] {strides = array<i32>} : memref<3x64x128xf32, #tpu.memory_space<vmem>>, vector<1x1x16xf32>,
          %parallel_loop3A_404 = vector.shape_cast %parallel_loop3A_403 : vector<1x1x16xf32> to vector<16xf32>
          %parallel_loop3A_405 = arith.constant 1 : i32
          %parallel_loop3A_406 = arith.index_cast %parallel_loop3A_405 : i32 to index
          %parallel_loop3A_407 = arith.index_cast %parallel_loop3A_293 : i32 to index
          %parallel_loop3A_408 = arith.constant 80 : index
          %parallel_loop3A_409 = tpu.vector_load %arg7[%parallel_loop3A_406, %parallel_loop3A_407, %parallel_loop3A_408] {strides = array<i32>} : memref<3x64x128xf32, #tpu.memory_space<vmem>>, vector<1x1x16xf32>,
          %parallel_loop3A_410 = vector.shape_cast %parallel_loop3A_409 : vector<1x1x16xf32> to vector<16xf32>
          %parallel_loop3A_411 = math.exp %parallel_loop3A_410 : vector<16xf32>
          %parallel_loop3A_412 = arith.addf %parallel_loop3A_404, %parallel_loop3A_411 : vector<16xf32>
          %parallel_loop3A_413 = arith.constant 1 : i32
          %parallel_loop3A_414 = arith.index_cast %parallel_loop3A_413 : i32 to index
          %parallel_loop3A_415 = arith.index_cast %parallel_loop3A_293 : i32 to index
          %parallel_loop3A_416 = arith.constant 80 : index
          %parallel_loop3A_417 = tpu.vector_load %arg8[%parallel_loop3A_414, %parallel_loop3A_415, %parallel_loop3A_416] {strides = array<i32>} : memref<3x64x128xf32, #tpu.memory_space<vmem>>, vector<1x1x16xf32>,
          %parallel_loop3A_418 = vector.shape_cast %parallel_loop3A_417 : vector<1x1x16xf32> to vector<16xf32>
          %parallel_loop3A_419 = vector.shape_cast %parallel_loop3A_412 : vector<16xf32> to vector<1x1x16xf32>
          tpu.vector_store %arg8[%parallel_loop3A_414, %parallel_loop3A_415, %parallel_loop3A_416], %parallel_loop3A_419 {strides = array<i32>} : memref<3x64x128xf32, #tpu.memory_space<vmem>>, vector<1x1x16xf32>,
          %parallel_loop3A_420 = arith.constant 1 : i32
          %parallel_loop3A_421 = arith.index_cast %parallel_loop3A_420 : i32 to index
          %parallel_loop3A_422 = arith.index_cast %parallel_loop3A_293 : i32 to index
          %parallel_loop3A_423 = arith.constant 96 : index
          %parallel_loop3A_424 = tpu.vector_load %arg8[%parallel_loop3A_421, %parallel_loop3A_422, %parallel_loop3A_423] {strides = array<i32>} : memref<3x64x128xf32, #tpu.memory_space<vmem>>, vector<1x1x16xf32>,
          %parallel_loop3A_425 = vector.shape_cast %parallel_loop3A_424 : vector<1x1x16xf32> to vector<16xf32>
          %parallel_loop3A_426 = arith.constant 1 : i32
          %parallel_loop3A_427 = arith.index_cast %parallel_loop3A_426 : i32 to index
          %parallel_loop3A_428 = arith.index_cast %parallel_loop3A_293 : i32 to index
          %parallel_loop3A_429 = arith.constant 96 : index
          %parallel_loop3A_430 = tpu.vector_load %arg7[%parallel_loop3A_427, %parallel_loop3A_428, %parallel_loop3A_429] {strides = array<i32>} : memref<3x64x128xf32, #tpu.memory_space<vmem>>, vector<1x1x16xf32>,
          %parallel_loop3A_431 = vector.shape_cast %parallel_loop3A_430 : vector<1x1x16xf32> to vector<16xf32>
          %parallel_loop3A_432 = math.exp %parallel_loop3A_431 : vector<16xf32>
          %parallel_loop3A_433 = arith.addf %parallel_loop3A_425, %parallel_loop3A_432 : vector<16xf32>
          %parallel_loop3A_434 = arith.constant 1 : i32
          %parallel_loop3A_435 = arith.index_cast %parallel_loop3A_434 : i32 to index
          %parallel_loop3A_436 = arith.index_cast %parallel_loop3A_293 : i32 to index
          %parallel_loop3A_437 = arith.constant 96 : index
          %parallel_loop3A_438 = tpu.vector_load %arg8[%parallel_loop3A_435, %parallel_loop3A_436, %parallel_loop3A_437] {strides = array<i32>} : memref<3x64x128xf32, #tpu.memory_space<vmem>>, vector<1x1x16xf32>,
          %parallel_loop3A_439 = vector.shape_cast %parallel_loop3A_438 : vector<1x1x16xf32> to vector<16xf32>
          %parallel_loop3A_440 = vector.shape_cast %parallel_loop3A_433 : vector<16xf32> to vector<1x1x16xf32>
          tpu.vector_store %arg8[%parallel_loop3A_435, %parallel_loop3A_436, %parallel_loop3A_437], %parallel_loop3A_440 {strides = array<i32>} : memref<3x64x128xf32, #tpu.memory_space<vmem>>, vector<1x1x16xf32>,
          %parallel_loop3A_441 = arith.constant 1 : i32
          %parallel_loop3A_442 = arith.index_cast %parallel_loop3A_441 : i32 to index
          %parallel_loop3A_443 = arith.index_cast %parallel_loop3A_293 : i32 to index
          %parallel_loop3A_444 = arith.constant 112 : index
          %parallel_loop3A_445 = tpu.vector_load %arg8[%parallel_loop3A_442, %parallel_loop3A_443, %parallel_loop3A_444] {strides = array<i32>} : memref<3x64x128xf32, #tpu.memory_space<vmem>>, vector<1x1x16xf32>,
          %parallel_loop3A_446 = vector.shape_cast %parallel_loop3A_445 : vector<1x1x16xf32> to vector<16xf32>
          %parallel_loop3A_447 = arith.constant 1 : i32
          %parallel_loop3A_448 = arith.index_cast %parallel_loop3A_447 : i32 to index
          %parallel_loop3A_449 = arith.index_cast %parallel_loop3A_293 : i32 to index
          %parallel_loop3A_450 = arith.constant 112 : index
          %parallel_loop3A_451 = tpu.vector_load %arg7[%parallel_loop3A_448, %parallel_loop3A_449, %parallel_loop3A_450] {strides = array<i32>} : memref<3x64x128xf32, #tpu.memory_space<vmem>>, vector<1x1x16xf32>,
          %parallel_loop3A_452 = vector.shape_cast %parallel_loop3A_451 : vector<1x1x16xf32> to vector<16xf32>
          %parallel_loop3A_453 = math.exp %parallel_loop3A_452 : vector<16xf32>
          %parallel_loop3A_454 = arith.addf %parallel_loop3A_446, %parallel_loop3A_453 : vector<16xf32>
          %parallel_loop3A_455 = arith.constant 1 : i32
          %parallel_loop3A_456 = arith.index_cast %parallel_loop3A_455 : i32 to index
          %parallel_loop3A_457 = arith.index_cast %parallel_loop3A_293 : i32 to index
          %parallel_loop3A_458 = arith.constant 112 : index
          %parallel_loop3A_459 = tpu.vector_load %arg8[%parallel_loop3A_456, %parallel_loop3A_457, %parallel_loop3A_458] {strides = array<i32>} : memref<3x64x128xf32, #tpu.memory_space<vmem>>, vector<1x1x16xf32>,
          %parallel_loop3A_460 = vector.shape_cast %parallel_loop3A_459 : vector<1x1x16xf32> to vector<16xf32>
          %parallel_loop3A_461 = vector.shape_cast %parallel_loop3A_454 : vector<16xf32> to vector<1x1x16xf32>
          tpu.vector_store %arg8[%parallel_loop3A_456, %parallel_loop3A_457, %parallel_loop3A_458], %parallel_loop3A_461 {strides = array<i32>} : memref<3x64x128xf32, #tpu.memory_space<vmem>>, vector<1x1x16xf32>,
        } {sc.loop_unroll_factor = 4 : i64, sc.parallel_access}
        %dma_start3A_272 = arith.constant 1 : i32
        %dma_start3A_273 = arith.constant 1 : i32
        %dma_start3A_274 = arith.constant 1 : i32
        %dma_start3A_275 = arith.constant 0 : i32
        %dma_start3A_276 = arith.constant 0 : i32
        %dma_start3A_277 = tpu.memref_slice %arg8[%dma_start3A_272, %dma_start3A_275, %dma_start3A_276] : memref<3x64x128xf32, #tpu.memory_space<vmem>> -> memref<1x64x128xf32, #tpu.memory_space<vmem>>
        %dma_start3A_278 = tpu.memref_squeeze %dma_start3A_277 : memref<1x64x128xf32, #tpu.memory_space<vmem>> -> memref<64x128xf32, #tpu.memory_space<vmem>>
        %dma_start3A_279 = arith.constant 0 : i32
        %dma_start3A_280 = arith.constant 0 : i32
        %dma_start3A_281 = tpu.memref_slice %arg9[%arg1, %dma_start3A_273, %dma_start3A_279, %dma_start3A_280] : memref<16x3x64x128xf32, #tpu.memory_space<vmem_shared>> -> memref<1x1x64x128xf32, #tpu.memory_space<vmem_shared>>
        %dma_start3A_282 = tpu.memref_squeeze %dma_start3A_281 : memref<1x1x64x128xf32, #tpu.memory_space<vmem_shared>> -> memref<64x128xf32, #tpu.memory_space<vmem_shared>>
        %dma_start3A_283 = tpu.memref_slice %arg12[%dma_start3A_274] : memref<3x!tpu.dma_semaphore, #tpu.memory_space<semaphore_mem>> -> memref<1x!tpu.dma_semaphore, #tpu.memory_space<semaphore_mem>>
        %dma_start3A_284 = tpu.memref_squeeze %dma_start3A_283 : memref<1x!tpu.dma_semaphore, #tpu.memory_space<semaphore_mem>> -> memref<!tpu.dma_semaphore, #tpu.memory_space<semaphore_mem>>
        %dma_start3A_285 = arith.constant 0 : i32
        %dma_start3A_286 = arith.constant 0 : i32
        %dma_start3A_287 = tpu.memref_slice %arg9[%arg1, %dma_start3A_273, %dma_start3A_285, %dma_start3A_286] : memref<16x3x64x128xf32, #tpu.memory_space<vmem_shared>> -> memref<1x1x64x128xf32, #tpu.memory_space<vmem_shared>>
        %dma_start3A_288 = tpu.memref_squeeze %dma_start3A_287 : memref<1x1x64x128xf32, #tpu.memory_space<vmem_shared>> -> memref<64x128xf32, #tpu.memory_space<vmem_shared>>
        %dma_start3A_289 = arith.constant 0 : i32
        %dma_start3A_290 = arith.constant 0 : i32
        %dma_start3A_291 = tpu.memref_slice %arg8[%dma_start3A_272, %dma_start3A_289, %dma_start3A_290] : memref<3x64x128xf32, #tpu.memory_space<vmem>> -> memref<1x64x128xf32, #tpu.memory_space<vmem>>
        %dma_start3A_292 = tpu.memref_squeeze %dma_start3A_291 : memref<1x64x128xf32, #tpu.memory_space<vmem>> -> memref<64x128xf32, #tpu.memory_space<vmem>>
        tpu.enqueue_dma source(%dma_start3A_292 : memref<64x128xf32, #tpu.memory_space<vmem>>) target(%dma_start3A_288 : memref<64x128xf32, #tpu.memory_space<vmem_shared>>) target_semaphore(%dma_start3A_284 : memref<!tpu.dma_semaphore, #tpu.memory_space<semaphore_mem>>)
      } else {
      }
      %jit3A_249 = arith.constant 3 : i32
      %eq3A_250 = arith.constant 0 : i32
      %eq3A_251 = arith.cmpi eq, %jit3A_249, %eq3A_250 : i32
      %jit3A_252 = arith.constant 1 : i32
      %select_n3A_253 = arith.select %eq3A_251, %jit3A_252, %jit3A_249 : i32
      %rem3A_254 = arith.remsi %scan3A_135, %select_n3A_253 : i32
      %ne3A_255 = arith.constant 0 : i32
      %ne3A_256 = arith.cmpi ne, %rem3A_254, %ne3A_255 : i32
      %lt3A_257 = arith.constant 0 : i32
      %lt3A_258 = arith.cmpi slt, %rem3A_254, %lt3A_257 : i32
      %lt3A_259 = arith.constant 0 : i32
      %lt3A_260 = arith.cmpi slt, %select_n3A_253, %lt3A_259 : i32
      %ne3A_261 = arith.xori %lt3A_258, %lt3A_260 : i1
      %and3A_262 = arith.andi %ne3A_261, %ne3A_256 : i1
      %add3A_263 = arith.addi %rem3A_254, %select_n3A_253 : i32
      %select_n3A_264 = arith.select %and3A_262, %add3A_263, %rem3A_254 : i32
      %eq3A_265 = arith.constant 2 : i32
      %eq3A_266 = arith.cmpi eq, %select_n3A_264, %eq3A_265 : i32
      %convert_element_type3A_267 = arith.extui %eq3A_266 : i1 to i32
      %cond3A_268 = arith.constant 0 : i32
      %cond3A_269 = arith.cmpi ne, %convert_element_type3A_267, %cond3A_268 : i32
      scf.if %cond3A_269 {
        %parallel_loop3A = arith.constant 0 : i32
        %parallel_loop3A_270 = arith.constant 64 : i32
        %parallel_loop3A_271 = arith.constant 1 : i32
        scf.for %parallel_loop3A_293 = %parallel_loop3A to %parallel_loop3A_270 step %parallel_loop3A_271  : i32 {
          %parallel_loop3A_294 = arith.constant 2 : i32
          %parallel_loop3A_295 = arith.index_cast %parallel_loop3A_294 : i32 to index
          %parallel_loop3A_296 = arith.index_cast %parallel_loop3A_293 : i32 to index
          %parallel_loop3A_297 = arith.constant 0 : index
          %parallel_loop3A_298 = tpu.vector_load %arg8[%parallel_loop3A_295, %parallel_loop3A_296, %parallel_loop3A_297] {strides = array<i32>} : memref<3x64x128xf32, #tpu.memory_space<vmem>>, vector<1x1x16xf32>,
          %parallel_loop3A_299 = vector.shape_cast %parallel_loop3A_298 : vector<1x1x16xf32> to vector<16xf32>
          %parallel_loop3A_300 = arith.constant 2 : i32
          %parallel_loop3A_301 = arith.index_cast %parallel_loop3A_300 : i32 to index
          %parallel_loop3A_302 = arith.index_cast %parallel_loop3A_293 : i32 to index
          %parallel_loop3A_303 = arith.constant 0 : index
          %parallel_loop3A_304 = tpu.vector_load %arg7[%parallel_loop3A_301, %parallel_loop3A_302, %parallel_loop3A_303] {strides = array<i32>} : memref<3x64x128xf32, #tpu.memory_space<vmem>>, vector<1x1x16xf32>,
          %parallel_loop3A_305 = vector.shape_cast %parallel_loop3A_304 : vector<1x1x16xf32> to vector<16xf32>
          %parallel_loop3A_306 = math.exp %parallel_loop3A_305 : vector<16xf32>
          %parallel_loop3A_307 = arith.addf %parallel_loop3A_299, %parallel_loop3A_306 : vector<16xf32>
          %parallel_loop3A_308 = arith.constant 2 : i32
          %parallel_loop3A_309 = arith.index_cast %parallel_loop3A_308 : i32 to index
          %parallel_loop3A_310 = arith.index_cast %parallel_loop3A_293 : i32 to index
          %parallel_loop3A_311 = arith.constant 0 : index
          %parallel_loop3A_312 = tpu.vector_load %arg8[%parallel_loop3A_309, %parallel_loop3A_310, %parallel_loop3A_311] {strides = array<i32>} : memref<3x64x128xf32, #tpu.memory_space<vmem>>, vector<1x1x16xf32>,
          %parallel_loop3A_313 = vector.shape_cast %parallel_loop3A_312 : vector<1x1x16xf32> to vector<16xf32>
          %parallel_loop3A_314 = vector.shape_cast %parallel_loop3A_307 : vector<16xf32> to vector<1x1x16xf32>
          tpu.vector_store %arg8[%parallel_loop3A_309, %parallel_loop3A_310, %parallel_loop3A_311], %parallel_loop3A_314 {strides = array<i32>} : memref<3x64x128xf32, #tpu.memory_space<vmem>>, vector<1x1x16xf32>,
          %parallel_loop3A_315 = arith.constant 2 : i32
          %parallel_loop3A_316 = arith.index_cast %parallel_loop3A_315 : i32 to index
          %parallel_loop3A_317 = arith.index_cast %parallel_loop3A_293 : i32 to index
          %parallel_loop3A_318 = arith.constant 16 : index
          %parallel_loop3A_319 = tpu.vector_load %arg8[%parallel_loop3A_316, %parallel_loop3A_317, %parallel_loop3A_318] {strides = array<i32>} : memref<3x64x128xf32, #tpu.memory_space<vmem>>, vector<1x1x16xf32>,
          %parallel_loop3A_320 = vector.shape_cast %parallel_loop3A_319 : vector<1x1x16xf32> to vector<16xf32>
          %parallel_loop3A_321 = arith.constant 2 : i32
          %parallel_loop3A_322 = arith.index_cast %parallel_loop3A_321 : i32 to index
          %parallel_loop3A_323 = arith.index_cast %parallel_loop3A_293 : i32 to index
          %parallel_loop3A_324 = arith.constant 16 : index
          %parallel_loop3A_325 = tpu.vector_load %arg7[%parallel_loop3A_322, %parallel_loop3A_323, %parallel_loop3A_324] {strides = array<i32>} : memref<3x64x128xf32, #tpu.memory_space<vmem>>, vector<1x1x16xf32>,
          %parallel_loop3A_326 = vector.shape_cast %parallel_loop3A_325 : vector<1x1x16xf32> to vector<16xf32>
          %parallel_loop3A_327 = math.exp %parallel_loop3A_326 : vector<16xf32>
          %parallel_loop3A_328 = arith.addf %parallel_loop3A_320, %parallel_loop3A_327 : vector<16xf32>
          %parallel_loop3A_329 = arith.constant 2 : i32
          %parallel_loop3A_330 = arith.index_cast %parallel_loop3A_329 : i32 to index
          %parallel_loop3A_331 = arith.index_cast %parallel_loop3A_293 : i32 to index
          %parallel_loop3A_332 = arith.constant 16 : index
          %parallel_loop3A_333 = tpu.vector_load %arg8[%parallel_loop3A_330, %parallel_loop3A_331, %parallel_loop3A_332] {strides = array<i32>} : memref<3x64x128xf32, #tpu.memory_space<vmem>>, vector<1x1x16xf32>,
          %parallel_loop3A_334 = vector.shape_cast %parallel_loop3A_333 : vector<1x1x16xf32> to vector<16xf32>
          %parallel_loop3A_335 = vector.shape_cast %parallel_loop3A_328 : vector<16xf32> to vector<1x1x16xf32>
          tpu.vector_store %arg8[%parallel_loop3A_330, %parallel_loop3A_331, %parallel_loop3A_332], %parallel_loop3A_335 {strides = array<i32>} : memref<3x64x128xf32, #tpu.memory_space<vmem>>, vector<1x1x16xf32>,
          %parallel_loop3A_336 = arith.constant 2 : i32
          %parallel_loop3A_337 = arith.index_cast %parallel_loop3A_336 : i32 to index
          %parallel_loop3A_338 = arith.index_cast %parallel_loop3A_293 : i32 to index
          %parallel_loop3A_339 = arith.constant 32 : index
          %parallel_loop3A_340 = tpu.vector_load %arg8[%parallel_loop3A_337, %parallel_loop3A_338, %parallel_loop3A_339] {strides = array<i32>} : memref<3x64x128xf32, #tpu.memory_space<vmem>>, vector<1x1x16xf32>,
          %parallel_loop3A_341 = vector.shape_cast %parallel_loop3A_340 : vector<1x1x16xf32> to vector<16xf32>
          %parallel_loop3A_342 = arith.constant 2 : i32
          %parallel_loop3A_343 = arith.index_cast %parallel_loop3A_342 : i32 to index
          %parallel_loop3A_344 = arith.index_cast %parallel_loop3A_293 : i32 to index
          %parallel_loop3A_345 = arith.constant 32 : index
          %parallel_loop3A_346 = tpu.vector_load %arg7[%parallel_loop3A_343, %parallel_loop3A_344, %parallel_loop3A_345] {strides = array<i32>} : memref<3x64x128xf32, #tpu.memory_space<vmem>>, vector<1x1x16xf32>,
          %parallel_loop3A_347 = vector.shape_cast %parallel_loop3A_346 : vector<1x1x16xf32> to vector<16xf32>
          %parallel_loop3A_348 = math.exp %parallel_loop3A_347 : vector<16xf32>
          %parallel_loop3A_349 = arith.addf %parallel_loop3A_341, %parallel_loop3A_348 : vector<16xf32>
          %parallel_loop3A_350 = arith.constant 2 : i32
          %parallel_loop3A_351 = arith.index_cast %parallel_loop3A_350 : i32 to index
          %parallel_loop3A_352 = arith.index_cast %parallel_loop3A_293 : i32 to index
          %parallel_loop3A_353 = arith.constant 32 : index
          %parallel_loop3A_354 = tpu.vector_load %arg8[%parallel_loop3A_351, %parallel_loop3A_352, %parallel_loop3A_353] {strides = array<i32>} : memref<3x64x128xf32, #tpu.memory_space<vmem>>, vector<1x1x16xf32>,
          %parallel_loop3A_355 = vector.shape_cast %parallel_loop3A_354 : vector<1x1x16xf32> to vector<16xf32>
          %parallel_loop3A_356 = vector.shape_cast %parallel_loop3A_349 : vector<16xf32> to vector<1x1x16xf32>
          tpu.vector_store %arg8[%parallel_loop3A_351, %parallel_loop3A_352, %parallel_loop3A_353], %parallel_loop3A_356 {strides = array<i32>} : memref<3x64x128xf32, #tpu.memory_space<vmem>>, vector<1x1x16xf32>,
          %parallel_loop3A_357 = arith.constant 2 : i32
          %parallel_loop3A_358 = arith.index_cast %parallel_loop3A_357 : i32 to index
          %parallel_loop3A_359 = arith.index_cast %parallel_loop3A_293 : i32 to index
          %parallel_loop3A_360 = arith.constant 48 : index
          %parallel_loop3A_361 = tpu.vector_load %arg8[%parallel_loop3A_358, %parallel_loop3A_359, %parallel_loop3A_360] {strides = array<i32>} : memref<3x64x128xf32, #tpu.memory_space<vmem>>, vector<1x1x16xf32>,
          %parallel_loop3A_362 = vector.shape_cast %parallel_loop3A_361 : vector<1x1x16xf32> to vector<16xf32>
          %parallel_loop3A_363 = arith.constant 2 : i32
          %parallel_loop3A_364 = arith.index_cast %parallel_loop3A_363 : i32 to index
          %parallel_loop3A_365 = arith.index_cast %parallel_loop3A_293 : i32 to index
          %parallel_loop3A_366 = arith.constant 48 : index
          %parallel_loop3A_367 = tpu.vector_load %arg7[%parallel_loop3A_364, %parallel_loop3A_365, %parallel_loop3A_366] {strides = array<i32>} : memref<3x64x128xf32, #tpu.memory_space<vmem>>, vector<1x1x16xf32>,
          %parallel_loop3A_368 = vector.shape_cast %parallel_loop3A_367 : vector<1x1x16xf32> to vector<16xf32>
          %parallel_loop3A_369 = math.exp %parallel_loop3A_368 : vector<16xf32>
          %parallel_loop3A_370 = arith.addf %parallel_loop3A_362, %parallel_loop3A_369 : vector<16xf32>
          %parallel_loop3A_371 = arith.constant 2 : i32
          %parallel_loop3A_372 = arith.index_cast %parallel_loop3A_371 : i32 to index
          %parallel_loop3A_373 = arith.index_cast %parallel_loop3A_293 : i32 to index
          %parallel_loop3A_374 = arith.constant 48 : index
          %parallel_loop3A_375 = tpu.vector_load %arg8[%parallel_loop3A_372, %parallel_loop3A_373, %parallel_loop3A_374] {strides = array<i32>} : memref<3x64x128xf32, #tpu.memory_space<vmem>>, vector<1x1x16xf32>,
          %parallel_loop3A_376 = vector.shape_cast %parallel_loop3A_375 : vector<1x1x16xf32> to vector<16xf32>
          %parallel_loop3A_377 = vector.shape_cast %parallel_loop3A_370 : vector<16xf32> to vector<1x1x16xf32>
          tpu.vector_store %arg8[%parallel_loop3A_372, %parallel_loop3A_373, %parallel_loop3A_374], %parallel_loop3A_377 {strides = array<i32>} : memref<3x64x128xf32, #tpu.memory_space<vmem>>, vector<1x1x16xf32>,
          %parallel_loop3A_378 = arith.constant 2 : i32
          %parallel_loop3A_379 = arith.index_cast %parallel_loop3A_378 : i32 to index
          %parallel_loop3A_380 = arith.index_cast %parallel_loop3A_293 : i32 to index
          %parallel_loop3A_381 = arith.constant 64 : index
          %parallel_loop3A_382 = tpu.vector_load %arg8[%parallel_loop3A_379, %parallel_loop3A_380, %parallel_loop3A_381] {strides = array<i32>} : memref<3x64x128xf32, #tpu.memory_space<vmem>>, vector<1x1x16xf32>,
          %parallel_loop3A_383 = vector.shape_cast %parallel_loop3A_382 : vector<1x1x16xf32> to vector<16xf32>
          %parallel_loop3A_384 = arith.constant 2 : i32
          %parallel_loop3A_385 = arith.index_cast %parallel_loop3A_384 : i32 to index
          %parallel_loop3A_386 = arith.index_cast %parallel_loop3A_293 : i32 to index
          %parallel_loop3A_387 = arith.constant 64 : index
          %parallel_loop3A_388 = tpu.vector_load %arg7[%parallel_loop3A_385, %parallel_loop3A_386, %parallel_loop3A_387] {strides = array<i32>} : memref<3x64x128xf32, #tpu.memory_space<vmem>>, vector<1x1x16xf32>,
          %parallel_loop3A_389 = vector.shape_cast %parallel_loop3A_388 : vector<1x1x16xf32> to vector<16xf32>
          %parallel_loop3A_390 = math.exp %parallel_loop3A_389 : vector<16xf32>
          %parallel_loop3A_391 = arith.addf %parallel_loop3A_383, %parallel_loop3A_390 : vector<16xf32>
          %parallel_loop3A_392 = arith.constant 2 : i32
          %parallel_loop3A_393 = arith.index_cast %parallel_loop3A_392 : i32 to index
          %parallel_loop3A_394 = arith.index_cast %parallel_loop3A_293 : i32 to index
          %parallel_loop3A_395 = arith.constant 64 : index
          %parallel_loop3A_396 = tpu.vector_load %arg8[%parallel_loop3A_393, %parallel_loop3A_394, %parallel_loop3A_395] {strides = array<i32>} : memref<3x64x128xf32, #tpu.memory_space<vmem>>, vector<1x1x16xf32>,
          %parallel_loop3A_397 = vector.shape_cast %parallel_loop3A_396 : vector<1x1x16xf32> to vector<16xf32>
          %parallel_loop3A_398 = vector.shape_cast %parallel_loop3A_391 : vector<16xf32> to vector<1x1x16xf32>
          tpu.vector_store %arg8[%parallel_loop3A_393, %parallel_loop3A_394, %parallel_loop3A_395], %parallel_loop3A_398 {strides = array<i32>} : memref<3x64x128xf32, #tpu.memory_space<vmem>>, vector<1x1x16xf32>,
          %parallel_loop3A_399 = arith.constant 2 : i32
          %parallel_loop3A_400 = arith.index_cast %parallel_loop3A_399 : i32 to index
          %parallel_loop3A_401 = arith.index_cast %parallel_loop3A_293 : i32 to index
          %parallel_loop3A_402 = arith.constant 80 : index
          %parallel_loop3A_403 = tpu.vector_load %arg8[%parallel_loop3A_400, %parallel_loop3A_401, %parallel_loop3A_402] {strides = array<i32>} : memref<3x64x128xf32, #tpu.memory_space<vmem>>, vector<1x1x16xf32>,
          %parallel_loop3A_404 = vector.shape_cast %parallel_loop3A_403 : vector<1x1x16xf32> to vector<16xf32>
          %parallel_loop3A_405 = arith.constant 2 : i32
          %parallel_loop3A_406 = arith.index_cast %parallel_loop3A_405 : i32 to index
          %parallel_loop3A_407 = arith.index_cast %parallel_loop3A_293 : i32 to index
          %parallel_loop3A_408 = arith.constant 80 : index
          %parallel_loop3A_409 = tpu.vector_load %arg7[%parallel_loop3A_406, %parallel_loop3A_407, %parallel_loop3A_408] {strides = array<i32>} : memref<3x64x128xf32, #tpu.memory_space<vmem>>, vector<1x1x16xf32>,
          %parallel_loop3A_410 = vector.shape_cast %parallel_loop3A_409 : vector<1x1x16xf32> to vector<16xf32>
          %parallel_loop3A_411 = math.exp %parallel_loop3A_410 : vector<16xf32>
          %parallel_loop3A_412 = arith.addf %parallel_loop3A_404, %parallel_loop3A_411 : vector<16xf32>
          %parallel_loop3A_413 = arith.constant 2 : i32
          %parallel_loop3A_414 = arith.index_cast %parallel_loop3A_413 : i32 to index
          %parallel_loop3A_415 = arith.index_cast %parallel_loop3A_293 : i32 to index
          %parallel_loop3A_416 = arith.constant 80 : index
          %parallel_loop3A_417 = tpu.vector_load %arg8[%parallel_loop3A_414, %parallel_loop3A_415, %parallel_loop3A_416] {strides = array<i32>} : memref<3x64x128xf32, #tpu.memory_space<vmem>>, vector<1x1x16xf32>,
          %parallel_loop3A_418 = vector.shape_cast %parallel_loop3A_417 : vector<1x1x16xf32> to vector<16xf32>
          %parallel_loop3A_419 = vector.shape_cast %parallel_loop3A_412 : vector<16xf32> to vector<1x1x16xf32>
          tpu.vector_store %arg8[%parallel_loop3A_414, %parallel_loop3A_415, %parallel_loop3A_416], %parallel_loop3A_419 {strides = array<i32>} : memref<3x64x128xf32, #tpu.memory_space<vmem>>, vector<1x1x16xf32>,
          %parallel_loop3A_420 = arith.constant 2 : i32
          %parallel_loop3A_421 = arith.index_cast %parallel_loop3A_420 : i32 to index
          %parallel_loop3A_422 = arith.index_cast %parallel_loop3A_293 : i32 to index
          %parallel_loop3A_423 = arith.constant 96 : index
          %parallel_loop3A_424 = tpu.vector_load %arg8[%parallel_loop3A_421, %parallel_loop3A_422, %parallel_loop3A_423] {strides = array<i32>} : memref<3x64x128xf32, #tpu.memory_space<vmem>>, vector<1x1x16xf32>,
          %parallel_loop3A_425 = vector.shape_cast %parallel_loop3A_424 : vector<1x1x16xf32> to vector<16xf32>
          %parallel_loop3A_426 = arith.constant 2 : i32
          %parallel_loop3A_427 = arith.index_cast %parallel_loop3A_426 : i32 to index
          %parallel_loop3A_428 = arith.index_cast %parallel_loop3A_293 : i32 to index
          %parallel_loop3A_429 = arith.constant 96 : index
          %parallel_loop3A_430 = tpu.vector_load %arg7[%parallel_loop3A_427, %parallel_loop3A_428, %parallel_loop3A_429] {strides = array<i32>} : memref<3x64x128xf32, #tpu.memory_space<vmem>>, vector<1x1x16xf32>,
          %parallel_loop3A_431 = vector.shape_cast %parallel_loop3A_430 : vector<1x1x16xf32> to vector<16xf32>
          %parallel_loop3A_432 = math.exp %parallel_loop3A_431 : vector<16xf32>
          %parallel_loop3A_433 = arith.addf %parallel_loop3A_425, %parallel_loop3A_432 : vector<16xf32>
          %parallel_loop3A_434 = arith.constant 2 : i32
          %parallel_loop3A_435 = arith.index_cast %parallel_loop3A_434 : i32 to index
          %parallel_loop3A_436 = arith.index_cast %parallel_loop3A_293 : i32 to index
          %parallel_loop3A_437 = arith.constant 96 : index
          %parallel_loop3A_438 = tpu.vector_load %arg8[%parallel_loop3A_435, %parallel_loop3A_436, %parallel_loop3A_437] {strides = array<i32>} : memref<3x64x128xf32, #tpu.memory_space<vmem>>, vector<1x1x16xf32>,
          %parallel_loop3A_439 = vector.shape_cast %parallel_loop3A_438 : vector<1x1x16xf32> to vector<16xf32>
          %parallel_loop3A_440 = vector.shape_cast %parallel_loop3A_433 : vector<16xf32> to vector<1x1x16xf32>
          tpu.vector_store %arg8[%parallel_loop3A_435, %parallel_loop3A_436, %parallel_loop3A_437], %parallel_loop3A_440 {strides = array<i32>} : memref<3x64x128xf32, #tpu.memory_space<vmem>>, vector<1x1x16xf32>,
          %parallel_loop3A_441 = arith.constant 2 : i32
          %parallel_loop3A_442 = arith.index_cast %parallel_loop3A_441 : i32 to index
          %parallel_loop3A_443 = arith.index_cast %parallel_loop3A_293 : i32 to index
          %parallel_loop3A_444 = arith.constant 112 : index
          %parallel_loop3A_445 = tpu.vector_load %arg8[%parallel_loop3A_442, %parallel_loop3A_443, %parallel_loop3A_444] {strides = array<i32>} : memref<3x64x128xf32, #tpu.memory_space<vmem>>, vector<1x1x16xf32>,
          %parallel_loop3A_446 = vector.shape_cast %parallel_loop3A_445 : vector<1x1x16xf32> to vector<16xf32>
          %parallel_loop3A_447 = arith.constant 2 : i32
          %parallel_loop3A_448 = arith.index_cast %parallel_loop3A_447 : i32 to index
          %parallel_loop3A_449 = arith.index_cast %parallel_loop3A_293 : i32 to index
          %parallel_loop3A_450 = arith.constant 112 : index
          %parallel_loop3A_451 = tpu.vector_load %arg7[%parallel_loop3A_448, %parallel_loop3A_449, %parallel_loop3A_450] {strides = array<i32>} : memref<3x64x128xf32, #tpu.memory_space<vmem>>, vector<1x1x16xf32>,
          %parallel_loop3A_452 = vector.shape_cast %parallel_loop3A_451 : vector<1x1x16xf32> to vector<16xf32>
          %parallel_loop3A_453 = math.exp %parallel_loop3A_452 : vector<16xf32>
          %parallel_loop3A_454 = arith.addf %parallel_loop3A_446, %parallel_loop3A_453 : vector<16xf32>
          %parallel_loop3A_455 = arith.constant 2 : i32
          %parallel_loop3A_456 = arith.index_cast %parallel_loop3A_455 : i32 to index
          %parallel_loop3A_457 = arith.index_cast %parallel_loop3A_293 : i32 to index
          %parallel_loop3A_458 = arith.constant 112 : index
          %parallel_loop3A_459 = tpu.vector_load %arg8[%parallel_loop3A_456, %parallel_loop3A_457, %parallel_loop3A_458] {strides = array<i32>} : memref<3x64x128xf32, #tpu.memory_space<vmem>>, vector<1x1x16xf32>,
          %parallel_loop3A_460 = vector.shape_cast %parallel_loop3A_459 : vector<1x1x16xf32> to vector<16xf32>
          %parallel_loop3A_461 = vector.shape_cast %parallel_loop3A_454 : vector<16xf32> to vector<1x1x16xf32>
          tpu.vector_store %arg8[%parallel_loop3A_456, %parallel_loop3A_457, %parallel_loop3A_458], %parallel_loop3A_461 {strides = array<i32>} : memref<3x64x128xf32, #tpu.memory_space<vmem>>, vector<1x1x16xf32>,
        } {sc.loop_unroll_factor = 4 : i64, sc.parallel_access}
        %dma_start3A_272 = arith.constant 2 : i32
        %dma_start3A_273 = arith.constant 2 : i32
        %dma_start3A_274 = arith.constant 2 : i32
        %dma_start3A_275 = arith.constant 0 : i32
        %dma_start3A_276 = arith.constant 0 : i32
        %dma_start3A_277 = tpu.memref_slice %arg8[%dma_start3A_272, %dma_start3A_275, %dma_start3A_276] : memref<3x64x128xf32, #tpu.memory_space<vmem>> -> memref<1x64x128xf32, #tpu.memory_space<vmem>>
        %dma_start3A_278 = tpu.memref_squeeze %dma_start3A_277 : memref<1x64x128xf32, #tpu.memory_space<vmem>> -> memref<64x128xf32, #tpu.memory_space<vmem>>
        %dma_start3A_279 = arith.constant 0 : i32
        %dma_start3A_280 = arith.constant 0 : i32
        %dma_start3A_281 = tpu.memref_slice %arg9[%arg1, %dma_start3A_273, %dma_start3A_279, %dma_start3A_280] : memref<16x3x64x128xf32, #tpu.memory_space<vmem_shared>> -> memref<1x1x64x128xf32, #tpu.memory_space<vmem_shared>>
        %dma_start3A_282 = tpu.memref_squeeze %dma_start3A_281 : memref<1x1x64x128xf32, #tpu.memory_space<vmem_shared>> -> memref<64x128xf32, #tpu.memory_space<vmem_shared>>
        %dma_start3A_283 = tpu.memref_slice %arg12[%dma_start3A_274] : memref<3x!tpu.dma_semaphore, #tpu.memory_space<semaphore_mem>> -> memref<1x!tpu.dma_semaphore, #tpu.memory_space<semaphore_mem>>
        %dma_start3A_284 = tpu.memref_squeeze %dma_start3A_283 : memref<1x!tpu.dma_semaphore, #tpu.memory_space<semaphore_mem>> -> memref<!tpu.dma_semaphore, #tpu.memory_space<semaphore_mem>>
        %dma_start3A_285 = arith.constant 0 : i32
        %dma_start3A_286 = arith.constant 0 : i32
        %dma_start3A_287 = tpu.memref_slice %arg9[%arg1, %dma_start3A_273, %dma_start3A_285, %dma_start3A_286] : memref<16x3x64x128xf32, #tpu.memory_space<vmem_shared>> -> memref<1x1x64x128xf32, #tpu.memory_space<vmem_shared>>
        %dma_start3A_288 = tpu.memref_squeeze %dma_start3A_287 : memref<1x1x64x128xf32, #tpu.memory_space<vmem_shared>> -> memref<64x128xf32, #tpu.memory_space<vmem_shared>>
        %dma_start3A_289 = arith.constant 0 : i32
        %dma_start3A_290 = arith.constant 0 : i32
        %dma_start3A_291 = tpu.memref_slice %arg8[%dma_start3A_272, %dma_start3A_289, %dma_start3A_290] : memref<3x64x128xf32, #tpu.memory_space<vmem>> -> memref<1x64x128xf32, #tpu.memory_space<vmem>>
        %dma_start3A_292 = tpu.memref_squeeze %dma_start3A_291 : memref<1x64x128xf32, #tpu.memory_space<vmem>> -> memref<64x128xf32, #tpu.memory_space<vmem>>
        tpu.enqueue_dma source(%dma_start3A_292 : memref<64x128xf32, #tpu.memory_space<vmem>>) target(%dma_start3A_288 : memref<64x128xf32, #tpu.memory_space<vmem_shared>>) target_semaphore(%dma_start3A_284 : memref<!tpu.dma_semaphore, #tpu.memory_space<semaphore_mem>>)
      } else {
      }
    }
    %scan3A_66 = arith.constant 64 : i32
    %dma_wait3A = arith.constant 0 : i32
    %dma_wait3A_67 = arith.constant 0 : i32
    %dma_wait3A_68 = arith.constant 0 : i32
    %dma_wait3A_69 = arith.constant 0 : i32
    %dma_wait3A_70 = arith.constant 0 : i32
    %dma_wait3A_71 = tpu.memref_slice %arg8[%dma_wait3A, %dma_wait3A_69, %dma_wait3A_70] : memref<3x64x128xf32, #tpu.memory_space<vmem>> -> memref<1x64x128xf32, #tpu.memory_space<vmem>>
    %dma_wait3A_72 = tpu.memref_squeeze %dma_wait3A_71 : memref<1x64x128xf32, #tpu.memory_space<vmem>> -> memref<64x128xf32, #tpu.memory_space<vmem>>
    %dma_wait3A_73 = arith.constant 0 : i32
    %dma_wait3A_74 = arith.constant 0 : i32
    %dma_wait3A_75 = tpu.memref_slice %arg9[%arg1, %dma_wait3A_67, %dma_wait3A_73, %dma_wait3A_74] : memref<16x3x64x128xf32, #tpu.memory_space<vmem_shared>> -> memref<1x1x64x128xf32, #tpu.memory_space<vmem_shared>>
    %dma_wait3A_76 = tpu.memref_squeeze %dma_wait3A_75 : memref<1x1x64x128xf32, #tpu.memory_space<vmem_shared>> -> memref<64x128xf32, #tpu.memory_space<vmem_shared>>
    %dma_wait3A_77 = tpu.memref_slice %arg12[%dma_wait3A_68] : memref<3x!tpu.dma_semaphore, #tpu.memory_space<semaphore_mem>> -> memref<1x!tpu.dma_semaphore, #tpu.memory_space<semaphore_mem>>
    %dma_wait3A_78 = tpu.memref_squeeze %dma_wait3A_77 : memref<1x!tpu.dma_semaphore, #tpu.memory_space<semaphore_mem>> -> memref<!tpu.dma_semaphore, #tpu.memory_space<semaphore_mem>>
    %dma_wait3A_79 = arith.constant 0 : i32
    %dma_wait3A_80 = arith.constant 0 : i32
    %dma_wait3A_81 = tpu.memref_slice %arg9[%arg1, %dma_wait3A_67, %dma_wait3A_79, %dma_wait3A_80] : memref<16x3x64x128xf32, #tpu.memory_space<vmem_shared>> -> memref<1x1x64x128xf32, #tpu.memory_space<vmem_shared>>
    %dma_wait3A_82 = tpu.memref_squeeze %dma_wait3A_81 : memref<1x1x64x128xf32, #tpu.memory_space<vmem_shared>> -> memref<64x128xf32, #tpu.memory_space<vmem_shared>>
    %dma_wait3A_83 = arith.constant 0 : i32
    %dma_wait3A_84 = arith.constant 0 : i32
    %dma_wait3A_85 = tpu.memref_slice %arg8[%dma_wait3A, %dma_wait3A_83, %dma_wait3A_84] : memref<3x64x128xf32, #tpu.memory_space<vmem>> -> memref<1x64x128xf32, #tpu.memory_space<vmem>>
    %dma_wait3A_86 = tpu.memref_squeeze %dma_wait3A_85 : memref<1x64x128xf32, #tpu.memory_space<vmem>> -> memref<64x128xf32, #tpu.memory_space<vmem>>
    tpu.wait_dma2 semaphore(%dma_wait3A_78 : memref<!tpu.dma_semaphore, #tpu.memory_space<semaphore_mem>>) src(%dma_wait3A_86 : memref<64x128xf32, #tpu.memory_space<vmem>>) dst(%dma_wait3A_82 : memref<64x128xf32, #tpu.memory_space<vmem_shared>>)
    %add3A_87 = arith.constant 4032 : i32
    %add3A_88 = arith.addi %mul3A_2, %add3A_87 : i32
    %dma_start3A_89 = arith.constant 0 : i32
    %dma_start3A_90 = arith.constant 0 : i32
    %dma_start3A_91 = tpu.memref_slice %arg13[%dma_start3A_90] : memref<3x!tpu.dma_semaphore, #tpu.memory_space<semaphore_mem>> -> memref<1x!tpu.dma_semaphore, #tpu.memory_space<semaphore_mem>>
    %dma_start3A_92 = tpu.memref_squeeze %dma_start3A_91 : memref<1x!tpu.dma_semaphore, #tpu.memory_space<semaphore_mem>> -> memref<!tpu.dma_semaphore, #tpu.memory_space<semaphore_mem>>
    %dma_start3A_93 = arith.constant 0 : i32
    %dma_start3A_94 = tpu.memref_slice %arg5[%add3A_88, %dma_start3A_93] : memref<131072x128xf32, #tpu.memory_space<hbm>> -> memref<64x128xf32, #tpu.memory_space<hbm>>
    %dma_start3A_95 = arith.constant 0 : i32
    %dma_start3A_96 = arith.constant 0 : i32
    %dma_start3A_97 = tpu.memref_slice %arg9[%arg1, %dma_start3A_89, %dma_start3A_95, %dma_start3A_96] : memref<16x3x64x128xf32, #tpu.memory_space<vmem_shared>> -> memref<1x1x64x128xf32, #tpu.memory_space<vmem_shared>>
    %dma_start3A_98 = tpu.memref_squeeze %dma_start3A_97 : memref<1x1x64x128xf32, #tpu.memory_space<vmem_shared>> -> memref<64x128xf32, #tpu.memory_space<vmem_shared>>
    tpu.enqueue_dma source(%dma_start3A_98 : memref<64x128xf32, #tpu.memory_space<vmem_shared>>) target(%dma_start3A_94 : memref<64x128xf32, #tpu.memory_space<hbm>>) target_semaphore(%dma_start3A_92 : memref<!tpu.dma_semaphore, #tpu.memory_space<semaphore_mem>>)
    %add3A_99 = arith.constant 3904 : i32
    %add3A_100 = arith.addi %mul3A_2, %add3A_99 : i32
    %dma_wait3A_101 = arith.constant 1 : i32
    %dma_wait3A_102 = arith.constant 1 : i32
    %dma_wait3A_103 = tpu.memref_slice %arg13[%dma_wait3A_102] : memref<3x!tpu.dma_semaphore, #tpu.memory_space<semaphore_mem>> -> memref<1x!tpu.dma_semaphore, #tpu.memory_space<semaphore_mem>>
    %dma_wait3A_104 = tpu.memref_squeeze %dma_wait3A_103 : memref<1x!tpu.dma_semaphore, #tpu.memory_space<semaphore_mem>> -> memref<!tpu.dma_semaphore, #tpu.memory_space<semaphore_mem>>
    %dma_wait3A_105 = arith.constant 0 : i32
    %dma_wait3A_106 = tpu.memref_slice %arg5[%add3A_100, %dma_wait3A_105] : memref<131072x128xf32, #tpu.memory_space<hbm>> -> memref<64x128xf32, #tpu.memory_space<hbm>>
    %dma_wait3A_107 = arith.constant 0 : i32
    %dma_wait3A_108 = arith.constant 0 : i32
    %dma_wait3A_109 = tpu.memref_slice %arg9[%arg1, %dma_wait3A_101, %dma_wait3A_107, %dma_wait3A_108] : memref<16x3x64x128xf32, #tpu.memory_space<vmem_shared>> -> memref<1x1x64x128xf32, #tpu.memory_space<vmem_shared>>
    %dma_wait3A_110 = tpu.memref_squeeze %dma_wait3A_109 : memref<1x1x64x128xf32, #tpu.memory_space<vmem_shared>> -> memref<64x128xf32, #tpu.memory_space<vmem_shared>>
    tpu.wait_dma2 semaphore(%dma_wait3A_104 : memref<!tpu.dma_semaphore, #tpu.memory_space<semaphore_mem>>) src(%dma_wait3A_110 : memref<64x128xf32, #tpu.memory_space<vmem_shared>>) dst(%dma_wait3A_106 : memref<64x128xf32, #tpu.memory_space<hbm>>)
    %add3A_111 = arith.constant 3968 : i32
    %add3A_112 = arith.addi %mul3A_2, %add3A_111 : i32
    %dma_wait3A_113 = arith.constant 2 : i32
    %dma_wait3A_114 = arith.constant 2 : i32
    %dma_wait3A_115 = tpu.memref_slice %arg13[%dma_wait3A_114] : memref<3x!tpu.dma_semaphore, #tpu.memory_space<semaphore_mem>> -> memref<1x!tpu.dma_semaphore, #tpu.memory_space<semaphore_mem>>
    %dma_wait3A_116 = tpu.memref_squeeze %dma_wait3A_115 : memref<1x!tpu.dma_semaphore, #tpu.memory_space<semaphore_mem>> -> memref<!tpu.dma_semaphore, #tpu.memory_space<semaphore_mem>>
    %dma_wait3A_117 = arith.constant 0 : i32
    %dma_wait3A_118 = tpu.memref_slice %arg5[%add3A_112, %dma_wait3A_117] : memref<131072x128xf32, #tpu.memory_space<hbm>> -> memref<64x128xf32, #tpu.memory_space<hbm>>
    %dma_wait3A_119 = arith.constant 0 : i32
    %dma_wait3A_120 = arith.constant 0 : i32
    %dma_wait3A_121 = tpu.memref_slice %arg9[%arg1, %dma_wait3A_113, %dma_wait3A_119, %dma_wait3A_120] : memref<16x3x64x128xf32, #tpu.memory_space<vmem_shared>> -> memref<1x1x64x128xf32, #tpu.memory_space<vmem_shared>>
    %dma_wait3A_122 = tpu.memref_squeeze %dma_wait3A_121 : memref<1x1x64x128xf32, #tpu.memory_space<vmem_shared>> -> memref<64x128xf32, #tpu.memory_space<vmem_shared>>
    tpu.wait_dma2 semaphore(%dma_wait3A_116 : memref<!tpu.dma_semaphore, #tpu.memory_space<semaphore_mem>>) src(%dma_wait3A_122 : memref<64x128xf32, #tpu.memory_space<vmem_shared>>) dst(%dma_wait3A_118 : memref<64x128xf32, #tpu.memory_space<hbm>>)
    %add3A_123 = arith.constant 4032 : i32
    %add3A_124 = arith.addi %mul3A_2, %add3A_123 : i32
    %dma_wait3A_125 = arith.constant 0 : i32
    %dma_wait3A_126 = arith.constant 0 : i32
    %dma_wait3A_127 = tpu.memref_slice %arg13[%dma_wait3A_126] : memref<3x!tpu.dma_semaphore, #tpu.memory_space<semaphore_mem>> -> memref<1x!tpu.dma_semaphore, #tpu.memory_space<semaphore_mem>>
    %dma_wait3A_128 = tpu.memref_squeeze %dma_wait3A_127 : memref<1x!tpu.dma_semaphore, #tpu.memory_space<semaphore_mem>> -> memref<!tpu.dma_semaphore, #tpu.memory_space<semaphore_mem>>
    %dma_wait3A_129 = arith.constant 0 : i32
    %dma_wait3A_130 = tpu.memref_slice %arg5[%add3A_124, %dma_wait3A_129] : memref<131072x128xf32, #tpu.memory_space<hbm>> -> memref<64x128xf32, #tpu.memory_space<hbm>>
    %dma_wait3A_131 = arith.constant 0 : i32
    %dma_wait3A_132 = arith.constant 0 : i32
    %dma_wait3A_133 = tpu.memref_slice %arg9[%arg1, %dma_wait3A_125, %dma_wait3A_131, %dma_wait3A_132] : memref<16x3x64x128xf32, #tpu.memory_space<vmem_shared>> -> memref<1x1x64x128xf32, #tpu.memory_space<vmem_shared>>
    %dma_wait3A_134 = tpu.memref_squeeze %dma_wait3A_133 : memref<1x1x64x128xf32, #tpu.memory_space<vmem_shared>> -> memref<64x128xf32, #tpu.memory_space<vmem_shared>>
    tpu.wait_dma2 semaphore(%dma_wait3A_128 : memref<!tpu.dma_semaphore, #tpu.memory_space<semaphore_mem>>) src(%dma_wait3A_134 : memref<64x128xf32, #tpu.memory_space<vmem_shared>>) dst(%dma_wait3A_130 : memref<64x128xf32, #tpu.memory_space<hbm>>)
    return
  }
}

</mosaic_0001>

<sc_bundles>
// kernel: _sc_lookup.3.cloned.1.call-start
scs
__scs_entry_jumppad:
0x0: {  	(pc) =	sbr.rel $0x88, $3  }
0x1: {  	(tag) =	ssettag $0x0;
	lr =	simm.s32 $0x1  }
0x2: {  	[smem:$0x3F9E] =	sst lr;
	_ =	strace $0xD0000000  }
0x3: {  	_ = 	snop  }
0x4: {  	_ = 	snop  }
0x5: {  	_ = 	snop  }
0x6: {  	_ = 	snop  }
0x7: {  	_ = 	snop  }
__scs_overlays_trampoline_lowered:
0x8: {  	[smem:$0x3FAD] =	sst s0  }
0x9: {  	[smem:$0x3FAE] =	sst s1  }
0xa: {  	[smem:$0x3FAF] =	sst s2  }
0xb: {  	[smem:$0x3FB0] =	sst s3  }
0xc: {  	[smem:$0x3FB1] =	sst s4  }
0xd: {  	[smem:$0x3FB2] =	sst s5  }
0xe: {  	[smem:$0x3FB3] =	sst s6  }
0xf: {  	[smem:$0x3FB4] =	sst s7  }
0x10: {  	[smem:$0x3FB5] =	sst s8  }
0x11: {  	[smem:$0x3FB6] =	sst s9;
	s0 =	simm.s32 @!p0 $0x0  }
0x12: {  	s1 =	sld [smem:$0x3F9C];
	s0 =	simm.s32 @p0 $0x1  }
0x13: {  	[smem:$0x3FB7] =	sst s0;
	s0 =	simm.s32 @!p1 $0x0  }
0x14: {  	s2 =	sld [smem:$0x3F9B];
	s0 =	simm.s32 @p1 $0x1  }
0x15: {  	[smem:$0x3FB8] =	sst s0;
	s0 =	simm.s32 @!p2 $0x0  }
0x16: {  	s3 =	sld [smem:$0x3FDB];
	s0 =	simm.s32 @p2 $0x1  }
0x17: {  	s4 =	simm.s32 $0x1BF5;
	[smem:$0x3FBA] =	sst s0  }
0x18: {  	s0 =	sld [smem:$0x3F9D];
	_ =	swait.ge [sflag:s4], $0x0  }
0x19: {  	s7 =	sld [smem:$0x3F9E]  }
0x1a: {  	s8 =	sadd.s32 $0xFFFFE003, lr  }
0x1b: {  	s9 =	sadd.s32 $0xFFFFFEF7, lr;
	s5 =	simm.s32 $0xFFFFFFFF;
	p2 =	slt.u32 s8, $0xFFFFF086  }
0x1c: {  	p1 =	slt.u32 s9, $0xF7A;
	s5 =	simm.s32 @!p2 $0x0  }
0x1d: {  	s5 =	simm.s32 @p1 $0x1;
	p0 =	seq.s32 s7, s2  }
0x1e: {  	s7 =	smul.u32 @!p0 $0xF7A, s2;
	p2 =	seq.s32 @!p0 s5, $0x0  }
0x1f: {  	s9 =	smul.u32 $0xF7A, s1;
	s8 =	simm.s32 @!p0 $0x1BF5;
	p2 =	por !p2, p0  }
0x20: {  	[sflag:s8] =	ssyncset.s32 @!p0 $0xFFFFF086;
	s6 =	sadd.s32 @!p0 s3, s7;
	s7 =	simm.s32 @!p0 $0x108  }
0x21: {  	s3 =	sadd.s32 s3, s9;
	s6 =	sadd.s32 @!p0 $0x88, s6;
	s7 =	simm.s32 @p2 $0x1082  }
0x22: {  	[simem:s7], [sflag:s8] =	dma.local @!p0 [hbm:s6], $0xF7A  }
0x23: {  	s9 =	sor.u32 $0xD0000000, s2;
	s6 =	simm.s32 $0x108;
	_ =	swait.ge @!p0 [sflag:s8], $0x0  }
0x24: {  	s3 =	sadd.s32 $0x88, s3;
	s6 =	simm.s32 @!p1 $0x1082;
	[sflag:s4] =	ssyncset.s32 $0xFFFFF086  }
0x25: {  	[simem:s6], [sflag:s4] =	dma.local [hbm:s3], $0xF7A  }
0x26: {  	[smem:$0x3F9E] =	sst s1;
	(tag) =	ssettag s2;
	_ =	strace s9  }
0x27: {  	s1 =	sld [smem:$0x3FAE]  }
0x28: {  	s2 =	sld [smem:$0x3FAF]  }
0x29: {  	s4 =	sld [smem:$0x3FB1]  }
0x2a: {  	p0 =	seq.s32 s5, $0x0;
	s5 =	sld [smem:$0x3FB2]  }
0x2b: {  	s6 =	sld [smem:$0x3FB3]  }
0x2c: {  	s7 =	sld [smem:$0x3FB4]  }
0x2d: {  	s3 =	simm.s32 $0x108;
	s8 =	sld [smem:$0x3FB5]  }
0x2e: {  	s3 =	simm.s32 @!p0 $0x1082;
	s9 =	sld [smem:$0x3FB6]  }
0x2f: {  	lr =	sadd.s32 s0, s3;
	s0 =	sld [smem:$0x3FAD]  }
0x30: {  	s3 =	sld [smem:$0x3FB0]  }
0x31: {  	[smem:$0x3FB9] =	sst s10  }
0x32: {  	s10 =	sld [smem:$0x3FB7];
	_ =	sdelay $0x3  }
0x33: {  	p0 =	seq.s32 s10, $0x1;
	s10 =	sld [smem:$0x3FB9];
	_ =	sdelay $0x3  }
0x34: {  	[smem:$0x3FB9] =	sst s10  }
0x35: {  	s10 =	sld [smem:$0x3FB8];
	_ =	sdelay $0x3  }
0x36: {  	p1 =	seq.s32 s10, $0x1;
	s10 =	sld [smem:$0x3FB9];
	_ =	sdelay $0x3  }
0x37: {  	[smem:$0x3FB9] =	sst s10  }
0x38: {  	s10 =	sld [smem:$0x3FBA]  }
0x39: {  	_ = 	snop;
	(pc) =	sbr.ind lr, $3  }
0x3a: {  	_ = 	snop  }
0x3b: {  	_ = 	snop  }
0x3c: {  	p2 =	seq.s32 s10, $0x1;
	s10 =	sld [smem:$0x3FB9]  }
0x3d: {  	_ =	shalt  }
0x3e: {  	_ =	shalt  }
0x3f: {  	_ =	shalt  }
0x40: {  	_ =	shalt  }
0x41: {  	_ =	shalt  }
0x42: {  	_ =	shalt  }
0x43: {  	_ =	shalt  }
0x44: {  	_ =	shalt  }
0x45: {  	_ =	shalt  }
0x46: {  	_ =	shalt  }
0x47: {  	_ =	shalt  }
0x48: {  	_ =	shalt  }
0x49: {  	_ =	shalt  }
0x4a: {  	_ =	shalt  }
0x4b: {  	_ =	shalt  }
0x4c: {  	_ =	shalt  }
0x4d: {  	_ =	shalt  }
0x4e: {  	_ =	shalt  }
0x4f: {  	_ =	shalt  }
0x50: {  	_ =	shalt  }
0x51: {  	_ =	shalt  }
0x52: {  	_ =	shalt  }
0x53: {  	_ =	shalt  }
0x54: {  	_ =	shalt  }
0x55: {  	_ =	shalt  }
0x56: {  	_ =	shalt  }
0x57: {  	_ =	shalt  }
0x58: {  	_ =	shalt  }
0x59: {  	_ =	shalt  }
0x5a: {  	_ =	shalt  }
0x5b: {  	_ =	shalt  }
0x5c: {  	_ =	shalt  }
0x5d: {  	_ =	shalt  }
0x5e: {  	_ =	shalt  }
0x5f: {  	_ =	shalt  }
0x60: {  	_ =	shalt  }
0x61: {  	_ =	shalt  }
0x62: {  	_ =	shalt  }
0x63: {  	_ =	shalt  }
0x64: {  	_ =	shalt  }
0x65: {  	_ =	shalt  }
0x66: {  	_ =	shalt  }
0x67: {  	_ =	shalt  }
0x68: {  	_ =	shalt  }
0x69: {  	_ =	shalt  }
0x6a: {  	_ =	shalt  }
0x6b: {  	_ =	shalt  }
0x6c: {  	_ =	shalt  }
0x6d: {  	_ =	shalt  }
0x6e: {  	_ =	shalt  }
0x6f: {  	_ =	shalt  }
0x70: {  	_ =	shalt  }
0x71: {  	_ =	shalt  }
0x72: {  	_ =	shalt  }
0x73: {  	_ =	shalt  }
0x74: {  	_ =	shalt  }
0x75: {  	_ =	shalt  }
0x76: {  	_ =	shalt  }
0x77: {  	_ =	shalt  }
0x78: {  	_ =	shalt  }
0x79: {  	_ =	shalt  }
0x7a: {  	_ =	shalt  }
0x7b: {  	_ =	shalt  }
0x7c: {  	_ =	shalt  }
0x7d: {  	_ =	shalt  }
0x7e: {  	_ =	shalt  }
0x7f: {  	_ =	shalt  }
0x80: {  	_ =	shalt  }
0x81: {  	_ =	shalt  }
0x82: {  	_ =	shalt  }
0x83: {  	_ =	shalt  }
0x84: {  	_ =	shalt  }
0x85: {  	_ =	shalt  }
0x86: {  	_ =	shalt  }
0x87: {  	_ =	shalt  }
.Lfunc_end0:
.L_simem_size_0:
called_computation_lowered:
.L_overlay_start_0:
0x88: {  	s2 =	sld [smem:$0x3FD9]  }
0x89: {  	s3 =	sld [smem:$0x3FFE];
	_ =	sdelay $0x1  }
0x8a: {  	s1 =	srdreg.scid  }
0x8b: {  	s0 =	sand.u32 $0x1, s1  }
0x8c: {  	s18 =	sshll.u32 s0, $0xA;
	s2 =	sadd.s32 s3, s2  }
0x8d: {  	s2 =	sadd.s32 s2, s18  }
0x8e: {  	[smem:$0x3FC5] =	sst s2  }
0x8f: {  	_ = 	snop  }
0x90: {  	s2 =	sld [smem:$0x3FC9]  }
0x91: {  	s19 =	sld [smem:$0x3FC8]  }
0x92: {  	s4 =	sld [smem:$0x3FC7]  }
0x93: {  	s5 =	sld [smem:$0x3FD0];
	(tm) =	ssettm $0x1  }
0x94: {  	s6 =	sld [smem:$0x3FFB];
	_ =	sdelay $0x3  }
0x95: {  	_ =	strace s6  }
0x96: {  	s6 =	sld [smem:$0x3FFC];
	_ =	sdelay $0x3  }
0x97: {  	_ =	strace s6  }
0x98: {  	s6 =	sld [smem:$0x3FFD];
	_ =	sdelay $0x3  }
0x99: {  	_ =	strace s6  }
0x9a: {  	_ =	strace $0x8FFFFFFF  }
0x9b: {  	s20 =	sld [smem:$0x3FDB];
	_ =	sdelay $0x1  }
0x9c: {  	s7 =	simm.s32 $_scs_section_size  }
0x9d: {  	s8 =	simm.s32 $_size__tile_overlayer_lowered;
	s9 =	simm.s32 $_tile_overlayer_lowered  }
0x9e: {  	s23 =	simm.s32 $0x1BFF;
	s22 =	sshll.u32 s9, $0x1;
	s6 =	sadd.s32 s7, s20  }
0x9f: {  	s10 =	simm.s32 $0x0;
	s21 =	sshll.u32 s8, $0x1;
	s8 =	sadd.s32 s22, s6  }
0xa0: {  	[timem:s10], [sflag:s23] =	dma.local [hbm:s8], s21  }
0xa1: {  	_ =	swait.ge [sflag:s23], s21  }
0xa2: {  	s7 =	ssub.s32 $0x0, s21;
	[sflag:s23] =	ssyncset.done $0x0  }
0xa3: {  	[sflag:s23] =	ssyncadd.s32 s7;
	_ =	sdelay $0x1  }
0xa4: {  	s24 =	simm.s32 $0x1B8B  }
0xa5: {  	_ =	swait.ge [sflag:s24], $0x1  }
0xa6: {  	[sflag:s24] =	ssyncset.done $0x0  }
0xa7: {  	s25 =	simm.s32 $0x1B8E;
	[sflag:s24] =	ssyncadd.s32 $0xFFFFFFFF  }
0xa8: {  	s26 =	simm.s32 $execute0_lowered;
	[smem:$0x3FD2] =	sst s25  }
0xa9: {  	s7 =	sshll.u32 s26, $0x1;
	_ =	strace $0x80000046;
	[dreg:$0x1] =	wrdreg $0xFFFFFFFF  }
0xaa: {  	s28 =	simm.s32 $_size_execute0_lowered;
	s6 =	sadd.s32 s6, s7;
	[dreg:$0x0] =	wrdreg $0x0  }
0xab: {  	s7 =	sshll.u32 s28, $0x1;
	[dreg:$0x2] =	wrdreg s6  }
0xac: {  	[dreg:$0x3] =	wrdreg s7  }
0xad: {  	[dreg:$0x4] =	wrdreg $0xC0  }
0xae: {  	_ =	task [dreg:s10], $0x5FFFF  }
0xaf: {  	[dreg:$0x1] =	wrdreg $0xFFFFFFFF  }
0xb0: {  	[dreg:$0x0] =	wrdreg $0x60  }
0xb1: {  	[dreg:$0x2] =	wrdreg s2  }
0xb2: {  	[dreg:$0x3] =	wrdreg s19  }
0xb3: {  	[dreg:$0x4] =	wrdreg s4  }
0xb4: {  	[dreg:$0x5] =	wrdreg s5  }
0xb5: {  	[dreg:$0x6] =	wrdreg $0xE0000  }
0xb6: {  	[dreg:$0x7] =	wrdreg $0x9  }
0xb7: {  	_ =	task.clear_ibuf [dreg:s10], $0x8FFFF;
	_ =	strace $0x90000046  }
0xb8: {  	s29 =	simm.s32 $0x9;
	_ =	strace $0x80000048  }
0xb9: {  	_ =	swait.ge [sflag:s29], $0x1  }
0xba: {  	[sflag:s29] =	ssyncadd.s32 $0xFFFFFFFF  }
0xbb: {  	_ =	strace $0x90000048  }
0xbc: {  	_ =	sfence  }
0xbd: {  	s30 =	sld [smem:$0x0];
	_ =	sdelay $0x2  }
0xbe: {  	s31 =	sshll.u32 s1, $0xD;
	s1 =	sshrl.u32 s1, $0x2  }
0xbf: {  	s3 =	sand.u32 $0x4000, s31;
	s1 =	sadd.s32 s1, s30  }
0xc0: {  	s0 =	sor.u32 s3, s0;
	s1 =	sshll.u32 s1, $0x11  }
0xc1: {  	s0 =	sor.u32 s1, s0  }
0xc2: {  	s0 =	sadd.s32 $0x8F2B, s0  }
0xc3: {  	[sflag:s0] =	ssyncadd.remote.s32 $0x1  }
0xc4: {  	_ =	sfence.sel $0xFFFF  }
0xc5: {  	[dreg:$0x0] =	wrdreg $0xFFFFFFFF;
	(pc) =	sbr.abs _section_cstart, $3  }
0xc6: {  	[dreg:$0x1] =	wrdreg $0xFFFFFFFF  }
0xc7: {  	_ =	task.clear_ibuf [dreg:s10], $0x2FFFF;
	_ =	strace $0x9FFFFFFF  }
0xc8: {  	(tm) =	ssettm $0x7FFFFFFF  }
0xc9: {  	_ =	shalt  }
tec
execute0_lowered:
.L_overlay_start_1:
0x0: {  	(tag) =	ssettag $0x1  }
0x1: {  	s1 =	rddreg [dreg:$0x0]  }
0x2: {  	s2 =	rddreg [dreg:$0x1]  }
0x3: {  	s0 =	rddreg [dreg:$0x2]  }
0x4: {  	s4 =	rddreg [dreg:$0x3]  }
0x5: {  	s6 =	rddreg [dreg:$0x4]  }
0x6: {  	s7 =	srdreg.scid;
	s3 =	stileid.u32  }
0x7: {  	s5 =	simm.s32 $0x0;
	s14 =	simm.s32 $0xD;
	s15 =	simm.s32 $0x40  }
0x8: {  	s16 =	simm.s32 $0x8000;
	s17 =	simm.s32 $0x2000;
	s19 =	simm.s32 $0xA000  }
0x9: {  	s20 =	simm.s32 $0x4000;
	s22 =	simm.s32 $0x1;
	s23 =	simm.s32 $0x4  }
0xa: {  	s30 =	simm.s32 $0xC;
	s31 =	simm.s32 $0x0;
	s7 =	sand.u32 $0x1, s7  }
0xb: {  	s8 =	sshll.u32 s3, $0x1;
	[smem:$0x7FF] =	sst s5;
	s11 =	smul.u32 $0x18000, s3  }
0xc: {  	s9 =	ssub.s32 $0x2, s7;
	s8 =	sor.u32 s7, s8;
	_ =	strace $0x80000047  }
0xd: {  	s24 =	sshrl.u32 s9, $0x1;
	s10 =	sshll.u32 s8, $0xA;
	s7 =	sshll.u32 s8, $0x13  }
0xe: {  	s26 =	sshrl.u32 s11, $0x2;
	s8 =	sshll.u32 s8, $0x10;
	s12 =	ssub.s32 s9, s24  }
.Ltmp0:
0xf: {  	s25 =	sadd.s32 s0, s10;
	s28 =	sadd.s32 s8, s4;
	(pc) =	sbr.rel .LBB2_1-.Ltmp0, $4  }
0x10: {  	s24 =	simm.s32 $0xC000;
	[dreg:$0x6] =	wrdreg s25;
	s9 =	sadd.s32 $0x80, s25  }
0x11: {  	s0 =	sadd.s32 $0xFC00, s28;
	s29 =	smax.u32 s12, $0x1;
	[dreg:$0x7] =	wrdreg s9  }
0x12: {  	s25 =	simm.s32 $0x6000;
	s9 =	sadd.s32 s26, s6;
	[dreg:$0x8] =	wrdreg s0  }
0x13: {  	[dreg:$0x9] =	wrdreg s29;
	s10 =	sadd.s32 $0x2000, s9;
	s11 =	sadd.s32 $0x4000, s9  }
.LBB2_24:
0x14: {  	s6 =	simm.s32 $0x7  }
0x15: {  	s0 =	sshll.u32 s3, $0x6;
	_ =	swait.ge [sflag:s6], $0x2000  }
0x16: {  	s21 =	sshrl.u32 s9, $0x3;
	s26 =	simm.s32 $0xB;
	[sflag:s6] =	ssyncset.done $0x0  }
0x17: {  	s0 =	sor.u32 $0x1C0A, s0;
	s8 =	rddreg [dreg:$0x8];
	[sflag:s6] =	ssyncadd.s32 $0xFFFFE000  }
0x18: {  	[hbm:s8], [sflag:s0] =	dma.local [spmem:s21], $0x400  }
0x19: {  	_ =	swait.ge [sflag:s26], $0x400  }
0x1a: {  	[sflag:s26] =	ssyncset.done $0x0  }
0x1b: {  	[sflag:s26] =	ssyncadd.s32 $0xFFFFFC00  }
0x1c: {  	_ =	swait.ge [sflag:s30], $0x400  }
0x1d: {  	[sflag:s30] =	ssyncset.done $0x0  }
0x1e: {  	s28 =	simm.s32 $0xA;
	[sflag:s30] =	ssyncadd.s32 $0xFFFFFC00  }
0x1f: {  	_ =	swait.ge [sflag:s28], $0x400  }
0x20: {  	s31 =	sadd.s32 $0x1, s31;
	s29 =	rddreg [dreg:$0x9]  }
0x21: {  	p0 =	sne.s32 s31, s29  }
.Ltmp1:
0x22: {  	_ = 	snop;
	(pc) =	sbr.rel @!p0 .LBB2_25-.Ltmp1, $3  }
0x23: {  	_ =	sdelay $0x1  }
0x24: {  	[sflag:s28] =	ssyncset.done $0x0  }
0x25: {  	[sflag:s28] =	ssyncadd.s32 $0xFFFFFC00  }
.LBB2_1:
0x26: {  	s0 =	rddreg [dreg:$0x6]  }
0x27: {  	[tilespmem:s5], [sflag:$0xD] =	stream.linear.gather [hbm4b:s0+s5], $0x400, $0x38;
	[tilespmem:$0x14000] =	vst v63  }
0x28: {  	_ =	swait.ge [sflag:s14], $0x400  }
0x29: {  	[sflag:s14] =	ssyncset.done $0x0  }
0x2a: {  	[sflag:s14] =	ssyncadd.s32 $0xFFFFFC00  }
0x2b: {  	[tilespmem:s16], [sflag:$0x1] =	stream.indirect.gather [hbm4b:s1+s15], $0x80, s5, s15, $0xb8;
	[tilespmem:$0x14000] =	vst v63  }
0x2c: {  	_ = 	snop  }
0x2d: {  	[tilespmem:s17], [sflag:$0x4] =	stream.indirect.gather [hbm4b:s2+s15], $0x80, s5, s15, $0xb8;
	[tilespmem:$0x14000] =	vst v63  }
0x2e: {  	s28 =	simm.s32 $0x80  }
0x2f: {  	[tilespmem:s19], [sflag:$0x2] =	stream.indirect.gather [hbm4b:s1+s15], $0x80, s28, s15, $0xb8;
	[tilespmem:$0x14000] =	vst v63  }
0x30: {  	_ = 	snop  }
0x31: {  	[tilespmem:s20], [sflag:$0x5] =	stream.indirect.gather [hbm4b:s2+s15], $0x80, s28, s15, $0xb8;
	[tilespmem:$0x14000] =	vst v63  }
.Ltmp2:
0x32: {  	s6 =	simm.s32 $0x400;
	s29 =	rddreg [dreg:$0x7];
	(pc) =	sbr.rel .LBB2_2-.Ltmp2, $4  }
0x33: {  	[tilespmem:s6], [sflag:$0xD] =	stream.linear.gather [hbm4b:s29+s5], $0x1C00, $0x38;
	[tilespmem:$0x14000] =	vst v63  }
0x34: {  	_ =	swait.ge [sflag:s14], $0x1C00  }
0x35: {  	[sflag:s14] =	ssyncset.done $0x0  }
0x36: {  	s0 =	simm.s32 $0x0;
	[sflag:s14] =	ssyncadd.s32 $0xFFFFE400  }
.LBB2_23:
0x37: {  	s0 =	sadd.s32 $0x1, s0  }
0x38: {  	p0 =	sne.s32 s0, $0x40  }
.Ltmp3:
0x39: {  	_ = 	snop;
	(pc) =	sbr.rel @!p0 .LBB2_24-.Ltmp3, $1  }
0x3a: {  	_ =	sdelay $0x3  }
.LBB2_2:
0x3b: {  	s6 =	smul.u32 $0xAB, s0;
	_ =	sdelay $0x1  }
0x3c: {  	s6 =	sshrl.u32 s6, $0x9  }
0x3d: {  	s6 =	sand.u32 $0x7F, s6  }
0x3e: {  	s6 =	smul.u32 $0x3, s6;
	_ =	sdelay $0x1  }
0x3f: {  	s6 =	ssub.s32 s0, s6  }
0x40: {  	s6 =	sand.u32 $0xFF, s6  }
0x41: {  	p0 =	seq.s32 s6, $0x0  }
.Ltmp4:
0x42: {  	_ = 	snop;
	(pc) =	sbr.rel @p0 .LBB2_4-.Ltmp4, $2  }
0x43: {  	_ =	sdelay $0x2  }
0x44: {  	s8 =	sadd.s32 $0x2, s0  }
0x45: {  	p1 =	seq.s32 s6, $0x1;
	s12 =	simm.s32 $0x2  }
0x46: {  	s12 =	simm.s32 @!p1 $0x3  }
0x47: {  	_ =	swait.ge [sflag:s12], $0x2000  }
.Ltmp5:
0x48: {  	s13 =	simm.s32 $0x5;
	[sflag:s12] =	ssyncset.done $0x0;
	(pc) =	sbr.rel .LBB2_5-.Ltmp5, $4  }
0x49: {  	s13 =	simm.s32 @!p1 $0x6;
	[sflag:s12] =	ssyncadd.s32 $0xFFFFE000  }
0x4a: {  	_ =	swait.ge [sflag:s13], $0x2000  }
0x4b: {  	[sflag:s13] =	ssyncset.done $0x0  }
0x4c: {  	p0 =	sne.s32 s6, $0x1;
	[sflag:s13] =	ssyncadd.s32 $0xFFFFE000  }
.LBB2_4:
0x4d: {  	_ =	swait.ge [sflag:s22], $0x2000;
	p2 =	seq.s32 s0, $0x0  }
.Ltmp6:
0x4e: {  	[sflag:s22] =	ssyncset.done $0x0;
	(pc) =	sbr.rel @p2 .LBB2_8-.Ltmp6, $4  }
0x4f: {  	[sflag:s22] =	ssyncadd.s32 $0xFFFFE000  }
0x50: {  	_ =	swait.ge [sflag:s23], $0x2000  }
0x51: {  	[sflag:s23] =	ssyncset.done $0x0  }
0x52: {  	p1 =	por $0x0, $0x0;
	p0 =	por $0x0, $0x0;
	[sflag:s23] =	ssyncadd.s32 $0xFFFFE000  }
.LBB2_5:
0x53: {  	s12 =	sadd.s32 $0xFFFFFFFF, s0  }
0x54: {  	s13 =	sand.u32 $0xFF, s12  }
0x55: {  	s13 =	smul.u32 $0xAB, s13;
	_ =	sdelay $0x1  }
0x56: {  	s13 =	sshrl.u32 s13, $0x9  }
0x57: {  	s13 =	smul.u32 $0x3, s13;
	_ =	sdelay $0x1  }
0x58: {  	s13 =	ssub.s32 s12, s13  }
0x59: {  	s13 =	sand.u32 $0xFF, s13  }
0x5a: {  	p2 =	seq.s32 s13, $0x1  }
0x5b: {  	p3 =	sne.s32 @!p2 s13, $0x0  }
0x5c: {  	s21 =	smov.u32 s11;
	p3 =	por !p3, p2  }
0x5d: {  	s13 =	simm.s32 @!p3 $0x9;
	s18 =	simm.s32 @!p3 $0xC;
	s21 =	smov.u32 @p3 s9  }
0x5e: {  	s13 =	simm.s32 @p3 $0x7;
	s18 =	simm.s32 @p3 $0xA;
	s21 =	smov.u32 @p2 s10  }
0x5f: {  	s13 =	simm.s32 @p2 $0x8;
	s18 =	simm.s32 @p2 $0xB;
	p2 =	sgt.u32 s0, $0x3D  }
.Ltmp7:
0x60: {  	s12 =	sshll.u32 s12, $0xD;
	_ =	swait.ge [sflag:s13], $0x2000;
	(pc) =	sbr.rel @p2 .LBB2_10-.Ltmp7, $4  }
0x61: {  	s28 =	sshll.u32 s3, $0x6;
	s12 =	sadd.s32 s7, s12;
	[sflag:s13] =	ssyncset.done $0x0  }
0x62: {  	s12 =	sshrl.u32 s12, $0x3;
	[sflag:s13] =	ssyncadd.s32 $0xFFFFE000;
	s13 =	sadd.s32 s18, s28  }
0x63: {  	s12 =	sadd.s32 s4, s12;
	s29 =	sshrl.u32 s21, $0x3;
	s13 =	sadd.s32 $0x1C00, s13  }
0x64: {  	[hbm:s12], [sflag:s13] =	dma.local [spmem:s29], $0x400  }
0x65: {  	s12 =	smul.u32 $0xAB, s8;
	_ =	sdelay $0x1  }
0x66: {  	s12 =	sshrl.u32 s12, $0x9  }
0x67: {  	s12 =	sand.u32 $0x7F, s12  }
0x68: {  	s12 =	smul.u32 $0x3, s12;
	_ =	sdelay $0x1  }
0x69: {  	s12 =	ssub.s32 s8, s12  }
0x6a: {  	s12 =	sand.u32 $0xFF, s12  }
0x6b: {  	p2 =	seq.s32 s12, $0x2  }
.Ltmp8:
0x6c: {  	_ = 	snop;
	(pc) =	sbr.rel @p2 .LBB2_8-.Ltmp8, $1  }
0x6d: {  	_ =	sdelay $0x3  }
0x6e: {  	s8 =	sshll.u32 s8, $0x7  }
0x6f: {  	p2 =	seq.s32 s12, $0x1;
	s8 =	sand.u32 $0x3FFFFF80, s8  }
0x70: {  	[tilespmem:s19], [sflag:$0x2] =	stream.indirect.gather @p2 [hbm4b:s1+s15], $0x80, s8, s15, $0xb8;
	[tilespmem:$0x14000] =	vst v63  }
0x71: {  	_ = 	snop  }
0x72: {  	[tilespmem:s20], [sflag:$0x5] =	stream.indirect.gather @p2 [hbm4b:s2+s15], $0x80, s8, s15, $0xb8;
	[tilespmem:$0x14000] =	vst v63  }
.Ltmp9:
0x73: {  	_ = 	snop;
	(pc) =	sbr.rel .LBB2_9-.Ltmp9, $4  }
0x74: {  	_ = 	snop  }
0x75: {  	[tilespmem:s16], [sflag:$0x1] =	stream.indirect.gather @!p2 [hbm4b:s1+s15], $0x80, s8, s15, $0xb8;
	[tilespmem:$0x14000] =	vst v63  }
0x76: {  	_ = 	snop  }
0x77: {  	[tilespmem:s17], [sflag:$0x4] =	stream.indirect.gather @!p2 [hbm4b:s2+s15], $0x80, s8, s15, $0xb8;
	[tilespmem:$0x14000] =	vst v63  }
.LBB2_8:
0x78: {  	s8 =	sshll.u32 s8, $0x7  }
0x79: {  	s8 =	sand.u32 $0x3FFFFF80, s8  }
0x7a: {  	[tilespmem:s24], [sflag:$0x3] =	stream.indirect.gather [hbm4b:s1+s15], $0x80, s8, s15, $0xb8;
	[tilespmem:$0x14000] =	vst v63  }
0x7b: {  	_ = 	snop  }
0x7c: {  	[tilespmem:s25], [sflag:$0x6] =	stream.indirect.gather [hbm4b:s2+s15], $0x80, s8, s15, $0xb8;
	[tilespmem:$0x14000] =	vst v63  }
.LBB2_9:
0x7d: {  	p2 =	slt.u32 s0, $0x3  }
.Ltmp10:
0x7e: {  	_ = 	snop;
	(pc) =	sbr.rel @p2 .LBB2_11-.Ltmp10, $1  }
0x7f: {  	_ =	sdelay $0x3  }
.LBB2_10:
0x80: {  	s8 =	sadd.s32 $0xFFFFFFFD, s0  }
0x81: {  	s12 =	sand.u32 $0xFF, s8  }
0x82: {  	s12 =	smul.u32 $0xAB, s12;
	_ =	sdelay $0x1  }
0x83: {  	s12 =	sshrl.u32 s12, $0x9  }
0x84: {  	s12 =	smul.u32 $0x3, s12;
	_ =	sdelay $0x1  }
0x85: {  	s8 =	ssub.s32 s8, s12  }
0x86: {  	s8 =	sand.u32 $0xFF, s8  }
0x87: {  	p2 =	seq.s32 s8, $0x0  }
0x88: {  	p3 =	seq.s32 @!p2 s8, $0x2  }
0x89: {  	p3 =	por !p3, p2  }
0x8a: {  	s8 =	simm.s32 @!p3 $0xC  }
0x8b: {  	s8 =	simm.s32 @p3 $0xB  }
0x8c: {  	s8 =	simm.s32 @p2 $0xA  }
0x8d: {  	_ =	swait.ge [sflag:s8], $0x400  }
0x8e: {  	[sflag:s8] =	ssyncset.done $0x0  }
0x8f: {  	[sflag:s8] =	ssyncadd.s32 $0xFFFFFC00  }
.LBB2_11:
0x90: {  	p2 =	sne.s32 s6, $0x0  }
.Ltmp11:
0x91: {  	_ = 	snop;
	(pc) =	sbr.rel @p2 .LBB2_15-.Ltmp11, $1  }
0x92: {  	_ =	sdelay $0x3  }
0x93: {  	s12 =	simm.s32 $0x2100  }
0x94: {  	v0 =	vld [tilespmem:s12+$0x80];
	_ =	sdelay $0x2  }
0x95: {  	v1 =	vld [tilespmem:s12+$0xFFFFFF00]  }
0x96: {  	v2 =	vld [tilespmem:s12+$0xFFFFFF80]  }
0x97: {  	v0 =	vmul.f32 $1.442695020e+00, v0;
	_ =	sdelay $0x1  }
0x98: {  	(erf) = vpow2.f32 v0  }
0x99: {  	v1 =	vmul.f32 $1.442695020e+00, v1  }
0x9a: {  	v2 =	vmul.f32 $1.442695020e+00, v2  }
0x9b: {  	(erf) = vpow2.f32 v1  }
0x9c: {  	s21 =	simm.s32 $0x8100;
	(erf) = vpow2.f32 v2  }
0x9d: {  	v0 =	vld [tilespmem:s21+$0x80];
	_ =	sdelay $0x2  }
0x9e: {  	v3 =	vld [tilespmem:s21+$0xFFFFFF00]  }
0x9f: {  	v2 =	vld [tilespmem:s21+$0xFFFFFF80];
	v4 =	vpop (erf)  }
0xa0: {  	v0 =	vadd.f32 v4, v0  }
0xa1: {  	v1 =	vld [tilespmem:s12+$0x0]  }
0xa2: {  	v4 =	vpop (erf);
	[tilespmem:s21+$0x80] =	vst v0  }
0xa3: {  	v6 =	vpop (erf);
	v0 =	vadd.f32 v4, v3;
	v3 =	vld [tilespmem:s12+$0x90]  }
0xa4: {  	v2 =	vadd.f32 v6, v2;
	_ =	sdelay $0x1  }
0xa5: {  	v1 =	vmul.f32 $1.442695020e+00, v1;
	[tilespmem:s21+$0xFFFFFF80] =	vst v2  }
0xa6: {  	[tilespmem:s21+$0xFFFFFF00] =	vst v0;
	v0 =	vld [tilespmem:s12+$0xFFFFFF90]  }
0xa7: {  	(erf) = vpow2.f32 v1;
	v2 =	vld [tilespmem:s12+$0xFFFFFF10];
	v3 =	vmul.f32 $1.442695020e+00, v3;
	_ =	sdelay $0x1  }
0xa8: {  	(erf) = vpow2.f32 v3;
	_ =	sdelay $0x1  }
0xa9: {  	v0 =	vmul.f32 $1.442695020e+00, v0  }
0xaa: {  	v4 =	vld [tilespmem:s21+$0x0];
	v2 =	vmul.f32 $1.442695020e+00, v2  }
0xab: {  	(erf) = vpow2.f32 v0  }
0xac: {  	v3 =	vld [tilespmem:s21+$0x90];
	(erf) = vpow2.f32 v2;
	_ =	sdelay $0x1  }
0xad: {  	v0 =	vpop (erf)  }
0xae: {  	v0 =	vadd.f32 v0, v4  }
0xaf: {  	v7 =	vld [tilespmem:s21+$0xFFFFFF90];
	v4 =	vpop (erf)  }
0xb0: {  	v5 =	vld [tilespmem:s21+$0xFFFFFF10];
	[tilespmem:s21+$0x0] =	vst v0;
	v6 =	vadd.f32 v4, v3  }
0xb1: {  	v0 =	vld [tilespmem:s12+$0x10];
	_ =	sdelay $0x1  }
0xb2: {  	v11 =	vpop (erf)  }
0xb3: {  	v7 =	vadd.f32 v11, v7;
	[tilespmem:s21+$0x90] =	vst v6;
	v6 =	vpop (erf)  }
0xb4: {  	v11 =	vld [tilespmem:s12+$0xA0];
	v5 =	vadd.f32 v6, v5  }
0xb5: {  	v0 =	vmul.f32 $1.442695020e+00, v0;
	[tilespmem:s21+$0xFFFFFF90] =	vst v7  }
0xb6: {  	[tilespmem:s21+$0xFFFFFF10] =	vst v5;
	v5 =	vld [tilespmem:s12+$0xFFFFFFA0]  }
0xb7: {  	(erf) = vpow2.f32 v0;
	v7 =	vld [tilespmem:s12+$0xFFFFFF20];
	_ =	sdelay $0x1  }
0xb8: {  	v0 =	vmul.f32 $1.442695020e+00, v11;
	_ =	sdelay $0x1  }
0xb9: {  	(erf) = vpow2.f32 v0  }
0xba: {  	v2 =	vld [tilespmem:s21+$0x10];
	v5 =	vmul.f32 $1.442695020e+00, v5;
	v0 =	vmul.f32 $1.442695020e+00, v7;
	_ =	sdelay $0x1  }
0xbb: {  	(erf) = vpow2.f32 v5  }
0xbc: {  	(erf) = vpow2.f32 v0  }
0xbd: {  	v0 =	vpop (erf)  }
0xbe: {  	v11 =	vld [tilespmem:s21+$0xA0];
	v0 =	vadd.f32 v0, v2;
	_ =	sdelay $0x1  }
0xbf: {  	v8 =	vld [tilespmem:s21+$0xFFFFFFA0]  }
0xc0: {  	v1 =	vld [tilespmem:s21+$0xFFFFFF20]  }
0xc1: {  	[tilespmem:s21+$0x10] =	vst v0;
	v0 =	vpop (erf)  }
0xc2: {  	v2 =	vld [tilespmem:s12+$0x20];
	v11 =	vadd.f32 v0, v11  }
0xc3: {  	v0 =	vpop (erf)  }
0xc4: {  	v8 =	vadd.f32 v0, v8;
	v14 =	vpop (erf);
	[tilespmem:s21+$0xA0] =	vst v11  }
0xc5: {  	v1 =	vadd.f32 v14, v1;
	v11 =	vld [tilespmem:s12+$0xB0]  }
0xc6: {  	[tilespmem:s21+$0xFFFFFFA0] =	vst v8  }
0xc7: {  	v2 =	vmul.f32 $1.442695020e+00, v2;
	[tilespmem:s21+$0xFFFFFF20] =	vst v1;
	v1 =	vld [tilespmem:s12+$0xFFFFFFB0]  }
0xc8: {  	s8 =	simm.s32 $0x2300;
	v8 =	vld [tilespmem:s12+$0xFFFFFF30]  }
0xc9: {  	(erf) = vpow2.f32 v2;
	v2 =	vld [tilespmem:s8+$0x80]  }
0xca: {  	v14 =	vld [tilespmem:s8+$0xFFFFFF00];
	v11 =	vmul.f32 $1.442695020e+00, v11;
	_ =	sdelay $0x1  }
0xcb: {  	v15 =	vld [tilespmem:s8+$0xFFFFFF80];
	(erf) = vpow2.f32 v11  }
0xcc: {  	v1 =	vmul.f32 $1.442695020e+00, v1  }
0xcd: {  	v8 =	vmul.f32 $1.442695020e+00, v8;
	v2 =	vmul.f32 $1.442695020e+00, v2  }
0xce: {  	v5 =	vld [tilespmem:s21+$0x20];
	(erf) = vpow2.f32 v1;
	v1 =	vmul.f32 $1.442695020e+00, v14  }
0xcf: {  	v11 =	vld [tilespmem:s21+$0xB0];
	(erf) = vpow2.f32 v8  }
0xd0: {  	v8 =	vmul.f32 $1.442695020e+00, v15;
	(erf) = vpow2.f32 v2;
	v2 =	vld [tilespmem:s8+$0x0]  }
0xd1: {  	(erf) = vpow2.f32 v1  }
0xd2: {  	v1 =	vpop (erf);
	(erf) = vpow2.f32 v8  }
0xd3: {  	v1 =	vadd.f32 v1, v5  }
0xd4: {  	s18 =	simm.s32 $0x8300;
	v9 =	vld [tilespmem:s21+$0xFFFFFF30];
	v14 =	vpop (erf)  }
0xd5: {  	[tilespmem:s21+$0x20] =	vst v1;
	v1 =	vld [tilespmem:s18+$0x80];
	v2 =	vmul.f32 $1.442695020e+00, v2;
	v11 =	vadd.f32 v14, v11  }
0xd6: {  	v15 =	vld [tilespmem:s18+$0xFFFFFF80]  }
0xd7: {  	v17 =	vpop (erf);
	(erf) = vpow2.f32 v2;
	v2 =	vld [tilespmem:s18+$0xFFFFFF00]  }
0xd8: {  	v8 =	vld [tilespmem:s12+$0x30];
	v14 =	vpop (erf);
	[tilespmem:s21+$0xB0] =	vst v11  }
0xd9: {  	v19 =	vld [tilespmem:s12+$0xC0];
	v11 =	vpop (erf)  }
0xda: {  	v10 =	vld [tilespmem:s21+$0xFFFFFFB0];
	v1 =	vadd.f32 v11, v1;
	v11 =	vpop (erf)  }
0xdb: {  	v12 =	vld [tilespmem:s21+$0x30];
	v21 =	vpop (erf)  }
0xdc: {  	v13 =	vld [tilespmem:s21+$0xFFFFFFD0];
	v15 =	vadd.f32 v21, v15;
	[tilespmem:s18+$0x80] =	vst v1;
	v1 =	vadd.f32 v11, v2  }
0xdd: {  	v18 =	vld [tilespmem:s18+$0x0];
	v2 =	vmul.f32 $1.442695020e+00, v8  }
0xde: {  	v11 =	vld [tilespmem:s8+$0x90];
	v8 =	vmul.f32 $1.442695020e+00, v19;
	[tilespmem:s18+$0xFFFFFF80] =	vst v15  }
0xdf: {  	[tilespmem:s18+$0xFFFFFF00] =	vst v1;
	(erf) = vpow2.f32 v2;
	v15 =	vld [tilespmem:s8+$0xFFFFFF90]  }
0xe0: {  	v19 =	vld [tilespmem:s8+$0xFFFFFF10];
	v1 =	vpop (erf);
	(erf) = vpow2.f32 v8  }
0xe1: {  	v23 =	vld [tilespmem:s21+$0xFFFFFF60]  }
0xe2: {  	v22 =	vld [tilespmem:s21+$0xFFFFFFE0];
	v8 =	vadd.f32 v1, v18  }
0xe3: {  	v16 =	vld [tilespmem:s21+$0x50];
	v11 =	vmul.f32 $1.442695020e+00, v11  }
0xe4: {  	v20 =	vld [tilespmem:s18+$0xFFFFFF10];
	[tilespmem:s18+$0x0] =	vst v8;
	v8 =	vmul.f32 $1.442695020e+00, v15  }
0xe5: {  	(erf) = vpow2.f32 v11;
	v15 =	vmul.f32 $1.442695020e+00, v19;
	v19 =	vld [tilespmem:s21+$0xC0]  }
0xe6: {  	v24 =	vld [tilespmem:s18+$0xFFFFFF90]  }
0xe7: {  	v11 =	vld [tilespmem:s8+$0x10];
	(erf) = vpow2.f32 v8;
	v8 =	vadd.f32 v14, v9  }
0xe8: {  	v25 =	vld [tilespmem:s18+$0xFFFFFFA0];
	v9 =	vadd.f32 v17, v10;
	v10 =	vpop (erf)  }
0xe9: {  	v26 =	vld [tilespmem:s18+$0xFFFFFF40];
	[tilespmem:s21+$0xFFFFFF30] =	vst v8;
	v8 =	vadd.f32 v10, v12;
	v10 =	vpop (erf)  }
0xea: {  	v17 =	vld [tilespmem:s18+$0x90];
	(erf) = vpow2.f32 v15;
	v10 =	vadd.f32 v10, v19  }
0xeb: {  	v27 =	vld [tilespmem:s18+$0xFFFFFFC0]  }
0xec: {  	[tilespmem:s21+$0xFFFFFFB0] =	vst v9;
	v9 =	vld [tilespmem:s12+$0xFFFFFF40];
	v11 =	vmul.f32 $1.442695020e+00, v11  }
0xed: {  	[tilespmem:s21+$0x30] =	vst v8;
	v8 =	vld [tilespmem:s12+$0xFFFFFFC0]  }
0xee: {  	v28 =	vld [tilespmem:s18+$0x40];
	[tilespmem:s21+$0xC0] =	vst v10;
	v10 =	vpop (erf)  }
0xef: {  	v12 =	vld [tilespmem:s12+$0x40];
	v10 =	vadd.f32 v10, v17  }
0xf0: {  	s6 =	simm.s32 $0x8500;
	(erf) = vpow2.f32 v11;
	v19 =	vld [tilespmem:s12+$0xD0];
	v11 =	vpop (erf)  }
0xf1: {  	v31 =	vld [tilespmem:s6+$0x0];
	v9 =	vmul.f32 $1.442695020e+00, v9;
	v17 =	vadd.f32 v11, v24  }
0xf2: {  	v33 =	vld [tilespmem:s6+$0xFFFFFF00];
	v8 =	vmul.f32 $1.442695020e+00, v8;
	[tilespmem:s18+$0x90] =	vst v10  }
0xf3: {  	v35 =	vld [tilespmem:s6+$0xFFFFFF10];
	[tilespmem:s18+$0xFFFFFF90] =	vst v17;
	v10 =	vpop (erf);
	(erf) = vpow2.f32 v9  }
0xf4: {  	v12 =	vmul.f32 $1.442695020e+00, v12;
	(erf) = vpow2.f32 v8;
	v8 =	vld [tilespmem:s8+$0xFFFFFFA0]  }
0xf5: {  	v9 =	vmul.f32 $1.442695020e+00, v19;
	v10 =	vadd.f32 v10, v20;
	v20 =	vld [tilespmem:s8+$0xA0]  }
0xf6: {  	v37 =	vld [tilespmem:s6+$0xFFFFFF90];
	(erf) = vpow2.f32 v12  }
0xf7: {  	v18 =	vld [tilespmem:s18+$0x10];
	[tilespmem:s18+$0xFFFFFF10] =	vst v10;
	(erf) = vpow2.f32 v9  }
0xf8: {  	v10 =	vld [tilespmem:s8+$0xFFFFFF20]  }
0xf9: {  	v4 =	vld [tilespmem:s21+$0xFFFFFF40];
	v8 =	vmul.f32 $1.442695020e+00, v8  }
0xfa: {  	v3 =	vld [tilespmem:s21+$0xFFFFFFC0];
	v9 =	vmul.f32 $1.442695020e+00, v20  }
0xfb: {  	v7 =	vld [tilespmem:s21+$0x40];
	v12 =	vpop (erf)  }
0xfc: {  	v18 =	vadd.f32 v12, v18;
	v20 =	vld [tilespmem:s21+$0xD0];
	(erf) = vpow2.f32 v9  }
0xfd: {  	v45 =	vld [tilespmem:s6+$0xFFFFFF20];
	v9 =	vmul.f32 $1.442695020e+00, v10;
	(erf) = vpow2.f32 v8;
	v8 =	vpop (erf)  }
0xfe: {  	v46 =	vld [tilespmem:s6+$0xFFFFFFA0];
	[tilespmem:s18+$0x10] =	vst v18;
	v4 =	vadd.f32 v8, v4;
	v8 =	vpop (erf)  }
0xff: {  	(erf) = vpow2.f32 v9;
	v9 =	vld [tilespmem:s8+$0x20];
	v3 =	vadd.f32 v8, v3;
	v8 =	vpop (erf)  }
0x100: {  	v21 =	vld [tilespmem:s18+$0xFFFFFF20];
	[tilespmem:s21+$0xFFFFFF40] =	vst v4;
	v4 =	vadd.f32 v8, v7;
	v7 =	vpop (erf)  }
0x101: {  	v18 =	vld [tilespmem:s18+$0xA0];
	[tilespmem:s21+$0xFFFFFFC0] =	vst v3;
	v3 =	vadd.f32 v7, v20  }
0x102: {  	v24 =	vld [tilespmem:s12+$0xFFFFFF50]  }
0x103: {  	v20 =	vld [tilespmem:s12+$0xFFFFFFD0];
	[tilespmem:s21+$0x40] =	vst v4  }
0x104: {  	v4 =	vmul.f32 $1.442695020e+00, v9;
	v9 =	vld [tilespmem:s12+$0x50];
	[tilespmem:s21+$0xD0] =	vst v3  }
0x105: {  	v29 =	vld [tilespmem:s12+$0xE0];
	v3 =	vpop (erf)  }
0x106: {  	v47 =	vld [tilespmem:s6+$0x20];
	(erf) = vpow2.f32 v4;
	v4 =	vadd.f32 v3, v18;
	v3 =	vpop (erf)  }
0x107: {  	v58 =	vld [tilespmem:s6+$0xA0];
	v18 =	vmul.f32 $1.442695020e+00, v24;
	v24 =	vadd.f32 v3, v25  }
0x108: {  	v19 =	vld [tilespmem:s18+$0x20];
	v25 =	vpop (erf);
	[tilespmem:s18+$0xA0] =	vst v4;
	v4 =	vmul.f32 $1.442695020e+00, v20  }
0x109: {  	v20 =	vadd.f32 v25, v21;
	v9 =	vmul.f32 $1.442695020e+00, v9;
	(erf) = vpow2.f32 v18;
	v21 =	vld [tilespmem:s8+$0xB0];
	[tilespmem:s18+$0xFFFFFFA0] =	vst v24  }
0x10a: {  	s13 =	simm.s32 $0x2500;
	v18 =	vmul.f32 $1.442695020e+00, v29;
	(erf) = vpow2.f32 v4;
	v4 =	vld [tilespmem:s8+$0xFFFFFFB0]  }
0x10b: {  	v24 =	vld [tilespmem:s13+$0xFFFFFF00];
	[tilespmem:s18+$0xFFFFFF20] =	vst v20;
	(erf) = vpow2.f32 v9  }
0x10c: {  	v20 =	vld [tilespmem:s8+$0xFFFFFF30];
	(erf) = vpow2.f32 v18  }
0x10d: {  	v18 =	vld [tilespmem:s13+$0x80]  }
0x10e: {  	v6 =	vld [tilespmem:s21+$0xFFFFFF50]  }
0x10f: {  	v0 =	vld [tilespmem:s21+$0xFFFFFF70];
	v21 =	vmul.f32 $1.442695020e+00, v21;
	v30 =	vmul.f32 $1.442695020e+00, v4  }
0x110: {  	v5 =	vld [tilespmem:s21+$0x60];
	v24 =	vmul.f32 $1.442695020e+00, v24  }
0x111: {  	v29 =	vpop (erf);
	(erf) = vpow2.f32 v21;
	v20 =	vmul.f32 $1.442695020e+00, v20;
	v21 =	vld [tilespmem:s21+$0xE0]  }
0x112: {  	v53 =	vld [tilespmem:s18+$0xD0];
	v19 =	vadd.f32 v29, v19;
	v18 =	vmul.f32 $1.442695020e+00, v18;
	(erf) = vpow2.f32 v30;
	v29 =	vpop (erf)  }
0x113: {  	v2 =	vld [tilespmem:s21+$0xFFFFFFF0];
	(erf) = vpow2.f32 v20;
	v30 =	vpop (erf)  }
0x114: {  	v25 =	vld [tilespmem:s13+$0xFFFFFF80];
	(erf) = vpow2.f32 v18;
	v13 =	vadd.f32 v30, v13;
	v30 =	vpop (erf)  }
0x115: {  	[tilespmem:s18+$0x20] =	vst v19;
	v19 =	vld [tilespmem:s13+$0x0];
	(erf) = vpow2.f32 v24;
	v24 =	vpop (erf)  }
0x116: {  	v18 =	vld [tilespmem:s18+$0xB0];
	[tilespmem:s21+$0xFFFFFFD0] =	vst v13;
	v13 =	vadd.f32 v24, v21  }
0x117: {  	v1 =	vld [tilespmem:s21+$0x70]  }
0x118: {  	v14 =	vld [tilespmem:s18+$0xFFFFFF30]  }
0x119: {  	v15 =	vld [tilespmem:s18+$0xFFFFFFB0];
	v25 =	vmul.f32 $1.442695020e+00, v25  }
0x11a: {  	v11 =	vld [tilespmem:s18+$0xFFFFFF50];
	v29 =	vadd.f32 v29, v6;
	[tilespmem:s21+$0xE0] =	vst v13;
	v13 =	vpop (erf)  }
0x11b: {  	(erf) = vpow2.f32 v25;
	v19 =	vmul.f32 $1.442695020e+00, v19;
	v24 =	vld [tilespmem:s6+$0x80];
	v13 =	vadd.f32 v13, v18  }
0x11c: {  	v20 =	vld [tilespmem:s8+$0x30]  }
0x11d: {  	[tilespmem:s21+$0xFFFFFF50] =	vst v29;
	v21 =	vld [tilespmem:s12+$0xFFFFFFE0];
	(erf) = vpow2.f32 v19;
	v18 =	vpop (erf)  }
0x11e: {  	v25 =	vld [tilespmem:s12+$0xFFFFFF60];
	v32 =	vpop (erf)  }
0x11f: {  	v17 =	vld [tilespmem:s18+$0x30];
	[tilespmem:s18+$0xB0] =	vst v13;
	v13 =	vpop (erf)  }
0x120: {  	v29 =	vld [tilespmem:s6+$0xFFFFFF80];
	v13 =	vadd.f32 v13, v24  }
0x121: {  	v12 =	vld [tilespmem:s18+$0xFFFFFFD0]  }
0x122: {  	v20 =	vmul.f32 $1.442695020e+00, v20;
	v19 =	vld [tilespmem:s12+$0xF0];
	[tilespmem:s6+$0x80] =	vst v13;
	v13 =	vmul.f32 $1.442695020e+00, v21  }
0x123: {  	v25 =	vmul.f32 $1.442695020e+00, v25;
	v34 =	vld [tilespmem:s8+$0xC0];
	v24 =	vpop (erf)  }
0x124: {  	(erf) = vpow2.f32 v20;
	v36 =	vpop (erf);
	v20 =	vld [tilespmem:s13+$0x90]  }
0x125: {  	v10 =	vld [tilespmem:s18+$0x50];
	(erf) = vpow2.f32 v25;
	v29 =	vadd.f32 v36, v29  }
0x126: {  	v8 =	vld [tilespmem:s18+$0xFFFFFFE0];
	v21 =	vadd.f32 v24, v33;
	(erf) = vpow2.f32 v13;
	v13 =	vpop (erf)  }
0x127: {  	v7 =	vld [tilespmem:s18+$0xFFFFFF60];
	v19 =	vmul.f32 $1.442695020e+00, v19;
	[tilespmem:s6+$0xFFFFFF80] =	vst v29;
	v13 =	vadd.f32 v13, v31  }
0x128: {  	v24 =	vmul.f32 $1.442695020e+00, v34;
	[tilespmem:s6+$0xFFFFFF00] =	vst v21;
	v25 =	vld [tilespmem:s13+$0xFFFFFF90]  }
0x129: {  	(erf) = vpow2.f32 v19;
	v19 =	vld [tilespmem:s13+$0xFFFFFF10];
	[tilespmem:s6+$0x0] =	vst v13;
	v13 =	vmul.f32 $1.442695020e+00, v20  }
0x12a: {  	v3 =	vld [tilespmem:s18+$0xFFFFFF70];
	(erf) = vpow2.f32 v24  }
0x12b: {  	v9 =	vld [tilespmem:s18+$0x60];
	(erf) = vpow2.f32 v13  }
0x12c: {  	v21 =	vld [tilespmem:s13+$0x10]  }
0x12d: {  	v4 =	vld [tilespmem:s18+$0xFFFFFFF0];
	v20 =	vmul.f32 $1.442695020e+00, v25  }
0x12e: {  	v6 =	vld [tilespmem:s18+$0x70];
	v24 =	vmul.f32 $1.442695020e+00, v19  }
0x12f: {  	v14 =	vadd.f32 v32, v14;
	v25 =	vld [tilespmem:s18+$0xC0];
	(erf) = vpow2.f32 v20;
	v13 =	vpop (erf)  }
0x130: {  	v15 =	vadd.f32 v18, v15;
	v38 =	vpop (erf);
	(erf) = vpow2.f32 v24;
	v24 =	vld [tilespmem:s6+$0x90];
	v13 =	vadd.f32 v13, v17  }
0x131: {  	v18 =	vld [tilespmem:s6+$0x30];
	[tilespmem:s18+$0xFFFFFF30] =	vst v14;
	v48 =	vpop (erf);
	v21 =	vmul.f32 $1.442695020e+00, v21  }
0x132: {  	[tilespmem:s18+$0xFFFFFFB0] =	vst v15;
	v15 =	vld [tilespmem:s8+$0xFFFFFF40];
	v39 =	vpop (erf)  }
0x133: {  	v29 =	vld [tilespmem:s6+$0x10];
	(erf) = vpow2.f32 v21;
	v14 =	vpop (erf)  }
0x134: {  	v31 =	vld [tilespmem:s21+$0xF0];
	[tilespmem:s18+$0x30] =	vst v13;
	v14 =	vadd.f32 v14, v25;
	v13 =	vpop (erf)  }
0x135: {  	v17 =	vld [tilespmem:s8+$0xFFFFFFC0];
	v24 =	vadd.f32 v13, v24  }
0x136: {  	v21 =	vld [tilespmem:s8+$0x40];
	[tilespmem:s18+$0xC0] =	vst v14  }
0x137: {  	v25 =	vld [tilespmem:s8+$0xD0];
	[tilespmem:s6+$0x90] =	vst v24  }
0x138: {  	v40 =	vpop (erf);
	v49 =	vld [tilespmem:s13+$0xA0]  }
0x139: {  	v15 =	vmul.f32 $1.442695020e+00, v15;
	v19 =	vld [tilespmem:s6+$0xFFFFFF30];
	v37 =	vadd.f32 v40, v37;
	v24 =	vpop (erf)  }
0x13a: {  	v16 =	vadd.f32 v30, v16;
	v20 =	vld [tilespmem:s6+$0xFFFFFFB0];
	v17 =	vmul.f32 $1.442695020e+00, v17;
	v24 =	vadd.f32 v24, v35  }
0x13b: {  	v23 =	vadd.f32 v38, v23;
	(erf) = vpow2.f32 v15;
	v15 =	vld [tilespmem:s6+$0x40];
	v50 =	vmul.f32 $1.442695020e+00, v21;
	[tilespmem:s6+$0xFFFFFF90] =	vst v37  }
0x13c: {  	v22 =	vadd.f32 v48, v22;
	(erf) = vpow2.f32 v17;
	v17 =	vld [tilespmem:s13+$0xFFFFFFA0];
	v51 =	vpop (erf);
	v25 =	vmul.f32 $1.442695020e+00, v25;
	[tilespmem:s6+$0xFFFFFF10] =	vst v24  }
0x13d: {  	[tilespmem:s21+$0xFFFFFF60] =	vst v23;
	(erf) = vpow2.f32 v50;
	v29 =	vadd.f32 v51, v29;
	v52 =	vld [tilespmem:s13+$0xFFFFFF20];
	v30 =	vmul.f32 $1.442695020e+00, v49  }
0x13e: {  	[tilespmem:s21+$0xFFFFFFE0] =	vst v22;
	v60 =	vld [tilespmem:s12+$0xFFFFFF70];
	(erf) = vpow2.f32 v25  }
0x13f: {  	v61 =	vld [tilespmem:s12+$0xFFFFFFF0];
	[tilespmem:s6+$0x10] =	vst v29;
	(erf) = vpow2.f32 v30  }
0x140: {  	v29 =	vld [tilespmem:s13+$0x20]  }
0x141: {  	[tilespmem:s21+$0x50] =	vst v16;
	v14 =	vld [tilespmem:s6+$0xFFFFFF40];
	v16 =	vmul.f32 $1.442695020e+00, v17  }
0x142: {  	v30 =	vld [tilespmem:s12+$0x60];
	v35 =	vmul.f32 $1.442695020e+00, v52  }
0x143: {  	v13 =	vld [tilespmem:s6+$0xFFFFFFC0];
	(erf) = vpow2.f32 v16  }
0x144: {  	v21 =	vld [tilespmem:s6+$0xFFFFFF50];
	v54 =	vpop (erf);
	(erf) = vpow2.f32 v35  }
0x145: {  	v24 =	vld [tilespmem:s6+$0xFFFFFFD0];
	v55 =	vadd.f32 v54, v26;
	v56 =	vpop (erf);
	v29 =	vmul.f32 $1.442695020e+00, v29  }
0x146: {  	v25 =	vld [tilespmem:s6+$0x50];
	v27 =	vadd.f32 v56, v27;
	v57 =	vpop (erf)  }
0x147: {  	v26 =	vld [tilespmem:s6+$0x60];
	[tilespmem:s18+$0xFFFFFF40] =	vst v55;
	v28 =	vadd.f32 v57, v28;
	v30 =	vmul.f32 $1.442695020e+00, v30;
	v59 =	vpop (erf);
	(erf) = vpow2.f32 v29  }
0x148: {  	[tilespmem:s18+$0xFFFFFFC0] =	vst v27;
	v29 =	vld [tilespmem:s8+$0xFFFFFF50];
	v27 =	vadd.f32 v59, v53;
	v23 =	vpop (erf)  }
0x149: {  	[tilespmem:s18+$0x40] =	vst v28;
	v28 =	vld [tilespmem:s8+$0xFFFFFFD0];
	(erf) = vpow2.f32 v30;
	v23 =	vadd.f32 v23, v58  }
0x14a: {  	v30 =	vld [tilespmem:s8+$0x50];
	[tilespmem:s18+$0xD0] =	vst v27  }
0x14b: {  	v27 =	vld [tilespmem:s8+$0xE0]  }
0x14c: {  	v17 =	vld [tilespmem:s6+$0xFFFFFF60];
	v22 =	vpop (erf)  }
0x14d: {  	v16 =	vld [tilespmem:s6+$0xFFFFFFE0];
	v29 =	vmul.f32 $1.442695020e+00, v29;
	[tilespmem:s6+$0xA0] =	vst v23;
	v23 =	vpop (erf)  }
0x14e: {  	v34 =	vadd.f32 v22, v46;
	v22 =	vld [tilespmem:s6+$0xFFFFFF70];
	v28 =	vmul.f32 $1.442695020e+00, v28;
	v33 =	vadd.f32 v23, v45  }
0x14f: {  	v30 =	vmul.f32 $1.442695020e+00, v30;
	(erf) = vpow2.f32 v29;
	v29 =	vld [tilespmem:s13+$0xB0]  }
0x150: {  	v62 =	vadd.f32 v39, v31;
	[tilespmem:s6+$0xFFFFFFA0] =	vst v34;
	v23 =	vld [tilespmem:s6+$0xFFFFFFF0];
	v63 =	vmul.f32 $1.442695020e+00, v27;
	(erf) = vpow2.f32 v28;
	v27 =	vpop (erf)  }
0x151: {  	v31 =	vmul.f32 $1.442695020e+00, v60;
	v28 =	vld [tilespmem:s13+$0xFFFFFFB0];
	(erf) = vpow2.f32 v30;
	v30 =	vadd.f32 v27, v47;
	[tilespmem:s6+$0xFFFFFF20] =	vst v33  }
0x152: {  	s28 =	simm.s32 $0x8;
	s29 =	simm.s32 $0x2700;
	s26 =	simm.s32 $0x8500;
	[tilespmem:s21+$0xF0] =	vst v62;
	v32 =	vmul.f32 $1.442695020e+00, v61;
	(erf) = vpow2.f32 v63;
	v27 =	vld [tilespmem:s13+$0xFFFFFF30];
	v33 =	vpop (erf)  }
.LBB2_13:
0x153: {  	v34 =	vld [tilespmem:s29+$0x80];
	s28 =	sadd.s32 $0x4, s28;
	[tilespmem:s6+$0x20] =	vst v30;
	v30 =	vadd.f32 v33, v5;
	(erf) = vpow2.f32 v31;
	v5 =	vmovc v9;
	v9 =	vmov v26  }
0x154: {  	v26 =	vld [tilespmem:s29+$0xFFFFFF00];
	p2 =	slt.u32 s28, $0x3C;
	v29 =	vmul.f32 $1.442695020e+00, v29;
	(erf) = vpow2.f32 v32  }
0x155: {  	v31 =	vld [tilespmem:s29+$0xFFFFFF80];
	[tilespmem:s21+$0x60] =	vst v30  }
0x156: {  	v30 =	vld [tilespmem:s29+$0x0];
	v35 =	vmul.f32 $1.442695020e+00, v28;
	(erf) = vpow2.f32 v29  }
0x157: {  	v36 =	vmul.f32 $1.442695020e+00, v27;
	v29 =	vld [tilespmem:s18+$0xE0]  }
0x158: {  	v32 =	vmul.f32 $1.442695020e+00, v34;
	v33 =	vld [tilespmem:s13+$0x30];
	(erf) = vpow2.f32 v35;
	v28 =	vpop (erf)  }
0x159: {  	v26 =	vmul.f32 $1.442695020e+00, v26;
	(erf) = vpow2.f32 v36;
	v34 =	vadd.f32 v28, v11;
	v27 =	vpop (erf);
	v28 =	vld [tilespmem:s12+$0x70];
	s12 =	smov.u32 s8;
	s8 =	smov.u32 s13;
	s13 =	smov.u32 s29  }
0x15a: {  	v31 =	vmul.f32 $1.442695020e+00, v31;
	(erf) = vpow2.f32 v32;
	v32 =	vld [tilespmem:s6+$0x70];
	v12 =	vadd.f32 v27, v12;
	v27 =	vpop (erf)  }
0x15b: {  	v30 =	vmul.f32 $1.442695020e+00, v30;
	(erf) = vpow2.f32 v26;
	v26 =	vld [tilespmem:s6+$0xB0];
	[tilespmem:s18+$0xFFFFFF50] =	vst v34;
	v35 =	vadd.f32 v27, v10;
	v11 =	vpop (erf)  }
0x15c: {  	(erf) = vpow2.f32 v31;
	v27 =	vld [tilespmem:s12+$0xFFFFFF60];
	[tilespmem:s18+$0xFFFFFFD0] =	vst v12;
	v34 =	vadd.f32 v11, v29;
	v29 =	vpop (erf);
	v11 =	vmov v21  }
0x15d: {  	s6 =	sadd.s32 $0x200, s6;
	(erf) = vpow2.f32 v30;
	v36 =	vmul.f32 $1.442695020e+00, v33;
	v30 =	vld [tilespmem:s12+$0xFFFFFFE0];
	[tilespmem:s18+$0x50] =	vst v35;
	v29 =	vadd.f32 v29, v0;
	v0 =	vpop (erf)  }
0x15e: {  	v10 =	vmovc v25;
	v31 =	vld [tilespmem:s6+$0x80];
	[tilespmem:s18+$0xE0] =	vst v34;
	v33 =	vadd.f32 v0, v2;
	v28 =	vmul.f32 $1.442695020e+00, v28;
	v12 =	vmovc v24;
	v0 =	vmov v3  }
0x15f: {  	v3 =	vmov v22;
	v2 =	vmov v4;
	(erf) = vpow2.f32 v36;
	v21 =	vpop (erf);
	v24 =	vld [tilespmem:s12+$0xF0];
	[tilespmem:s21+$0xFFFFFF70] =	vst v29  }
0x160: {  	v4 =	vmov v23;
	v22 =	vld [tilespmem:s6+$0xFFFFFF80];
	v29 =	vadd.f32 v21, v26;
	[tilespmem:s21+$0xFFFFFFF0] =	vst v33;
	(erf) = vpow2.f32 v28  }
0x161: {  	v23 =	vld [tilespmem:s6+$0x0];
	v25 =	vpop (erf);
	v26 =	vmul.f32 $1.442695020e+00, v27  }
0x162: {  	v27 =	vld [tilespmem:s6+$0xFFFFFF00];
	v20 =	vadd.f32 v25, v20;
	[tilespmem:s26+$0xB0] =	vst v29;
	v21 =	vpop (erf);
	v30 =	vmul.f32 $1.442695020e+00, v30  }
0x163: {  	v28 =	vpop (erf);
	v19 =	vadd.f32 v21, v19;
	v21 =	vld [tilespmem:s8+$0xC0];
	(erf) = vpow2.f32 v26  }
0x164: {  	v26 =	vld [tilespmem:s6+$0xFFFFFF10];
	v28 =	vadd.f32 v28, v31;
	v29 =	vpop (erf);
	[tilespmem:s26+$0xFFFFFFB0] =	vst v20;
	v20 =	vmul.f32 $1.442695020e+00, v24;
	(erf) = vpow2.f32 v30  }
0x165: {  	v24 =	vld [tilespmem:s6+$0xFFFFFF90];
	v25 =	vpop (erf);
	[tilespmem:s26+$0xFFFFFF30] =	vst v19  }
0x166: {  	v19 =	vadd.f32 v25, v22;
	v22 =	vld [tilespmem:s6+$0x10];
	[tilespmem:s6+$0x80] =	vst v28;
	v25 =	vpop (erf);
	(erf) = vpow2.f32 v20  }
0x167: {  	v20 =	vadd.f32 v29, v27;
	v25 =	vadd.f32 v25, v23;
	v27 =	vld [tilespmem:s29+$0x90]  }
0x168: {  	v23 =	vld [tilespmem:s6+$0xFFFFFF20];
	[tilespmem:s6+$0xFFFFFF80] =	vst v19;
	v19 =	vmul.f32 $1.442695020e+00, v21;
	v21 =	vpop (erf)  }
0x169: {  	[tilespmem:s6+$0xFFFFFF00] =	vst v20;
	v20 =	vld [tilespmem:s29+$0xFFFFFF90];
	v18 =	vadd.f32 v21, v18;
	v21 =	vpop (erf)  }
0x16a: {  	v29 =	vld [tilespmem:s29+$0xFFFFFF10];
	[tilespmem:s6+$0x0] =	vst v25;
	(erf) = vpow2.f32 v19;
	v19 =	vadd.f32 v21, v1;
	v1 =	vmovc v6;
	v6 =	vmov v32  }
0x16b: {  	[tilespmem:s26+$0x30] =	vst v18;
	v18 =	vld [tilespmem:s18+$0xF0]  }
0x16c: {  	v21 =	vld [tilespmem:s29+$0x10];
	v25 =	vmul.f32 $1.442695020e+00, v27;
	v27 =	vpop (erf);
	[tilespmem:s21+$0x70] =	vst v19;
	s21 =	smov.u32 s18;
	s18 =	smov.u32 s26;
	s26 =	smov.u32 s6  }
0x16d: {  	v28 =	vld [tilespmem:s6+$0xFFFFFFA0];
	v19 =	vadd.f32 v27, v7;
	v30 =	vpop (erf);
	v7 =	vmov v17  }
0x16e: {  	v17 =	vmul.f32 $1.442695020e+00, v20;
	v27 =	vld [tilespmem:s6+$0x20];
	(erf) = vpow2.f32 v25;
	v20 =	vadd.f32 v30, v8;
	v8 =	vmovc v16  }
0x16f: {  	v16 =	vmul.f32 $1.442695020e+00, v29;
	v25 =	vld [tilespmem:s18+$0xC0];
	[tilespmem:s21+$0xFFFFFF60] =	vst v19;
	v29 =	vpop (erf)  }
0x170: {  	v19 =	vld [tilespmem:s6+$0xFFFFFF30];
	(erf) = vpow2.f32 v17;
	[tilespmem:s21+$0xFFFFFFE0] =	vst v20;
	v29 =	vadd.f32 v29, v18  }
0x171: {  	v20 =	vld [tilespmem:s6+$0xFFFFFFB0];
	v21 =	vmul.f32 $1.442695020e+00, v21;
	(erf) = vpow2.f32 v16  }
0x172: {  	v18 =	vld [tilespmem:s6+$0x30];
	[tilespmem:s21+$0xF0] =	vst v29  }
0x173: {  	v16 =	vld [tilespmem:s6+$0x90];
	(erf) = vpow2.f32 v21;
	v17 =	vpop (erf)  }
0x174: {  	v21 =	vld [tilespmem:s8+$0xFFFFFF40];
	v30 =	vadd.f32 v17, v25  }
0x175: {  	v25 =	vld [tilespmem:s8+$0xFFFFFFC0]  }
0x176: {  	v29 =	vld [tilespmem:s8+$0x40];
	[tilespmem:s18+$0xC0] =	vst v30  }
0x177: {  	v17 =	vpop (erf);
	v30 =	vld [tilespmem:s8+$0xD0]  }
0x178: {  	v31 =	vld [tilespmem:s6+$0xFFFFFF40];
	v34 =	vadd.f32 v17, v16  }
0x179: {  	v32 =	vld [tilespmem:s6+$0xFFFFFFC0];
	v17 =	vpop (erf);
	v21 =	vmul.f32 $1.442695020e+00, v21  }
0x17a: {  	v35 =	vadd.f32 v17, v24;
	v33 =	vld [tilespmem:s6+$0x40];
	[tilespmem:s6+$0x90] =	vst v34;
	v16 =	vpop (erf);
	v24 =	vmul.f32 $1.442695020e+00, v25  }
0x17b: {  	v16 =	vadd.f32 v16, v26;
	v25 =	vld [tilespmem:s29+$0xA0];
	v26 =	vmul.f32 $1.442695020e+00, v29;
	(erf) = vpow2.f32 v21  }
0x17c: {  	v21 =	vld [tilespmem:s6+$0xFFFFFF50];
	[tilespmem:s6+$0xFFFFFF90] =	vst v35;
	v17 =	vpop (erf);
	v29 =	vmul.f32 $1.442695020e+00, v30;
	(erf) = vpow2.f32 v24  }
0x17d: {  	[tilespmem:s6+$0xFFFFFF10] =	vst v16;
	v16 =	vld [tilespmem:s29+$0xFFFFFFA0];
	v17 =	vadd.f32 v17, v22;
	(erf) = vpow2.f32 v26  }
0x17e: {  	v22 =	vld [tilespmem:s29+$0xFFFFFF20];
	(erf) = vpow2.f32 v29  }
0x17f: {  	v24 =	vld [tilespmem:s6+$0xFFFFFFD0];
	[tilespmem:s6+$0x10] =	vst v17  }
0x180: {  	v26 =	vld [tilespmem:s29+$0x20];
	v17 =	vmul.f32 $1.442695020e+00, v25  }
0x181: {  	v25 =	vld [tilespmem:s6+$0x50]  }
0x182: {  	v16 =	vmul.f32 $1.442695020e+00, v16;
	(erf) = vpow2.f32 v17;
	v29 =	vld [tilespmem:s12+$0x60]  }
0x183: {  	v22 =	vmul.f32 $1.442695020e+00, v22;
	v30 =	vld [tilespmem:s18+$0xD0]  }
0x184: {  	v17 =	vld [tilespmem:s6+$0xFFFFFF60];
	(erf) = vpow2.f32 v16;
	v34 =	vpop (erf)  }
0x185: {  	v16 =	vld [tilespmem:s6+$0xFFFFFFE0];
	v35 =	vmul.f32 $1.442695020e+00, v26;
	(erf) = vpow2.f32 v22;
	v22 =	vadd.f32 v34, v14;
	v14 =	vpop (erf)  }
0x186: {  	v26 =	vld [tilespmem:s6+$0x60];
	v34 =	vadd.f32 v14, v13;
	v36 =	vpop (erf);
	v14 =	vmov v31;
	v13 =	vmov v32  }
0x187: {  	v31 =	vld [tilespmem:s6+$0xA0];
	(erf) = vpow2.f32 v35;
	[tilespmem:s18+$0xFFFFFF40] =	vst v22;
	v22 =	vadd.f32 v36, v15;
	v15 =	vpop (erf);
	v29 =	vmul.f32 $1.442695020e+00, v29  }
0x188: {  	v32 =	vld [tilespmem:s8+$0xFFFFFF50];
	[tilespmem:s18+$0xFFFFFFC0] =	vst v34;
	v30 =	vadd.f32 v15, v30;
	v15 =	vmov v33  }
0x189: {  	v33 =	vld [tilespmem:s8+$0xFFFFFFD0];
	[tilespmem:s18+$0x40] =	vst v22;
	(erf) = vpow2.f32 v29  }
0x18a: {  	v34 =	vld [tilespmem:s8+$0x50];
	[tilespmem:s18+$0xD0] =	vst v30  }
0x18b: {  	v22 =	vpop (erf);
	v30 =	vld [tilespmem:s8+$0xE0]  }
0x18c: {  	v37 =	vadd.f32 v22, v31;
	v31 =	vld [tilespmem:s12+$0xFFFFFF70]  }
0x18d: {  	v35 =	vpop (erf);
	v38 =	vmul.f32 $1.442695020e+00, v32;
	v36 =	vld [tilespmem:s12+$0xFFFFFFF0]  }
.Ltmp12:
0x18e: {  	v22 =	vld [tilespmem:s6+$0xFFFFFF70];
	v28 =	vadd.f32 v35, v28;
	[tilespmem:s6+$0xA0] =	vst v37;
	v29 =	vpop (erf);
	v33 =	vmul.f32 $1.442695020e+00, v33;
	(pc) =	sbr.rel @p2 .LBB2_13-.Ltmp12, $4  }
0x18f: {  	v35 =	vadd.f32 v29, v23;
	v29 =	vld [tilespmem:s29+$0xB0];
	v34 =	vmul.f32 $1.442695020e+00, v34;
	(erf) = vpow2.f32 v38  }
0x190: {  	[tilespmem:s6+$0xFFFFFFA0] =	vst v28;
	v23 =	vld [tilespmem:s6+$0xFFFFFFF0];
	v32 =	vpop (erf);
	v37 =	vmul.f32 $1.442695020e+00, v30;
	(erf) = vpow2.f32 v33  }
0x191: {  	[tilespmem:s6+$0xFFFFFF20] =	vst v35;
	v28 =	vld [tilespmem:s29+$0xFFFFFFB0];
	v30 =	vadd.f32 v32, v27;
	(erf) = vpow2.f32 v34;
	v31 =	vmul.f32 $1.442695020e+00, v31  }
0x192: {  	s29 =	sadd.s32 $0x200, s29;
	v27 =	vld [tilespmem:s13+$0xFFFFFF30];
	(erf) = vpow2.f32 v37;
	v32 =	vmul.f32 $1.442695020e+00, v36;
	v33 =	vpop (erf)  }
0x193: {  	_ = 	snop  }
0x194: {  	(erf) = vpow2.f32 v31;
	v29 =	vmul.f32 $1.442695020e+00, v29  }
0x195: {  	(erf) = vpow2.f32 v32  }
0x196: {  	(erf) = vpow2.f32 v29;
	_ =	sdelay $0x2  }
0x197: {  	v52 =	vpop (erf)  }
0x198: {  	v53 =	vld [tilespmem:s18+$0xE0];
	v54 =	vpop (erf)  }
0x199: {  	v35 =	vld [tilespmem:s6+$0xB0];
	v34 =	vpop (erf)  }
0x19a: {  	v33 =	vadd.f32 v33, v5;
	v36 =	vpop (erf)  }
0x19b: {  	[tilespmem:s6+$0x20] =	vst v30;
	v29 =	vadd.f32 v52, v11;
	v5 =	vpop (erf)  }
0x19c: {  	v30 =	vld [tilespmem:s13+$0x30];
	[tilespmem:s21+$0x60] =	vst v33;
	v12 =	vadd.f32 v54, v12;
	v11 =	vpop (erf)  }
0x19d: {  	v55 =	vld [tilespmem:s12+$0x70];
	[tilespmem:s18+$0xFFFFFF50] =	vst v29;
	v31 =	vadd.f32 v36, v53;
	v56 =	vpop (erf)  }
0x19e: {  	[tilespmem:s18+$0xFFFFFFD0] =	vst v12;
	v58 =	vld [tilespmem:s8+$0xFFFFFF60];
	v57 =	vadd.f32 v56, v35  }
0x19f: {  	v28 =	vmul.f32 $1.442695020e+00, v28;
	v59 =	vld [tilespmem:s8+$0xFFFFFFE0];
	[tilespmem:s18+$0xE0] =	vst v31  }
0x1a0: {  	v27 =	vmul.f32 $1.442695020e+00, v27;
	v60 =	vld [tilespmem:s8+$0xF0];
	[tilespmem:s26+$0xB0] =	vst v57  }
0x1a1: {  	(erf) = vpow2.f32 v28;
	v61 =	vmul.f32 $1.442695020e+00, v30;
	v62 =	vld [tilespmem:s13+$0xC0]  }
0x1a2: {  	(erf) = vpow2.f32 v27;
	v63 =	vmul.f32 $1.442695020e+00, v55  }
0x1a3: {  	(erf) = vpow2.f32 v61;
	v33 =	vmul.f32 $1.442695020e+00, v58  }
0x1a4: {  	(erf) = vpow2.f32 v63;
	v35 =	vmul.f32 $1.442695020e+00, v59  }
0x1a5: {  	(erf) = vpow2.f32 v33;
	v12 =	vmul.f32 $1.442695020e+00, v60  }
0x1a6: {  	(erf) = vpow2.f32 v35;
	v36 =	vmul.f32 $1.442695020e+00, v62  }
0x1a7: {  	(erf) = vpow2.f32 v12  }
0x1a8: {  	(erf) = vpow2.f32 v36;
	_ =	sdelay $0x1  }
0x1a9: {  	v37 =	vpop (erf)  }
0x1aa: {  	v38 =	vpop (erf)  }
0x1ab: {  	v39 =	vpop (erf)  }
0x1ac: {  	v40 =	vld [tilespmem:s26+$0xC0];
	v29 =	vpop (erf)  }
0x1ad: {  	v20 =	vadd.f32 v37, v20;
	v41 =	vpop (erf)  }
0x1ae: {  	v19 =	vadd.f32 v38, v19;
	v42 =	vpop (erf)  }
0x1af: {  	[tilespmem:s26+$0xFFFFFFB0] =	vst v20;
	v32 =	vpop (erf)  }
0x1b0: {  	v18 =	vadd.f32 v39, v18;
	v45 =	vld [tilespmem:s13+$0xFFFFFFC0];
	[tilespmem:s26+$0xFFFFFF30] =	vst v19;
	v43 =	vpop (erf)  }
0x1b1: {  	v44 =	vld [tilespmem:s13+$0xFFFFFF40];
	v19 =	vadd.f32 v43, v40  }
0x1b2: {  	v12 =	vld [tilespmem:s6+$0x70];
	[tilespmem:s26+$0x30] =	vst v18  }
0x1b3: {  	v46 =	vld [tilespmem:s13+$0x40];
	[tilespmem:s26+$0xC0] =	vst v19  }
0x1b4: {  	v19 =	vld [tilespmem:s13+$0xD0];
	_ =	sdelay $0x1  }
0x1b5: {  	v20 =	vmul.f32 $1.442695020e+00, v44  }
0x1b6: {  	v18 =	vmul.f32 $1.442695020e+00, v45  }
0x1b7: {  	v28 =	vmul.f32 $1.442695020e+00, v46;
	(erf) = vpow2.f32 v20  }
0x1b8: {  	(erf) = vpow2.f32 v18;
	v19 =	vmul.f32 $1.442695020e+00, v19  }
0x1b9: {  	(erf) = vpow2.f32 v28  }
0x1ba: {  	(erf) = vpow2.f32 v19;
	_ =	sdelay $0x4  }
0x1bb: {  	v47 =	vld [tilespmem:s26+$0xD0]  }
0x1bc: {  	v10 =	vadd.f32 v34, v10;
	v48 =	vpop (erf)  }
0x1bd: {  	v14 =	vadd.f32 v48, v14;
	v49 =	vpop (erf)  }
0x1be: {  	[tilespmem:s18+$0x50] =	vst v10;
	v50 =	vadd.f32 v49, v13;
	v51 =	vpop (erf)  }
0x1bf: {  	v52 =	vld [tilespmem:s8+$0x60];
	[tilespmem:s26+$0xFFFFFF40] =	vst v14;
	v13 =	vadd.f32 v51, v15;
	v53 =	vpop (erf)  }
0x1c0: {  	v54 =	vld [tilespmem:s13+$0xFFFFFF50];
	[tilespmem:s26+$0xFFFFFFC0] =	vst v50;
	v55 =	vadd.f32 v53, v47  }
0x1c1: {  	v56 =	vld [tilespmem:s13+$0xFFFFFFD0];
	[tilespmem:s26+$0x40] =	vst v13  }
0x1c2: {  	v13 =	vld [tilespmem:s13+$0x50];
	[tilespmem:s26+$0xD0] =	vst v55  }
0x1c3: {  	v10 =	vld [tilespmem:s13+$0xE0]  }
0x1c4: {  	v57 =	vmul.f32 $1.442695020e+00, v52  }
0x1c5: {  	v15 =	vmul.f32 $1.442695020e+00, v54  }
0x1c6: {  	(erf) = vpow2.f32 v57;
	v14 =	vmul.f32 $1.442695020e+00, v56  }
0x1c7: {  	v13 =	vmul.f32 $1.442695020e+00, v13;
	(erf) = vpow2.f32 v15  }
0x1c8: {  	(erf) = vpow2.f32 v14;
	v10 =	vmul.f32 $1.442695020e+00, v10  }
0x1c9: {  	(erf) = vpow2.f32 v13  }
0x1ca: {  	(erf) = vpow2.f32 v10;
	_ =	sdelay $0x4  }
0x1cb: {  	v59 =	vld [tilespmem:s26+$0xE0];
	v7 =	vadd.f32 v41, v7;
	v58 =	vpop (erf)  }
0x1cc: {  	v8 =	vadd.f32 v42, v8;
	v60 =	vpop (erf)  }
0x1cd: {  	[tilespmem:s18+$0xFFFFFF60] =	vst v7;
	v61 =	vadd.f32 v58, v9;
	v62 =	vpop (erf)  }
0x1ce: {  	[tilespmem:s18+$0xFFFFFFE0] =	vst v8;
	v63 =	vld [tilespmem:s8+$0xFFFFFF70];
	v21 =	vadd.f32 v60, v21;
	v27 =	vpop (erf)  }
0x1cf: {  	v28 =	vld [tilespmem:s8+$0xFFFFFFF0];
	[tilespmem:s18+$0x60] =	vst v61;
	v30 =	vadd.f32 v62, v24;
	v31 =	vpop (erf)  }
0x1d0: {  	v33 =	vld [tilespmem:s8+$0x70];
	[tilespmem:s26+$0xFFFFFF50] =	vst v21;
	v9 =	vadd.f32 v31, v59  }
0x1d1: {  	v34 =	vadd.f32 v27, v25;
	v35 =	vld [tilespmem:s13+$0xFFFFFF60];
	[tilespmem:s26+$0xFFFFFFD0] =	vst v30  }
0x1d2: {  	v7 =	vld [tilespmem:s13+$0xFFFFFFE0];
	[tilespmem:s26+$0xE0] =	vst v9  }
0x1d3: {  	v8 =	vmul.f32 $1.442695020e+00, v63;
	[tilespmem:s26+$0x50] =	vst v34;
	v9 =	vld [tilespmem:s13+$0xF0]  }
0x1d4: {  	v36 =	vmul.f32 $1.442695020e+00, v28;
	v37 =	vld [tilespmem:s13+$0x60]  }
0x1d5: {  	v38 =	vmul.f32 $1.442695020e+00, v33;
	(erf) = vpow2.f32 v8  }
0x1d6: {  	(erf) = vpow2.f32 v36;
	v39 =	vmul.f32 $1.442695020e+00, v35  }
0x1d7: {  	(erf) = vpow2.f32 v38;
	v7 =	vmul.f32 $1.442695020e+00, v7  }
0x1d8: {  	(erf) = vpow2.f32 v39;
	v40 =	vmul.f32 $1.442695020e+00, v9  }
0x1d9: {  	v41 =	vmul.f32 $1.442695020e+00, v37;
	(erf) = vpow2.f32 v7  }
0x1da: {  	(erf) = vpow2.f32 v40  }
0x1db: {  	(erf) = vpow2.f32 v41;
	_ =	sdelay $0x2  }
0x1dc: {  	v42 =	vpop (erf)  }
0x1dd: {  	v43 =	vpop (erf)  }
0x1de: {  	v44 =	vpop (erf)  }
0x1df: {  	v10 =	vpop (erf)  }
0x1e0: {  	v45 =	vpop (erf)  }
0x1e1: {  	v10 =	vadd.f32 v10, v17;
	v46 =	vpop (erf)  }
0x1e2: {  	v13 =	vadd.f32 v45, v16;
	v47 =	vpop (erf)  }
0x1e3: {  	[tilespmem:s26+$0xFFFFFF60] =	vst v10;
	v48 =	vadd.f32 v47, v26  }
0x1e4: {  	[tilespmem:s26+$0xFFFFFFE0] =	vst v13;
	v49 =	vld [tilespmem:s13+$0xFFFFFF70]  }
0x1e5: {  	v50 =	vld [tilespmem:s13+$0xFFFFFFF0];
	[tilespmem:s26+$0x60] =	vst v48  }
0x1e6: {  	v10 =	vld [tilespmem:s13+$0x70];
	_ =	sdelay $0x2  }
0x1e7: {  	v13 =	vmul.f32 $1.442695020e+00, v49  }
0x1e8: {  	v15 =	vmul.f32 $1.442695020e+00, v50  }
0x1e9: {  	v51 =	vld [tilespmem:s18+$0xF0];
	(erf) = vpow2.f32 v13;
	v10 =	vmul.f32 $1.442695020e+00, v10  }
0x1ea: {  	(erf) = vpow2.f32 v15  }
0x1eb: {  	v0 =	vadd.f32 v5, v0;
	(erf) = vpow2.f32 v10  }
0x1ec: {  	v2 =	vadd.f32 v11, v2  }
0x1ed: {  	[tilespmem:s21+$0xFFFFFF70] =	vst v0;
	v52 =	vadd.f32 v29, v1;
	v53 =	vld [tilespmem:s26+$0xF0]  }
0x1ee: {  	[tilespmem:s21+$0xFFFFFFF0] =	vst v2;
	v54 =	vadd.f32 v32, v51  }
0x1ef: {  	[tilespmem:s21+$0x70] =	vst v52;
	v55 =	vadd.f32 v42, v3  }
0x1f0: {  	[tilespmem:s18+$0xF0] =	vst v54;
	v56 =	vadd.f32 v43, v4  }
0x1f1: {  	[tilespmem:s18+$0xFFFFFF70] =	vst v55;
	v57 =	vadd.f32 v44, v6  }
0x1f2: {  	[tilespmem:s18+$0xFFFFFFF0] =	vst v56;
	v1 =	vadd.f32 v46, v53;
	v58 =	vpop (erf)  }
0x1f3: {  	[tilespmem:s18+$0x70] =	vst v57;
	v59 =	vadd.f32 v58, v22;
	v60 =	vpop (erf)  }
0x1f4: {  	[tilespmem:s26+$0xF0] =	vst v1;
	v61 =	vadd.f32 v60, v23;
	v62 =	vpop (erf)  }
0x1f5: {  	[tilespmem:s26+$0xFFFFFF70] =	vst v59;
	v63 =	vadd.f32 v62, v12  }
0x1f6: {  	[tilespmem:s26+$0xFFFFFFF0] =	vst v61  }
0x1f7: {  	[tilespmem:s26+$0x70] =	vst v63  }
0x1f8: {  	[spmem:s9] =	stream.linear.scatter [tilespmem:s16], [sflag:$0x7], $0x2000, $0x38;
	[tilespmem:$0x14000] =	vst v63  }
.LBB2_15:
.Ltmp13:
0x1f9: {  	(pc) =	sbr.rel @!p1 .LBB2_19-.Ltmp13, $1  }
0x1fa: {  	_ =	sdelay $0x3  }
0x1fb: {  	s12 =	simm.s32 $0x41F0  }
0x1fc: {  	v0 =	vld [tilespmem:s12+$0xFFFFFF90];
	_ =	sdelay $0x2  }
0x1fd: {  	v1 =	vld [tilespmem:s12+$0xFFFFFE10]  }
0x1fe: {  	v2 =	vld [tilespmem:s12+$0xFFFFFE90]  }
0x1ff: {  	v0 =	vmul.f32 $1.442695020e+00, v0;
	_ =	sdelay $0x1  }
0x200: {  	(erf) = vpow2.f32 v0  }
0x201: {  	v1 =	vmul.f32 $1.442695020e+00, v1  }
0x202: {  	v2 =	vmul.f32 $1.442695020e+00, v2  }
0x203: {  	(erf) = vpow2.f32 v1  }
0x204: {  	s21 =	simm.s32 $0xA1F0;
	(erf) = vpow2.f32 v2  }
0x205: {  	v0 =	vld [tilespmem:s21+$0xFFFFFF90];
	_ =	sdelay $0x2  }
0x206: {  	v3 =	vld [tilespmem:s21+$0xFFFFFE10]  }
0x207: {  	v2 =	vld [tilespmem:s21+$0xFFFFFE90];
	v4 =	vpop (erf)  }
0x208: {  	v0 =	vadd.f32 v4, v0  }
0x209: {  	v1 =	vld [tilespmem:s12+$0xFFFFFF10]  }
0x20a: {  	v4 =	vpop (erf);
	[tilespmem:s21+$0xFFFFFF90] =	vst v0  }
0x20b: {  	v6 =	vpop (erf);
	v0 =	vadd.f32 v4, v3;
	v3 =	vld [tilespmem:s12+$0xFFFFFFA0]  }
0x20c: {  	v2 =	vadd.f32 v6, v2;
	_ =	sdelay $0x1  }
0x20d: {  	v1 =	vmul.f32 $1.442695020e+00, v1;
	[tilespmem:s21+$0xFFFFFE90] =	vst v2  }
0x20e: {  	[tilespmem:s21+$0xFFFFFE10] =	vst v0;
	v0 =	vld [tilespmem:s12+$0xFFFFFEA0]  }
0x20f: {  	(erf) = vpow2.f32 v1;
	v2 =	vld [tilespmem:s12+$0xFFFFFE20];
	v3 =	vmul.f32 $1.442695020e+00, v3;
	_ =	sdelay $0x1  }
0x210: {  	(erf) = vpow2.f32 v3;
	_ =	sdelay $0x1  }
0x211: {  	v0 =	vmul.f32 $1.442695020e+00, v0  }
0x212: {  	v4 =	vld [tilespmem:s21+$0xFFFFFF10];
	v2 =	vmul.f32 $1.442695020e+00, v2  }
0x213: {  	(erf) = vpow2.f32 v0  }
0x214: {  	v3 =	vld [tilespmem:s21+$0xFFFFFFA0];
	(erf) = vpow2.f32 v2;
	_ =	sdelay $0x1  }
0x215: {  	v0 =	vpop (erf)  }
0x216: {  	v0 =	vadd.f32 v0, v4  }
0x217: {  	v7 =	vld [tilespmem:s21+$0xFFFFFEA0];
	v4 =	vpop (erf)  }
0x218: {  	v5 =	vld [tilespmem:s21+$0xFFFFFE20];
	[tilespmem:s21+$0xFFFFFF10] =	vst v0;
	v6 =	vadd.f32 v4, v3  }
0x219: {  	v0 =	vld [tilespmem:s12+$0xFFFFFF20];
	_ =	sdelay $0x1  }
0x21a: {  	v11 =	vpop (erf)  }
0x21b: {  	v7 =	vadd.f32 v11, v7;
	[tilespmem:s21+$0xFFFFFFA0] =	vst v6;
	v6 =	vpop (erf)  }
0x21c: {  	v11 =	vld [tilespmem:s12+$0xFFFFFFB0];
	v5 =	vadd.f32 v6, v5  }
0x21d: {  	v0 =	vmul.f32 $1.442695020e+00, v0;
	[tilespmem:s21+$0xFFFFFEA0] =	vst v7  }
0x21e: {  	[tilespmem:s21+$0xFFFFFE20] =	vst v5;
	v5 =	vld [tilespmem:s12+$0xFFFFFEB0]  }
0x21f: {  	(erf) = vpow2.f32 v0;
	v7 =	vld [tilespmem:s12+$0xFFFFFE30];
	_ =	sdelay $0x1  }
0x220: {  	v0 =	vmul.f32 $1.442695020e+00, v11;
	_ =	sdelay $0x1  }
0x221: {  	(erf) = vpow2.f32 v0  }
0x222: {  	v2 =	vld [tilespmem:s21+$0xFFFFFF20];
	v5 =	vmul.f32 $1.442695020e+00, v5;
	v0 =	vmul.f32 $1.442695020e+00, v7;
	_ =	sdelay $0x1  }
0x223: {  	(erf) = vpow2.f32 v5  }
0x224: {  	(erf) = vpow2.f32 v0  }
0x225: {  	v0 =	vpop (erf)  }
0x226: {  	v11 =	vld [tilespmem:s21+$0xFFFFFFB0];
	v0 =	vadd.f32 v0, v2;
	_ =	sdelay $0x1  }
0x227: {  	v8 =	vld [tilespmem:s21+$0xFFFFFEB0]  }
0x228: {  	v1 =	vld [tilespmem:s21+$0xFFFFFE30]  }
0x229: {  	[tilespmem:s21+$0xFFFFFF20] =	vst v0;
	v0 =	vpop (erf)  }
0x22a: {  	v2 =	vld [tilespmem:s12+$0xFFFFFF30];
	v11 =	vadd.f32 v0, v11  }
0x22b: {  	v0 =	vpop (erf)  }
0x22c: {  	v8 =	vadd.f32 v0, v8;
	v14 =	vpop (erf);
	[tilespmem:s21+$0xFFFFFFB0] =	vst v11  }
0x22d: {  	v1 =	vadd.f32 v14, v1;
	v11 =	vld [tilespmem:s12+$0xFFFFFFC0]  }
0x22e: {  	[tilespmem:s21+$0xFFFFFEB0] =	vst v8  }
0x22f: {  	v2 =	vmul.f32 $1.442695020e+00, v2;
	[tilespmem:s21+$0xFFFFFE30] =	vst v1;
	v1 =	vld [tilespmem:s12+$0xFFFFFEC0]  }
0x230: {  	s8 =	simm.s32 $0x43F0;
	v8 =	vld [tilespmem:s12+$0xFFFFFE40]  }
0x231: {  	(erf) = vpow2.f32 v2;
	v2 =	vld [tilespmem:s8+$0xFFFFFF90]  }
0x232: {  	v14 =	vld [tilespmem:s8+$0xFFFFFE10];
	v11 =	vmul.f32 $1.442695020e+00, v11;
	_ =	sdelay $0x1  }
0x233: {  	v15 =	vld [tilespmem:s8+$0xFFFFFE90];
	(erf) = vpow2.f32 v11  }
0x234: {  	v1 =	vmul.f32 $1.442695020e+00, v1  }
0x235: {  	v8 =	vmul.f32 $1.442695020e+00, v8;
	v2 =	vmul.f32 $1.442695020e+00, v2  }
0x236: {  	v5 =	vld [tilespmem:s21+$0xFFFFFF30];
	(erf) = vpow2.f32 v1;
	v1 =	vmul.f32 $1.442695020e+00, v14  }
0x237: {  	v11 =	vld [tilespmem:s21+$0xFFFFFFC0];
	(erf) = vpow2.f32 v8  }
0x238: {  	v8 =	vmul.f32 $1.442695020e+00, v15;
	(erf) = vpow2.f32 v2;
	v2 =	vld [tilespmem:s8+$0xFFFFFF10]  }
0x239: {  	(erf) = vpow2.f32 v1  }
0x23a: {  	v1 =	vpop (erf);
	(erf) = vpow2.f32 v8  }
0x23b: {  	v1 =	vadd.f32 v1, v5  }
0x23c: {  	s18 =	simm.s32 $0xA3F0;
	v9 =	vld [tilespmem:s21+$0xFFFFFE40];
	v14 =	vpop (erf)  }
0x23d: {  	[tilespmem:s21+$0xFFFFFF30] =	vst v1;
	v1 =	vld [tilespmem:s18+$0xFFFFFF90];
	v2 =	vmul.f32 $1.442695020e+00, v2;
	v11 =	vadd.f32 v14, v11  }
0x23e: {  	v15 =	vld [tilespmem:s18+$0xFFFFFE90]  }
0x23f: {  	v17 =	vpop (erf);
	(erf) = vpow2.f32 v2;
	v2 =	vld [tilespmem:s18+$0xFFFFFE10]  }
0x240: {  	v8 =	vld [tilespmem:s12+$0xFFFFFF40];
	v14 =	vpop (erf);
	[tilespmem:s21+$0xFFFFFFC0] =	vst v11  }
0x241: {  	v19 =	vld [tilespmem:s12+$0xFFFFFFD0];
	v11 =	vpop (erf)  }
0x242: {  	v10 =	vld [tilespmem:s21+$0xFFFFFEC0];
	v1 =	vadd.f32 v11, v1;
	v11 =	vpop (erf)  }
0x243: {  	v12 =	vld [tilespmem:s21+$0xFFFFFF40];
	v21 =	vpop (erf)  }
0x244: {  	v13 =	vld [tilespmem:s21+$0xFFFFFEE0];
	v15 =	vadd.f32 v21, v15;
	[tilespmem:s18+$0xFFFFFF90] =	vst v1;
	v1 =	vadd.f32 v11, v2  }
0x245: {  	v18 =	vld [tilespmem:s18+$0xFFFFFF10];
	v2 =	vmul.f32 $1.442695020e+00, v8  }
0x246: {  	v11 =	vld [tilespmem:s8+$0xFFFFFFA0];
	v8 =	vmul.f32 $1.442695020e+00, v19;
	[tilespmem:s18+$0xFFFFFE90] =	vst v15  }
0x247: {  	[tilespmem:s18+$0xFFFFFE10] =	vst v1;
	(erf) = vpow2.f32 v2;
	v15 =	vld [tilespmem:s8+$0xFFFFFEA0]  }
0x248: {  	v19 =	vld [tilespmem:s8+$0xFFFFFE20];
	v1 =	vpop (erf);
	(erf) = vpow2.f32 v8  }
0x249: {  	v23 =	vld [tilespmem:s21+$0xFFFFFE70]  }
0x24a: {  	v22 =	vld [tilespmem:s21+$0xFFFFFEF0];
	v8 =	vadd.f32 v1, v18  }
0x24b: {  	v16 =	vld [tilespmem:s21+$0xFFFFFF60];
	v11 =	vmul.f32 $1.442695020e+00, v11  }
0x24c: {  	v20 =	vld [tilespmem:s18+$0xFFFFFE20];
	[tilespmem:s18+$0xFFFFFF10] =	vst v8;
	v8 =	vmul.f32 $1.442695020e+00, v15  }
0x24d: {  	(erf) = vpow2.f32 v11;
	v15 =	vmul.f32 $1.442695020e+00, v19;
	v19 =	vld [tilespmem:s21+$0xFFFFFFD0]  }
0x24e: {  	v24 =	vld [tilespmem:s18+$0xFFFFFEA0]  }
0x24f: {  	v11 =	vld [tilespmem:s8+$0xFFFFFF20];
	(erf) = vpow2.f32 v8;
	v8 =	vadd.f32 v14, v9  }
0x250: {  	v25 =	vld [tilespmem:s18+$0xFFFFFEB0];
	v9 =	vadd.f32 v17, v10;
	v10 =	vpop (erf)  }
0x251: {  	v26 =	vld [tilespmem:s18+$0xFFFFFE50];
	[tilespmem:s21+$0xFFFFFE40] =	vst v8;
	v8 =	vadd.f32 v10, v12;
	v10 =	vpop (erf)  }
0x252: {  	v17 =	vld [tilespmem:s18+$0xFFFFFFA0];
	(erf) = vpow2.f32 v15;
	v10 =	vadd.f32 v10, v19  }
0x253: {  	v27 =	vld [tilespmem:s18+$0xFFFFFED0]  }
0x254: {  	[tilespmem:s21+$0xFFFFFEC0] =	vst v9;
	v9 =	vld [tilespmem:s12+$0xFFFFFE50];
	v11 =	vmul.f32 $1.442695020e+00, v11  }
0x255: {  	[tilespmem:s21+$0xFFFFFF40] =	vst v8;
	v8 =	vld [tilespmem:s12+$0xFFFFFED0]  }
0x256: {  	v28 =	vld [tilespmem:s18+$0xFFFFFF50];
	[tilespmem:s21+$0xFFFFFFD0] =	vst v10;
	v10 =	vpop (erf)  }
0x257: {  	v12 =	vld [tilespmem:s12+$0xFFFFFF50];
	v10 =	vadd.f32 v10, v17  }
0x258: {  	s6 =	simm.s32 $0xA5F0;
	(erf) = vpow2.f32 v11;
	v19 =	vld [tilespmem:s12+$0xFFFFFFE0];
	v11 =	vpop (erf)  }
0x259: {  	v31 =	vld [tilespmem:s6+$0xFFFFFF10];
	v9 =	vmul.f32 $1.442695020e+00, v9;
	v17 =	vadd.f32 v11, v24  }
0x25a: {  	v33 =	vld [tilespmem:s6+$0xFFFFFE10];
	v8 =	vmul.f32 $1.442695020e+00, v8;
	[tilespmem:s18+$0xFFFFFFA0] =	vst v10  }
0x25b: {  	v35 =	vld [tilespmem:s6+$0xFFFFFE20];
	[tilespmem:s18+$0xFFFFFEA0] =	vst v17;
	v10 =	vpop (erf);
	(erf) = vpow2.f32 v9  }
0x25c: {  	v12 =	vmul.f32 $1.442695020e+00, v12;
	(erf) = vpow2.f32 v8;
	v8 =	vld [tilespmem:s8+$0xFFFFFEB0]  }
0x25d: {  	v9 =	vmul.f32 $1.442695020e+00, v19;
	v10 =	vadd.f32 v10, v20;
	v20 =	vld [tilespmem:s8+$0xFFFFFFB0]  }
0x25e: {  	v37 =	vld [tilespmem:s6+$0xFFFFFEA0];
	(erf) = vpow2.f32 v12  }
0x25f: {  	v18 =	vld [tilespmem:s18+$0xFFFFFF20];
	[tilespmem:s18+$0xFFFFFE20] =	vst v10;
	(erf) = vpow2.f32 v9  }
0x260: {  	v10 =	vld [tilespmem:s8+$0xFFFFFE30]  }
0x261: {  	v4 =	vld [tilespmem:s21+$0xFFFFFE50];
	v8 =	vmul.f32 $1.442695020e+00, v8  }
0x262: {  	v3 =	vld [tilespmem:s21+$0xFFFFFED0];
	v9 =	vmul.f32 $1.442695020e+00, v20  }
0x263: {  	v7 =	vld [tilespmem:s21+$0xFFFFFF50];
	v12 =	vpop (erf)  }
0x264: {  	v18 =	vadd.f32 v12, v18;
	v20 =	vld [tilespmem:s21+$0xFFFFFFE0];
	(erf) = vpow2.f32 v9  }
0x265: {  	v45 =	vld [tilespmem:s6+$0xFFFFFE30];
	v9 =	vmul.f32 $1.442695020e+00, v10;
	(erf) = vpow2.f32 v8;
	v8 =	vpop (erf)  }
0x266: {  	v46 =	vld [tilespmem:s6+$0xFFFFFEB0];
	[tilespmem:s18+$0xFFFFFF20] =	vst v18;
	v4 =	vadd.f32 v8, v4;
	v8 =	vpop (erf)  }
0x267: {  	(erf) = vpow2.f32 v9;
	v9 =	vld [tilespmem:s8+$0xFFFFFF30];
	v3 =	vadd.f32 v8, v3;
	v8 =	vpop (erf)  }
0x268: {  	v21 =	vld [tilespmem:s18+$0xFFFFFE30];
	[tilespmem:s21+$0xFFFFFE50] =	vst v4;
	v4 =	vadd.f32 v8, v7;
	v7 =	vpop (erf)  }
0x269: {  	v18 =	vld [tilespmem:s18+$0xFFFFFFB0];
	[tilespmem:s21+$0xFFFFFED0] =	vst v3;
	v3 =	vadd.f32 v7, v20  }
0x26a: {  	v24 =	vld [tilespmem:s12+$0xFFFFFE60]  }
0x26b: {  	v20 =	vld [tilespmem:s12+$0xFFFFFEE0];
	[tilespmem:s21+$0xFFFFFF50] =	vst v4  }
0x26c: {  	v4 =	vmul.f32 $1.442695020e+00, v9;
	v9 =	vld [tilespmem:s12+$0xFFFFFF60];
	[tilespmem:s21+$0xFFFFFFE0] =	vst v3  }
0x26d: {  	v29 =	vld [tilespmem:s12+$0xFFFFFFF0];
	v3 =	vpop (erf)  }
0x26e: {  	v47 =	vld [tilespmem:s6+$0xFFFFFF30];
	(erf) = vpow2.f32 v4;
	v4 =	vadd.f32 v3, v18;
	v3 =	vpop (erf)  }
0x26f: {  	v58 =	vld [tilespmem:s6+$0xFFFFFFB0];
	v18 =	vmul.f32 $1.442695020e+00, v24;
	v24 =	vadd.f32 v3, v25  }
0x270: {  	v19 =	vld [tilespmem:s18+$0xFFFFFF30];
	v25 =	vpop (erf);
	[tilespmem:s18+$0xFFFFFFB0] =	vst v4;
	v4 =	vmul.f32 $1.442695020e+00, v20  }
0x271: {  	v20 =	vadd.f32 v25, v21;
	v9 =	vmul.f32 $1.442695020e+00, v9;
	(erf) = vpow2.f32 v18;
	v21 =	vld [tilespmem:s8+$0xFFFFFFC0];
	[tilespmem:s18+$0xFFFFFEB0] =	vst v24  }
0x272: {  	s13 =	simm.s32 $0x45F0;
	v18 =	vmul.f32 $1.442695020e+00, v29;
	(erf) = vpow2.f32 v4;
	v4 =	vld [tilespmem:s8+$0xFFFFFEC0]  }
0x273: {  	v24 =	vld [tilespmem:s13+$0xFFFFFE10];
	[tilespmem:s18+$0xFFFFFE30] =	vst v20;
	(erf) = vpow2.f32 v9  }
0x274: {  	v20 =	vld [tilespmem:s8+$0xFFFFFE40];
	(erf) = vpow2.f32 v18  }
0x275: {  	v18 =	vld [tilespmem:s13+$0xFFFFFF90]  }
0x276: {  	v6 =	vld [tilespmem:s21+$0xFFFFFE60]  }
0x277: {  	v0 =	vld [tilespmem:s21+$0xFFFFFE80];
	v21 =	vmul.f32 $1.442695020e+00, v21;
	v30 =	vmul.f32 $1.442695020e+00, v4  }
0x278: {  	v5 =	vld [tilespmem:s21+$0xFFFFFF70];
	v24 =	vmul.f32 $1.442695020e+00, v24  }
0x279: {  	v29 =	vpop (erf);
	(erf) = vpow2.f32 v21;
	v20 =	vmul.f32 $1.442695020e+00, v20;
	v21 =	vld [tilespmem:s21+$0xFFFFFFF0]  }
0x27a: {  	v53 =	vld [tilespmem:s18+$0xFFFFFFE0];
	v19 =	vadd.f32 v29, v19;
	v18 =	vmul.f32 $1.442695020e+00, v18;
	(erf) = vpow2.f32 v30;
	v29 =	vpop (erf)  }
0x27b: {  	v2 =	vld [tilespmem:s21+$0xFFFFFF00];
	(erf) = vpow2.f32 v20;
	v30 =	vpop (erf)  }
0x27c: {  	v25 =	vld [tilespmem:s13+$0xFFFFFE90];
	(erf) = vpow2.f32 v18;
	v13 =	vadd.f32 v30, v13;
	v30 =	vpop (erf)  }
0x27d: {  	[tilespmem:s18+$0xFFFFFF30] =	vst v19;
	v19 =	vld [tilespmem:s13+$0xFFFFFF10];
	(erf) = vpow2.f32 v24;
	v24 =	vpop (erf)  }
0x27e: {  	v18 =	vld [tilespmem:s18+$0xFFFFFFC0];
	[tilespmem:s21+$0xFFFFFEE0] =	vst v13;
	v13 =	vadd.f32 v24, v21  }
0x27f: {  	v1 =	vld [tilespmem:s21+$0xFFFFFF80]  }
0x280: {  	v14 =	vld [tilespmem:s18+$0xFFFFFE40]  }
0x281: {  	v15 =	vld [tilespmem:s18+$0xFFFFFEC0];
	v25 =	vmul.f32 $1.442695020e+00, v25  }
0x282: {  	v11 =	vld [tilespmem:s18+$0xFFFFFE60];
	v29 =	vadd.f32 v29, v6;
	[tilespmem:s21+$0xFFFFFFF0] =	vst v13;
	v13 =	vpop (erf)  }
0x283: {  	(erf) = vpow2.f32 v25;
	v19 =	vmul.f32 $1.442695020e+00, v19;
	v24 =	vld [tilespmem:s6+$0xFFFFFF90];
	v13 =	vadd.f32 v13, v18  }
0x284: {  	v20 =	vld [tilespmem:s8+$0xFFFFFF40]  }
0x285: {  	[tilespmem:s21+$0xFFFFFE60] =	vst v29;
	v21 =	vld [tilespmem:s12+$0xFFFFFEF0];
	(erf) = vpow2.f32 v19;
	v18 =	vpop (erf)  }
0x286: {  	v25 =	vld [tilespmem:s12+$0xFFFFFE70];
	v32 =	vpop (erf)  }
0x287: {  	v17 =	vld [tilespmem:s18+$0xFFFFFF40];
	[tilespmem:s18+$0xFFFFFFC0] =	vst v13;
	v13 =	vpop (erf)  }
0x288: {  	v29 =	vld [tilespmem:s6+$0xFFFFFE90];
	v13 =	vadd.f32 v13, v24  }
0x289: {  	v12 =	vld [tilespmem:s18+$0xFFFFFEE0]  }
0x28a: {  	v20 =	vmul.f32 $1.442695020e+00, v20;
	v19 =	vld [tilespmem:s12+$0x0];
	[tilespmem:s6+$0xFFFFFF90] =	vst v13;
	v13 =	vmul.f32 $1.442695020e+00, v21  }
0x28b: {  	v25 =	vmul.f32 $1.442695020e+00, v25;
	v34 =	vld [tilespmem:s8+$0xFFFFFFD0];
	v24 =	vpop (erf)  }
0x28c: {  	(erf) = vpow2.f32 v20;
	v36 =	vpop (erf);
	v20 =	vld [tilespmem:s13+$0xFFFFFFA0]  }
0x28d: {  	v10 =	vld [tilespmem:s18+$0xFFFFFF60];
	(erf) = vpow2.f32 v25;
	v29 =	vadd.f32 v36, v29  }
0x28e: {  	v8 =	vld [tilespmem:s18+$0xFFFFFEF0];
	v21 =	vadd.f32 v24, v33;
	(erf) = vpow2.f32 v13;
	v13 =	vpop (erf)  }
0x28f: {  	v7 =	vld [tilespmem:s18+$0xFFFFFE70];
	v19 =	vmul.f32 $1.442695020e+00, v19;
	[tilespmem:s6+$0xFFFFFE90] =	vst v29;
	v13 =	vadd.f32 v13, v31  }
0x290: {  	v24 =	vmul.f32 $1.442695020e+00, v34;
	[tilespmem:s6+$0xFFFFFE10] =	vst v21;
	v25 =	vld [tilespmem:s13+$0xFFFFFEA0]  }
0x291: {  	(erf) = vpow2.f32 v19;
	v19 =	vld [tilespmem:s13+$0xFFFFFE20];
	[tilespmem:s6+$0xFFFFFF10] =	vst v13;
	v13 =	vmul.f32 $1.442695020e+00, v20  }
0x292: {  	v3 =	vld [tilespmem:s18+$0xFFFFFE80];
	(erf) = vpow2.f32 v24  }
0x293: {  	v9 =	vld [tilespmem:s18+$0xFFFFFF70];
	(erf) = vpow2.f32 v13  }
0x294: {  	v21 =	vld [tilespmem:s13+$0xFFFFFF20]  }
0x295: {  	v4 =	vld [tilespmem:s18+$0xFFFFFF00];
	v20 =	vmul.f32 $1.442695020e+00, v25  }
0x296: {  	v6 =	vld [tilespmem:s18+$0xFFFFFF80];
	v24 =	vmul.f32 $1.442695020e+00, v19  }
0x297: {  	v14 =	vadd.f32 v32, v14;
	v25 =	vld [tilespmem:s18+$0xFFFFFFD0];
	(erf) = vpow2.f32 v20;
	v13 =	vpop (erf)  }
0x298: {  	v15 =	vadd.f32 v18, v15;
	v38 =	vpop (erf);
	(erf) = vpow2.f32 v24;
	v24 =	vld [tilespmem:s6+$0xFFFFFFA0];
	v13 =	vadd.f32 v13, v17  }
0x299: {  	v18 =	vld [tilespmem:s6+$0xFFFFFF40];
	[tilespmem:s18+$0xFFFFFE40] =	vst v14;
	v48 =	vpop (erf);
	v21 =	vmul.f32 $1.442695020e+00, v21  }
0x29a: {  	[tilespmem:s18+$0xFFFFFEC0] =	vst v15;
	v15 =	vld [tilespmem:s8+$0xFFFFFE50];
	v39 =	vpop (erf)  }
0x29b: {  	v29 =	vld [tilespmem:s6+$0xFFFFFF20];
	(erf) = vpow2.f32 v21;
	v14 =	vpop (erf)  }
0x29c: {  	v31 =	vld [tilespmem:s21+$0x0];
	[tilespmem:s18+$0xFFFFFF40] =	vst v13;
	v14 =	vadd.f32 v14, v25;
	v13 =	vpop (erf)  }
0x29d: {  	v17 =	vld [tilespmem:s8+$0xFFFFFED0];
	v24 =	vadd.f32 v13, v24  }
0x29e: {  	v21 =	vld [tilespmem:s8+$0xFFFFFF50];
	[tilespmem:s18+$0xFFFFFFD0] =	vst v14  }
0x29f: {  	v25 =	vld [tilespmem:s8+$0xFFFFFFE0];
	[tilespmem:s6+$0xFFFFFFA0] =	vst v24  }
0x2a0: {  	v40 =	vpop (erf);
	v49 =	vld [tilespmem:s13+$0xFFFFFFB0]  }
0x2a1: {  	v15 =	vmul.f32 $1.442695020e+00, v15;
	v19 =	vld [tilespmem:s6+$0xFFFFFE40];
	v37 =	vadd.f32 v40, v37;
	v24 =	vpop (erf)  }
0x2a2: {  	v16 =	vadd.f32 v30, v16;
	v20 =	vld [tilespmem:s6+$0xFFFFFEC0];
	v17 =	vmul.f32 $1.442695020e+00, v17;
	v24 =	vadd.f32 v24, v35  }
0x2a3: {  	v23 =	vadd.f32 v38, v23;
	(erf) = vpow2.f32 v15;
	v15 =	vld [tilespmem:s6+$0xFFFFFF50];
	v50 =	vmul.f32 $1.442695020e+00, v21;
	[tilespmem:s6+$0xFFFFFEA0] =	vst v37  }
0x2a4: {  	v22 =	vadd.f32 v48, v22;
	(erf) = vpow2.f32 v17;
	v17 =	vld [tilespmem:s13+$0xFFFFFEB0];
	v51 =	vpop (erf);
	v25 =	vmul.f32 $1.442695020e+00, v25;
	[tilespmem:s6+$0xFFFFFE20] =	vst v24  }
0x2a5: {  	[tilespmem:s21+$0xFFFFFE70] =	vst v23;
	(erf) = vpow2.f32 v50;
	v29 =	vadd.f32 v51, v29;
	v52 =	vld [tilespmem:s13+$0xFFFFFE30];
	v30 =	vmul.f32 $1.442695020e+00, v49  }
0x2a6: {  	[tilespmem:s21+$0xFFFFFEF0] =	vst v22;
	v60 =	vld [tilespmem:s12+$0xFFFFFE80];
	(erf) = vpow2.f32 v25  }
0x2a7: {  	v61 =	vld [tilespmem:s12+$0xFFFFFF00];
	[tilespmem:s6+$0xFFFFFF20] =	vst v29;
	(erf) = vpow2.f32 v30  }
0x2a8: {  	v29 =	vld [tilespmem:s13+$0xFFFFFF30]  }
0x2a9: {  	[tilespmem:s21+$0xFFFFFF60] =	vst v16;
	v14 =	vld [tilespmem:s6+$0xFFFFFE50];
	v16 =	vmul.f32 $1.442695020e+00, v17  }
0x2aa: {  	v30 =	vld [tilespmem:s12+$0xFFFFFF70];
	v35 =	vmul.f32 $1.442695020e+00, v52  }
0x2ab: {  	v13 =	vld [tilespmem:s6+$0xFFFFFED0];
	(erf) = vpow2.f32 v16  }
0x2ac: {  	v21 =	vld [tilespmem:s6+$0xFFFFFE60];
	v54 =	vpop (erf);
	(erf) = vpow2.f32 v35  }
0x2ad: {  	v24 =	vld [tilespmem:s6+$0xFFFFFEE0];
	v55 =	vadd.f32 v54, v26;
	v56 =	vpop (erf);
	v29 =	vmul.f32 $1.442695020e+00, v29  }
0x2ae: {  	v25 =	vld [tilespmem:s6+$0xFFFFFF60];
	v27 =	vadd.f32 v56, v27;
	v57 =	vpop (erf)  }
0x2af: {  	v26 =	vld [tilespmem:s6+$0xFFFFFF70];
	[tilespmem:s18+$0xFFFFFE50] =	vst v55;
	v28 =	vadd.f32 v57, v28;
	v30 =	vmul.f32 $1.442695020e+00, v30;
	v59 =	vpop (erf);
	(erf) = vpow2.f32 v29  }
0x2b0: {  	[tilespmem:s18+$0xFFFFFED0] =	vst v27;
	v29 =	vld [tilespmem:s8+$0xFFFFFE60];
	v27 =	vadd.f32 v59, v53;
	v23 =	vpop (erf)  }
0x2b1: {  	[tilespmem:s18+$0xFFFFFF50] =	vst v28;
	v28 =	vld [tilespmem:s8+$0xFFFFFEE0];
	(erf) = vpow2.f32 v30;
	v23 =	vadd.f32 v23, v58  }
0x2b2: {  	v30 =	vld [tilespmem:s8+$0xFFFFFF60];
	[tilespmem:s18+$0xFFFFFFE0] =	vst v27  }
0x2b3: {  	v27 =	vld [tilespmem:s8+$0xFFFFFFF0]  }
0x2b4: {  	v17 =	vld [tilespmem:s6+$0xFFFFFE70];
	v22 =	vpop (erf)  }
0x2b5: {  	v16 =	vld [tilespmem:s6+$0xFFFFFEF0];
	v29 =	vmul.f32 $1.442695020e+00, v29;
	[tilespmem:s6+$0xFFFFFFB0] =	vst v23;
	v23 =	vpop (erf)  }
0x2b6: {  	v34 =	vadd.f32 v22, v46;
	v22 =	vld [tilespmem:s6+$0xFFFFFE80];
	v28 =	vmul.f32 $1.442695020e+00, v28;
	v33 =	vadd.f32 v23, v45  }
0x2b7: {  	v30 =	vmul.f32 $1.442695020e+00, v30;
	(erf) = vpow2.f32 v29;
	v29 =	vld [tilespmem:s13+$0xFFFFFFC0]  }
0x2b8: {  	v62 =	vadd.f32 v39, v31;
	[tilespmem:s6+$0xFFFFFEB0] =	vst v34;
	v23 =	vld [tilespmem:s6+$0xFFFFFF00];
	v63 =	vmul.f32 $1.442695020e+00, v27;
	(erf) = vpow2.f32 v28;
	v27 =	vpop (erf)  }
0x2b9: {  	v31 =	vmul.f32 $1.442695020e+00, v60;
	v28 =	vld [tilespmem:s13+$0xFFFFFEC0];
	(erf) = vpow2.f32 v30;
	v30 =	vadd.f32 v27, v47;
	[tilespmem:s6+$0xFFFFFE30] =	vst v33  }
0x2ba: {  	s28 =	simm.s32 $0x8;
	s29 =	simm.s32 $0x47F0;
	s26 =	simm.s32 $0xA5F0;
	[tilespmem:s21+$0x0] =	vst v62;
	v32 =	vmul.f32 $1.442695020e+00, v61;
	(erf) = vpow2.f32 v63;
	v27 =	vld [tilespmem:s13+$0xFFFFFE40];
	v33 =	vpop (erf)  }
.LBB2_17:
0x2bb: {  	v34 =	vld [tilespmem:s29+$0xFFFFFF90];
	s28 =	sadd.s32 $0x4, s28;
	[tilespmem:s6+$0xFFFFFF30] =	vst v30;
	v30 =	vadd.f32 v33, v5;
	(erf) = vpow2.f32 v31;
	v5 =	vmovc v9;
	v9 =	vmov v26  }
0x2bc: {  	v26 =	vld [tilespmem:s29+$0xFFFFFE10];
	p1 =	slt.u32 s28, $0x3C;
	v29 =	vmul.f32 $1.442695020e+00, v29;
	(erf) = vpow2.f32 v32  }
0x2bd: {  	v31 =	vld [tilespmem:s29+$0xFFFFFE90];
	[tilespmem:s21+$0xFFFFFF70] =	vst v30  }
0x2be: {  	v30 =	vld [tilespmem:s29+$0xFFFFFF10];
	v35 =	vmul.f32 $1.442695020e+00, v28;
	(erf) = vpow2.f32 v29  }
0x2bf: {  	v36 =	vmul.f32 $1.442695020e+00, v27;
	v29 =	vld [tilespmem:s18+$0xFFFFFFF0]  }
0x2c0: {  	v32 =	vmul.f32 $1.442695020e+00, v34;
	v33 =	vld [tilespmem:s13+$0xFFFFFF40];
	(erf) = vpow2.f32 v35;
	v28 =	vpop (erf)  }
0x2c1: {  	v26 =	vmul.f32 $1.442695020e+00, v26;
	(erf) = vpow2.f32 v36;
	v34 =	vadd.f32 v28, v11;
	v27 =	vpop (erf);
	v28 =	vld [tilespmem:s12+$0xFFFFFF80];
	s12 =	smov.u32 s8;
	s8 =	smov.u32 s13;
	s13 =	smov.u32 s29  }
0x2c2: {  	v31 =	vmul.f32 $1.442695020e+00, v31;
	(erf) = vpow2.f32 v32;
	v32 =	vld [tilespmem:s6+$0xFFFFFF80];
	v12 =	vadd.f32 v27, v12;
	v27 =	vpop (erf)  }
0x2c3: {  	v30 =	vmul.f32 $1.442695020e+00, v30;
	(erf) = vpow2.f32 v26;
	v26 =	vld [tilespmem:s6+$0xFFFFFFC0];
	[tilespmem:s18+$0xFFFFFE60] =	vst v34;
	v35 =	vadd.f32 v27, v10;
	v11 =	vpop (erf)  }
0x2c4: {  	(erf) = vpow2.f32 v31;
	v27 =	vld [tilespmem:s12+$0xFFFFFE70];
	[tilespmem:s18+$0xFFFFFEE0] =	vst v12;
	v34 =	vadd.f32 v11, v29;
	v29 =	vpop (erf);
	v11 =	vmov v21  }
0x2c5: {  	s6 =	sadd.s32 $0x200, s6;
	(erf) = vpow2.f32 v30;
	v36 =	vmul.f32 $1.442695020e+00, v33;
	v30 =	vld [tilespmem:s12+$0xFFFFFEF0];
	[tilespmem:s18+$0xFFFFFF60] =	vst v35;
	v29 =	vadd.f32 v29, v0;
	v0 =	vpop (erf)  }
0x2c6: {  	v10 =	vmovc v25;
	v31 =	vld [tilespmem:s6+$0xFFFFFF90];
	[tilespmem:s18+$0xFFFFFFF0] =	vst v34;
	v33 =	vadd.f32 v0, v2;
	v28 =	vmul.f32 $1.442695020e+00, v28;
	v12 =	vmovc v24;
	v0 =	vmov v3  }
0x2c7: {  	v3 =	vmov v22;
	v2 =	vmov v4;
	(erf) = vpow2.f32 v36;
	v21 =	vpop (erf);
	v24 =	vld [tilespmem:s12+$0x0];
	[tilespmem:s21+$0xFFFFFE80] =	vst v29  }
0x2c8: {  	v4 =	vmov v23;
	v22 =	vld [tilespmem:s6+$0xFFFFFE90];
	v29 =	vadd.f32 v21, v26;
	[tilespmem:s21+$0xFFFFFF00] =	vst v33;
	(erf) = vpow2.f32 v28  }
0x2c9: {  	v23 =	vld [tilespmem:s6+$0xFFFFFF10];
	v25 =	vpop (erf);
	v26 =	vmul.f32 $1.442695020e+00, v27  }
0x2ca: {  	v27 =	vld [tilespmem:s6+$0xFFFFFE10];
	v20 =	vadd.f32 v25, v20;
	[tilespmem:s26+$0xFFFFFFC0] =	vst v29;
	v21 =	vpop (erf);
	v30 =	vmul.f32 $1.442695020e+00, v30  }
0x2cb: {  	v28 =	vpop (erf);
	v19 =	vadd.f32 v21, v19;
	v21 =	vld [tilespmem:s8+$0xFFFFFFD0];
	(erf) = vpow2.f32 v26  }
0x2cc: {  	v26 =	vld [tilespmem:s6+$0xFFFFFE20];
	v28 =	vadd.f32 v28, v31;
	v29 =	vpop (erf);
	[tilespmem:s26+$0xFFFFFEC0] =	vst v20;
	v20 =	vmul.f32 $1.442695020e+00, v24;
	(erf) = vpow2.f32 v30  }
0x2cd: {  	v24 =	vld [tilespmem:s6+$0xFFFFFEA0];
	v25 =	vpop (erf);
	[tilespmem:s26+$0xFFFFFE40] =	vst v19  }
0x2ce: {  	v19 =	vadd.f32 v25, v22;
	v22 =	vld [tilespmem:s6+$0xFFFFFF20];
	[tilespmem:s6+$0xFFFFFF90] =	vst v28;
	v25 =	vpop (erf);
	(erf) = vpow2.f32 v20  }
0x2cf: {  	v20 =	vadd.f32 v29, v27;
	v25 =	vadd.f32 v25, v23;
	v27 =	vld [tilespmem:s29+$0xFFFFFFA0]  }
0x2d0: {  	v23 =	vld [tilespmem:s6+$0xFFFFFE30];
	[tilespmem:s6+$0xFFFFFE90] =	vst v19;
	v19 =	vmul.f32 $1.442695020e+00, v21;
	v21 =	vpop (erf)  }
0x2d1: {  	[tilespmem:s6+$0xFFFFFE10] =	vst v20;
	v20 =	vld [tilespmem:s29+$0xFFFFFEA0];
	v18 =	vadd.f32 v21, v18;
	v21 =	vpop (erf)  }
0x2d2: {  	v29 =	vld [tilespmem:s29+$0xFFFFFE20];
	[tilespmem:s6+$0xFFFFFF10] =	vst v25;
	(erf) = vpow2.f32 v19;
	v19 =	vadd.f32 v21, v1;
	v1 =	vmovc v6;
	v6 =	vmov v32  }
0x2d3: {  	[tilespmem:s26+$0xFFFFFF40] =	vst v18;
	v18 =	vld [tilespmem:s18+$0x0]  }
0x2d4: {  	v21 =	vld [tilespmem:s29+$0xFFFFFF20];
	v25 =	vmul.f32 $1.442695020e+00, v27;
	v27 =	vpop (erf);
	[tilespmem:s21+$0xFFFFFF80] =	vst v19;
	s21 =	smov.u32 s18;
	s18 =	smov.u32 s26;
	s26 =	smov.u32 s6  }
0x2d5: {  	v28 =	vld [tilespmem:s6+$0xFFFFFEB0];
	v19 =	vadd.f32 v27, v7;
	v30 =	vpop (erf);
	v7 =	vmov v17  }
0x2d6: {  	v17 =	vmul.f32 $1.442695020e+00, v20;
	v27 =	vld [tilespmem:s6+$0xFFFFFF30];
	(erf) = vpow2.f32 v25;
	v20 =	vadd.f32 v30, v8;
	v8 =	vmovc v16  }
0x2d7: {  	v16 =	vmul.f32 $1.442695020e+00, v29;
	v25 =	vld [tilespmem:s18+$0xFFFFFFD0];
	[tilespmem:s21+$0xFFFFFE70] =	vst v19;
	v29 =	vpop (erf)  }
0x2d8: {  	v19 =	vld [tilespmem:s6+$0xFFFFFE40];
	(erf) = vpow2.f32 v17;
	[tilespmem:s21+$0xFFFFFEF0] =	vst v20;
	v29 =	vadd.f32 v29, v18  }
0x2d9: {  	v20 =	vld [tilespmem:s6+$0xFFFFFEC0];
	v21 =	vmul.f32 $1.442695020e+00, v21;
	(erf) = vpow2.f32 v16  }
0x2da: {  	v18 =	vld [tilespmem:s6+$0xFFFFFF40];
	[tilespmem:s21+$0x0] =	vst v29  }
0x2db: {  	v16 =	vld [tilespmem:s6+$0xFFFFFFA0];
	(erf) = vpow2.f32 v21;
	v17 =	vpop (erf)  }
0x2dc: {  	v21 =	vld [tilespmem:s8+$0xFFFFFE50];
	v30 =	vadd.f32 v17, v25  }
0x2dd: {  	v25 =	vld [tilespmem:s8+$0xFFFFFED0]  }
0x2de: {  	v29 =	vld [tilespmem:s8+$0xFFFFFF50];
	[tilespmem:s18+$0xFFFFFFD0] =	vst v30  }
0x2df: {  	v17 =	vpop (erf);
	v30 =	vld [tilespmem:s8+$0xFFFFFFE0]  }
0x2e0: {  	v31 =	vld [tilespmem:s6+$0xFFFFFE50];
	v34 =	vadd.f32 v17, v16  }
0x2e1: {  	v32 =	vld [tilespmem:s6+$0xFFFFFED0];
	v17 =	vpop (erf);
	v21 =	vmul.f32 $1.442695020e+00, v21  }
0x2e2: {  	v35 =	vadd.f32 v17, v24;
	v33 =	vld [tilespmem:s6+$0xFFFFFF50];
	[tilespmem:s6+$0xFFFFFFA0] =	vst v34;
	v16 =	vpop (erf);
	v24 =	vmul.f32 $1.442695020e+00, v25  }
0x2e3: {  	v16 =	vadd.f32 v16, v26;
	v25 =	vld [tilespmem:s29+$0xFFFFFFB0];
	v26 =	vmul.f32 $1.442695020e+00, v29;
	(erf) = vpow2.f32 v21  }
0x2e4: {  	v21 =	vld [tilespmem:s6+$0xFFFFFE60];
	[tilespmem:s6+$0xFFFFFEA0] =	vst v35;
	v17 =	vpop (erf);
	v29 =	vmul.f32 $1.442695020e+00, v30;
	(erf) = vpow2.f32 v24  }
0x2e5: {  	[tilespmem:s6+$0xFFFFFE20] =	vst v16;
	v16 =	vld [tilespmem:s29+$0xFFFFFEB0];
	v17 =	vadd.f32 v17, v22;
	(erf) = vpow2.f32 v26  }
0x2e6: {  	v22 =	vld [tilespmem:s29+$0xFFFFFE30];
	(erf) = vpow2.f32 v29  }
0x2e7: {  	v24 =	vld [tilespmem:s6+$0xFFFFFEE0];
	[tilespmem:s6+$0xFFFFFF20] =	vst v17  }
0x2e8: {  	v26 =	vld [tilespmem:s29+$0xFFFFFF30];
	v17 =	vmul.f32 $1.442695020e+00, v25  }
0x2e9: {  	v25 =	vld [tilespmem:s6+$0xFFFFFF60]  }
0x2ea: {  	v16 =	vmul.f32 $1.442695020e+00, v16;
	(erf) = vpow2.f32 v17;
	v29 =	vld [tilespmem:s12+$0xFFFFFF70]  }
0x2eb: {  	v22 =	vmul.f32 $1.442695020e+00, v22;
	v30 =	vld [tilespmem:s18+$0xFFFFFFE0]  }
0x2ec: {  	v17 =	vld [tilespmem:s6+$0xFFFFFE70];
	(erf) = vpow2.f32 v16;
	v34 =	vpop (erf)  }
0x2ed: {  	v16 =	vld [tilespmem:s6+$0xFFFFFEF0];
	v35 =	vmul.f32 $1.442695020e+00, v26;
	(erf) = vpow2.f32 v22;
	v22 =	vadd.f32 v34, v14;
	v14 =	vpop (erf)  }
0x2ee: {  	v26 =	vld [tilespmem:s6+$0xFFFFFF70];
	v34 =	vadd.f32 v14, v13;
	v36 =	vpop (erf);
	v14 =	vmov v31;
	v13 =	vmov v32  }
0x2ef: {  	v31 =	vld [tilespmem:s6+$0xFFFFFFB0];
	(erf) = vpow2.f32 v35;
	[tilespmem:s18+$0xFFFFFE50] =	vst v22;
	v22 =	vadd.f32 v36, v15;
	v15 =	vpop (erf);
	v29 =	vmul.f32 $1.442695020e+00, v29  }
0x2f0: {  	v32 =	vld [tilespmem:s8+$0xFFFFFE60];
	[tilespmem:s18+$0xFFFFFED0] =	vst v34;
	v30 =	vadd.f32 v15, v30;
	v15 =	vmov v33  }
0x2f1: {  	v33 =	vld [tilespmem:s8+$0xFFFFFEE0];
	[tilespmem:s18+$0xFFFFFF50] =	vst v22;
	(erf) = vpow2.f32 v29  }
0x2f2: {  	v34 =	vld [tilespmem:s8+$0xFFFFFF60];
	[tilespmem:s18+$0xFFFFFFE0] =	vst v30  }
0x2f3: {  	v22 =	vpop (erf);
	v30 =	vld [tilespmem:s8+$0xFFFFFFF0]  }
0x2f4: {  	v37 =	vadd.f32 v22, v31;
	v31 =	vld [tilespmem:s12+$0xFFFFFE80]  }
0x2f5: {  	v35 =	vpop (erf);
	v38 =	vmul.f32 $1.442695020e+00, v32;
	v36 =	vld [tilespmem:s12+$0xFFFFFF00]  }
.Ltmp14:
0x2f6: {  	v22 =	vld [tilespmem:s6+$0xFFFFFE80];
	v28 =	vadd.f32 v35, v28;
	[tilespmem:s6+$0xFFFFFFB0] =	vst v37;
	v29 =	vpop (erf);
	v33 =	vmul.f32 $1.442695020e+00, v33;
	(pc) =	sbr.rel @p1 .LBB2_17-.Ltmp14, $4  }
0x2f7: {  	v35 =	vadd.f32 v29, v23;
	v29 =	vld [tilespmem:s29+$0xFFFFFFC0];
	v34 =	vmul.f32 $1.442695020e+00, v34;
	(erf) = vpow2.f32 v38  }
0x2f8: {  	[tilespmem:s6+$0xFFFFFEB0] =	vst v28;
	v23 =	vld [tilespmem:s6+$0xFFFFFF00];
	v32 =	vpop (erf);
	v37 =	vmul.f32 $1.442695020e+00, v30;
	(erf) = vpow2.f32 v33  }
0x2f9: {  	[tilespmem:s6+$0xFFFFFE30] =	vst v35;
	v28 =	vld [tilespmem:s29+$0xFFFFFEC0];
	v30 =	vadd.f32 v32, v27;
	(erf) = vpow2.f32 v34;
	v31 =	vmul.f32 $1.442695020e+00, v31  }
0x2fa: {  	s29 =	sadd.s32 $0x200, s29;
	v27 =	vld [tilespmem:s13+$0xFFFFFE40];
	(erf) = vpow2.f32 v37;
	v32 =	vmul.f32 $1.442695020e+00, v36;
	v33 =	vpop (erf)  }
0x2fb: {  	_ = 	snop  }
0x2fc: {  	(erf) = vpow2.f32 v31;
	v29 =	vmul.f32 $1.442695020e+00, v29  }
0x2fd: {  	(erf) = vpow2.f32 v32  }
0x2fe: {  	(erf) = vpow2.f32 v29;
	_ =	sdelay $0x2  }
0x2ff: {  	v52 =	vpop (erf)  }
0x300: {  	v53 =	vld [tilespmem:s18+$0xFFFFFFF0];
	v54 =	vpop (erf)  }
0x301: {  	v35 =	vld [tilespmem:s6+$0xFFFFFFC0];
	v34 =	vpop (erf)  }
0x302: {  	v33 =	vadd.f32 v33, v5;
	v36 =	vpop (erf)  }
0x303: {  	[tilespmem:s6+$0xFFFFFF30] =	vst v30;
	v29 =	vadd.f32 v52, v11;
	v5 =	vpop (erf)  }
0x304: {  	v30 =	vld [tilespmem:s13+$0xFFFFFF40];
	[tilespmem:s21+$0xFFFFFF70] =	vst v33;
	v12 =	vadd.f32 v54, v12;
	v11 =	vpop (erf)  }
0x305: {  	v55 =	vld [tilespmem:s12+$0xFFFFFF80];
	[tilespmem:s18+$0xFFFFFE60] =	vst v29;
	v31 =	vadd.f32 v36, v53;
	v56 =	vpop (erf)  }
0x306: {  	[tilespmem:s18+$0xFFFFFEE0] =	vst v12;
	v58 =	vld [tilespmem:s8+$0xFFFFFE70];
	v57 =	vadd.f32 v56, v35  }
0x307: {  	v28 =	vmul.f32 $1.442695020e+00, v28;
	v59 =	vld [tilespmem:s8+$0xFFFFFEF0];
	[tilespmem:s18+$0xFFFFFFF0] =	vst v31  }
0x308: {  	v27 =	vmul.f32 $1.442695020e+00, v27;
	v60 =	vld [tilespmem:s8+$0x0];
	[tilespmem:s26+$0xFFFFFFC0] =	vst v57  }
0x309: {  	(erf) = vpow2.f32 v28;
	v61 =	vmul.f32 $1.442695020e+00, v30;
	v62 =	vld [tilespmem:s13+$0xFFFFFFD0]  }
0x30a: {  	(erf) = vpow2.f32 v27;
	v63 =	vmul.f32 $1.442695020e+00, v55  }
0x30b: {  	(erf) = vpow2.f32 v61;
	v33 =	vmul.f32 $1.442695020e+00, v58  }
0x30c: {  	(erf) = vpow2.f32 v63;
	v35 =	vmul.f32 $1.442695020e+00, v59  }
0x30d: {  	(erf) = vpow2.f32 v33;
	v12 =	vmul.f32 $1.442695020e+00, v60  }
0x30e: {  	(erf) = vpow2.f32 v35;
	v36 =	vmul.f32 $1.442695020e+00, v62  }
0x30f: {  	(erf) = vpow2.f32 v12  }
0x310: {  	(erf) = vpow2.f32 v36;
	_ =	sdelay $0x1  }
0x311: {  	v37 =	vpop (erf)  }
0x312: {  	v38 =	vpop (erf)  }
0x313: {  	v39 =	vpop (erf)  }
0x314: {  	v40 =	vld [tilespmem:s26+$0xFFFFFFD0];
	v29 =	vpop (erf)  }
0x315: {  	v20 =	vadd.f32 v37, v20;
	v41 =	vpop (erf)  }
0x316: {  	v19 =	vadd.f32 v38, v19;
	v42 =	vpop (erf)  }
0x317: {  	[tilespmem:s26+$0xFFFFFEC0] =	vst v20;
	v32 =	vpop (erf)  }
0x318: {  	v18 =	vadd.f32 v39, v18;
	v45 =	vld [tilespmem:s13+$0xFFFFFED0];
	[tilespmem:s26+$0xFFFFFE40] =	vst v19;
	v43 =	vpop (erf)  }
0x319: {  	v44 =	vld [tilespmem:s13+$0xFFFFFE50];
	v19 =	vadd.f32 v43, v40  }
0x31a: {  	v12 =	vld [tilespmem:s6+$0xFFFFFF80];
	[tilespmem:s26+$0xFFFFFF40] =	vst v18  }
0x31b: {  	v46 =	vld [tilespmem:s13+$0xFFFFFF50];
	[tilespmem:s26+$0xFFFFFFD0] =	vst v19  }
0x31c: {  	v19 =	vld [tilespmem:s13+$0xFFFFFFE0];
	_ =	sdelay $0x1  }
0x31d: {  	v20 =	vmul.f32 $1.442695020e+00, v44  }
0x31e: {  	v18 =	vmul.f32 $1.442695020e+00, v45  }
0x31f: {  	v28 =	vmul.f32 $1.442695020e+00, v46;
	(erf) = vpow2.f32 v20  }
0x320: {  	(erf) = vpow2.f32 v18;
	v19 =	vmul.f32 $1.442695020e+00, v19  }
0x321: {  	(erf) = vpow2.f32 v28  }
0x322: {  	(erf) = vpow2.f32 v19;
	_ =	sdelay $0x4  }
0x323: {  	v47 =	vld [tilespmem:s26+$0xFFFFFFE0]  }
0x324: {  	v10 =	vadd.f32 v34, v10;
	v48 =	vpop (erf)  }
0x325: {  	v14 =	vadd.f32 v48, v14;
	v49 =	vpop (erf)  }
0x326: {  	[tilespmem:s18+$0xFFFFFF60] =	vst v10;
	v50 =	vadd.f32 v49, v13;
	v51 =	vpop (erf)  }
0x327: {  	v52 =	vld [tilespmem:s8+$0xFFFFFF70];
	[tilespmem:s26+$0xFFFFFE50] =	vst v14;
	v13 =	vadd.f32 v51, v15;
	v53 =	vpop (erf)  }
0x328: {  	v54 =	vld [tilespmem:s13+$0xFFFFFE60];
	[tilespmem:s26+$0xFFFFFED0] =	vst v50;
	v55 =	vadd.f32 v53, v47  }
0x329: {  	v56 =	vld [tilespmem:s13+$0xFFFFFEE0];
	[tilespmem:s26+$0xFFFFFF50] =	vst v13  }
0x32a: {  	v13 =	vld [tilespmem:s13+$0xFFFFFF60];
	[tilespmem:s26+$0xFFFFFFE0] =	vst v55  }
0x32b: {  	v10 =	vld [tilespmem:s13+$0xFFFFFFF0]  }
0x32c: {  	v57 =	vmul.f32 $1.442695020e+00, v52  }
0x32d: {  	v15 =	vmul.f32 $1.442695020e+00, v54  }
0x32e: {  	(erf) = vpow2.f32 v57;
	v14 =	vmul.f32 $1.442695020e+00, v56  }
0x32f: {  	v13 =	vmul.f32 $1.442695020e+00, v13;
	(erf) = vpow2.f32 v15  }
0x330: {  	(erf) = vpow2.f32 v14;
	v10 =	vmul.f32 $1.442695020e+00, v10  }
0x331: {  	(erf) = vpow2.f32 v13  }
0x332: {  	(erf) = vpow2.f32 v10;
	_ =	sdelay $0x4  }
0x333: {  	v59 =	vld [tilespmem:s26+$0xFFFFFFF0];
	v7 =	vadd.f32 v41, v7;
	v58 =	vpop (erf)  }
0x334: {  	v8 =	vadd.f32 v42, v8;
	v60 =	vpop (erf)  }
0x335: {  	[tilespmem:s18+$0xFFFFFE70] =	vst v7;
	v61 =	vadd.f32 v58, v9;
	v62 =	vpop (erf)  }
0x336: {  	[tilespmem:s18+$0xFFFFFEF0] =	vst v8;
	v63 =	vld [tilespmem:s8+$0xFFFFFE80];
	v21 =	vadd.f32 v60, v21;
	v27 =	vpop (erf)  }
0x337: {  	v28 =	vld [tilespmem:s8+$0xFFFFFF00];
	[tilespmem:s18+$0xFFFFFF70] =	vst v61;
	v30 =	vadd.f32 v62, v24;
	v31 =	vpop (erf)  }
0x338: {  	v33 =	vld [tilespmem:s8+$0xFFFFFF80];
	[tilespmem:s26+$0xFFFFFE60] =	vst v21;
	v9 =	vadd.f32 v31, v59  }
0x339: {  	v34 =	vadd.f32 v27, v25;
	v35 =	vld [tilespmem:s13+$0xFFFFFE70];
	[tilespmem:s26+$0xFFFFFEE0] =	vst v30  }
0x33a: {  	v7 =	vld [tilespmem:s13+$0xFFFFFEF0];
	[tilespmem:s26+$0xFFFFFFF0] =	vst v9  }
0x33b: {  	v8 =	vmul.f32 $1.442695020e+00, v63;
	[tilespmem:s26+$0xFFFFFF60] =	vst v34;
	v9 =	vld [tilespmem:s13+$0x0]  }
0x33c: {  	v36 =	vmul.f32 $1.442695020e+00, v28;
	v37 =	vld [tilespmem:s13+$0xFFFFFF70]  }
0x33d: {  	v38 =	vmul.f32 $1.442695020e+00, v33;
	(erf) = vpow2.f32 v8  }
0x33e: {  	(erf) = vpow2.f32 v36;
	v39 =	vmul.f32 $1.442695020e+00, v35  }
0x33f: {  	(erf) = vpow2.f32 v38;
	v7 =	vmul.f32 $1.442695020e+00, v7  }
0x340: {  	(erf) = vpow2.f32 v39;
	v40 =	vmul.f32 $1.442695020e+00, v9  }
0x341: {  	v41 =	vmul.f32 $1.442695020e+00, v37;
	(erf) = vpow2.f32 v7  }
0x342: {  	(erf) = vpow2.f32 v40  }
0x343: {  	(erf) = vpow2.f32 v41;
	_ =	sdelay $0x2  }
0x344: {  	v42 =	vpop (erf)  }
0x345: {  	v43 =	vpop (erf)  }
0x346: {  	v44 =	vpop (erf)  }
0x347: {  	v10 =	vpop (erf)  }
0x348: {  	v45 =	vpop (erf)  }
0x349: {  	v10 =	vadd.f32 v10, v17;
	v46 =	vpop (erf)  }
0x34a: {  	v13 =	vadd.f32 v45, v16;
	v47 =	vpop (erf)  }
0x34b: {  	[tilespmem:s26+$0xFFFFFE70] =	vst v10;
	v48 =	vadd.f32 v47, v26  }
0x34c: {  	[tilespmem:s26+$0xFFFFFEF0] =	vst v13;
	v49 =	vld [tilespmem:s13+$0xFFFFFE80]  }
0x34d: {  	v50 =	vld [tilespmem:s13+$0xFFFFFF00];
	[tilespmem:s26+$0xFFFFFF70] =	vst v48  }
0x34e: {  	v10 =	vld [tilespmem:s13+$0xFFFFFF80];
	_ =	sdelay $0x2  }
0x34f: {  	v13 =	vmul.f32 $1.442695020e+00, v49  }
0x350: {  	v15 =	vmul.f32 $1.442695020e+00, v50  }
0x351: {  	v51 =	vld [tilespmem:s18+$0x0];
	(erf) = vpow2.f32 v13;
	v10 =	vmul.f32 $1.442695020e+00, v10  }
0x352: {  	(erf) = vpow2.f32 v15  }
0x353: {  	v0 =	vadd.f32 v5, v0;
	(erf) = vpow2.f32 v10  }
0x354: {  	v2 =	vadd.f32 v11, v2  }
0x355: {  	[tilespmem:s21+$0xFFFFFE80] =	vst v0;
	v52 =	vadd.f32 v29, v1;
	v53 =	vld [tilespmem:s26+$0x0]  }
0x356: {  	[tilespmem:s21+$0xFFFFFF00] =	vst v2;
	v54 =	vadd.f32 v32, v51  }
0x357: {  	[tilespmem:s21+$0xFFFFFF80] =	vst v52;
	v55 =	vadd.f32 v42, v3  }
0x358: {  	[tilespmem:s18+$0x0] =	vst v54;
	v56 =	vadd.f32 v43, v4  }
0x359: {  	[tilespmem:s18+$0xFFFFFE80] =	vst v55;
	v57 =	vadd.f32 v44, v6  }
0x35a: {  	[tilespmem:s18+$0xFFFFFF00] =	vst v56;
	v1 =	vadd.f32 v46, v53;
	v58 =	vpop (erf)  }
0x35b: {  	[tilespmem:s18+$0xFFFFFF80] =	vst v57;
	v59 =	vadd.f32 v58, v22;
	v60 =	vpop (erf)  }
0x35c: {  	[tilespmem:s26+$0x0] =	vst v1;
	v61 =	vadd.f32 v60, v23;
	v62 =	vpop (erf)  }
0x35d: {  	[tilespmem:s26+$0xFFFFFE80] =	vst v59;
	v63 =	vadd.f32 v62, v12  }
0x35e: {  	[tilespmem:s26+$0xFFFFFF00] =	vst v61  }
0x35f: {  	[tilespmem:s26+$0xFFFFFF80] =	vst v63  }
0x360: {  	[spmem:s10] =	stream.linear.scatter [tilespmem:s19], [sflag:$0x8], $0x2000, $0x38;
	[tilespmem:$0x14000] =	vst v63  }
.LBB2_19:
.Ltmp15:
0x361: {  	(pc) =	sbr.rel @!p0 .LBB2_23-.Ltmp15, $1  }
0x362: {  	_ =	sdelay $0x3  }
0x363: {  	s6 =	simm.s32 $0x0  }
0x364: {  	v0 =	vld [tilespmem:s6+$0x61F0]  }
0x365: {  	v1 =	vld [tilespmem:s6+$0x6000]  }
0x366: {  	v2 =	vld [tilespmem:s6+$0x6010]  }
0x367: {  	v3 =	vld [tilespmem:s6+$0x6020]  }
0x368: {  	v4 =	vld [tilespmem:s6+$0x6030]  }
0x369: {  	v5 =	vld [tilespmem:s6+$0x6040]  }
0x36a: {  	v6 =	vld [tilespmem:s6+$0x6050]  }
0x36b: {  	v7 =	vld [tilespmem:s6+$0x6060]  }
0x36c: {  	v8 =	vld [tilespmem:s6+$0x6070]  }
0x36d: {  	v9 =	vld [tilespmem:s6+$0x6080]  }
0x36e: {  	v10 =	vld [tilespmem:s6+$0x6090]  }
0x36f: {  	v11 =	vld [tilespmem:s6+$0x60A0]  }
0x370: {  	v12 =	vld [tilespmem:s6+$0xC1F0]  }
0x371: {  	v13 =	vld [tilespmem:s6+$0x60C0]  }
0x372: {  	v14 =	vld [tilespmem:s6+$0x60D0]  }
0x373: {  	v15 =	vld [tilespmem:s6+$0x60E0]  }
0x374: {  	v16 =	vld [tilespmem:s6+$0x60F0]  }
0x375: {  	v17 =	vld [tilespmem:s6+$0x6100];
	v0 =	vmul.f32 $1.442695020e+00, v0  }
0x376: {  	v18 =	vld [tilespmem:s6+$0x6110]  }
0x377: {  	v19 =	vld [tilespmem:s6+$0x6120];
	(erf) = vpow2.f32 v0  }
0x378: {  	v20 =	vld [tilespmem:s6+$0x6130]  }
0x379: {  	v22 =	vld [tilespmem:s6+$0x6140];
	v1 =	vmul.f32 $1.442695020e+00, v1  }
0x37a: {  	v53 =	vld [tilespmem:s6+$0x6150];
	v2 =	vmul.f32 $1.442695020e+00, v2  }
0x37b: {  	v54 =	vld [tilespmem:s6+$0xC070];
	v3 =	vmul.f32 $1.442695020e+00, v3;
	(erf) = vpow2.f32 v1  }
0x37c: {  	v55 =	vld [tilespmem:s6+$0xC080];
	v4 =	vmul.f32 $1.442695020e+00, v4;
	(erf) = vpow2.f32 v2  }
0x37d: {  	v57 =	vld [tilespmem:s6+$0xC090];
	v5 =	vmul.f32 $1.442695020e+00, v5;
	(erf) = vpow2.f32 v3  }
0x37e: {  	v61 =	vld [tilespmem:s6+$0xC0D0];
	v6 =	vmul.f32 $1.442695020e+00, v6;
	(erf) = vpow2.f32 v4  }
0x37f: {  	v7 =	vmul.f32 $1.442695020e+00, v7;
	v0 =	vld [tilespmem:s6+$0x60B0];
	(erf) = vpow2.f32 v5  }
0x380: {  	v8 =	vmul.f32 $1.442695020e+00, v8;
	v1 =	vld [tilespmem:s6+$0x6160];
	(erf) = vpow2.f32 v6;
	v21 =	vpop (erf)  }
0x381: {  	v2 =	vld [tilespmem:s6+$0x6170];
	(erf) = vpow2.f32 v7;
	v12 =	vadd.f32 v21, v12  }
0x382: {  	v9 =	vmul.f32 $1.442695020e+00, v9;
	(erf) = vpow2.f32 v8;
	v8 =	vld [tilespmem:s6+$0xC000]  }
0x383: {  	v10 =	vmul.f32 $1.442695020e+00, v10;
	v11 =	vmul.f32 $1.442695020e+00, v11;
	v3 =	vld [tilespmem:s6+$0x6180]  }
0x384: {  	v14 =	vmul.f32 $1.442695020e+00, v14;
	v4 =	vld [tilespmem:s6+$0x6190];
	(erf) = vpow2.f32 v9  }
0x385: {  	v5 =	vld [tilespmem:s6+$0x61A0];
	v0 =	vmul.f32 $1.442695020e+00, v0;
	(erf) = vpow2.f32 v10;
	[tilespmem:s6+$0xC1F0] =	vst v12;
	v12 =	vpop (erf)  }
0x386: {  	v6 =	vld [tilespmem:s6+$0x61B0];
	v23 =	vpop (erf);
	(erf) = vpow2.f32 v11;
	v11 =	vmul.f32 $1.442695020e+00, v13  }
0x387: {  	v15 =	vmul.f32 $1.442695020e+00, v15;
	v9 =	vld [tilespmem:s6+$0xC010];
	v8 =	vadd.f32 v12, v8;
	v24 =	vpop (erf);
	(erf) = vpow2.f32 v0  }
0x388: {  	v16 =	vmul.f32 $1.442695020e+00, v16;
	v10 =	vld [tilespmem:s6+$0xC020];
	v25 =	vpop (erf);
	(erf) = vpow2.f32 v11  }
0x389: {  	v17 =	vmul.f32 $1.442695020e+00, v17;
	v13 =	vld [tilespmem:s6+$0xC030];
	v12 =	vpop (erf);
	(erf) = vpow2.f32 v14  }
0x38a: {  	v18 =	vmul.f32 $1.442695020e+00, v18;
	v0 =	vld [tilespmem:s6+$0xC040];
	v26 =	vpop (erf);
	(erf) = vpow2.f32 v15  }
0x38b: {  	v19 =	vmul.f32 $1.442695020e+00, v19;
	v11 =	vld [tilespmem:s6+$0xC050];
	[tilespmem:s6+$0xC000] =	vst v8;
	v8 =	vpop (erf);
	(erf) = vpow2.f32 v16  }
0x38c: {  	v20 =	vmul.f32 $1.442695020e+00, v20;
	v7 =	vld [tilespmem:s6+$0x61C0];
	v9 =	vadd.f32 v23, v9;
	v27 =	vpop (erf);
	(erf) = vpow2.f32 v17  }
0x38d: {  	v22 =	vmul.f32 $1.442695020e+00, v22;
	v10 =	vadd.f32 v24, v10;
	v14 =	vld [tilespmem:s6+$0xC060];
	v56 =	vpop (erf);
	(erf) = vpow2.f32 v18  }
0x38e: {  	v1 =	vmul.f32 $1.442695020e+00, v1;
	[tilespmem:s6+$0xC010] =	vst v9;
	v15 =	vld [tilespmem:s6+$0x61D0];
	v9 =	vadd.f32 v25, v13;
	v58 =	vpop (erf);
	(erf) = vpow2.f32 v19  }
0x38f: {  	v21 =	vmul.f32 $1.442695020e+00, v53;
	[tilespmem:s6+$0xC020] =	vst v10;
	v10 =	vld [tilespmem:s6+$0xC0B0];
	v0 =	vadd.f32 v12, v0;
	v59 =	vpop (erf);
	(erf) = vpow2.f32 v20  }
0x390: {  	v2 =	vmul.f32 $1.442695020e+00, v2;
	v13 =	vld [tilespmem:s6+$0xC0A0];
	[tilespmem:s6+$0xC030] =	vst v9;
	v9 =	vadd.f32 v26, v11;
	v12 =	vpop (erf);
	(erf) = vpow2.f32 v22  }
0x391: {  	v3 =	vmul.f32 $1.442695020e+00, v3;
	v11 =	vld [tilespmem:s6+$0xC0C0];
	[tilespmem:s6+$0xC040] =	vst v0;
	v0 =	vadd.f32 v56, v55;
	v60 =	vpop (erf);
	(erf) = vpow2.f32 v21  }
0x392: {  	v4 =	vmul.f32 $1.442695020e+00, v4;
	[tilespmem:s6+$0xC050] =	vst v9;
	v9 =	vld [tilespmem:s6+$0x61E0];
	v62 =	vpop (erf);
	(erf) = vpow2.f32 v1;
	v1 =	vadd.f32 v8, v14  }
0x393: {  	v6 =	vmul.f32 $1.442695020e+00, v6;
	[tilespmem:s6+$0xC080] =	vst v0;
	v8 =	vld [tilespmem:s6+$0xC0E0];
	v14 =	vpop (erf);
	(erf) = vpow2.f32 v2;
	v2 =	vadd.f32 v27, v54  }
0x394: {  	v0 =	vmul.f32 $1.442695020e+00, v5;
	v5 =	vpop (erf);
	(erf) = vpow2.f32 v3;
	[tilespmem:s6+$0xC060] =	vst v1;
	v1 =	vadd.f32 v58, v57;
	v3 =	vld [tilespmem:s6+$0xC0F0]  }
0x395: {  	v7 =	vmul.f32 $1.442695020e+00, v7;
	v63 =	vpop (erf);
	(erf) = vpow2.f32 v4;
	[tilespmem:s6+$0xC070] =	vst v2;
	v2 =	vadd.f32 v59, v13;
	v4 =	vld [tilespmem:s6+$0xC100]  }
0x396: {  	v13 =	vpop (erf);
	(erf) = vpow2.f32 v0;
	[tilespmem:s6+$0xC090] =	vst v1;
	v0 =	vadd.f32 v12, v10;
	v1 =	vld [tilespmem:s6+$0xC110];
	v10 =	vmul.f32 $1.442695020e+00, v15  }
0x397: {  	v9 =	vmul.f32 $1.442695020e+00, v9;
	v12 =	vpop (erf);
	(erf) = vpow2.f32 v6;
	[tilespmem:s6+$0xC0A0] =	vst v2;
	v2 =	vadd.f32 v60, v11;
	v6 =	vld [tilespmem:s6+$0xC120]  }
0x398: {  	v11 =	vpop (erf);
	(erf) = vpow2.f32 v7;
	[tilespmem:s6+$0xC0B0] =	vst v0;
	v0 =	vadd.f32 v62, v61;
	v7 =	vld [tilespmem:s6+$0xC130]  }
0x399: {  	v15 =	vpop (erf);
	(erf) = vpow2.f32 v10;
	[tilespmem:s6+$0xC0C0] =	vst v2;
	v2 =	vadd.f32 v14, v8  }
0x39a: {  	v8 =	vld [tilespmem:s6+$0xC140];
	v3 =	vadd.f32 v5, v3;
	v10 =	vpop (erf);
	(erf) = vpow2.f32 v9;
	[tilespmem:s6+$0xC0D0] =	vst v0;
	v0 =	vadd.f32 v63, v4  }
0x39b: {  	v5 =	vld [tilespmem:s6+$0xC160];
	v9 =	vpop (erf);
	[tilespmem:s6+$0xC0E0] =	vst v2;
	v1 =	vadd.f32 v13, v1  }
0x39c: {  	v4 =	vld [tilespmem:s6+$0xC150];
	[tilespmem:s6+$0xC0F0] =	vst v3;
	v14 =	vpop (erf);
	v2 =	vadd.f32 v12, v6  }
0x39d: {  	[tilespmem:s6+$0xC100] =	vst v0;
	v12 =	vld [tilespmem:s6+$0xC170];
	v13 =	vpop (erf);
	v3 =	vadd.f32 v11, v7  }
0x39e: {  	[tilespmem:s6+$0xC110] =	vst v1;
	v11 =	vld [tilespmem:s6+$0xC180];
	v0 =	vpop (erf)  }
0x39f: {  	v7 =	vld [tilespmem:s6+$0xC190];
	[tilespmem:s6+$0xC120] =	vst v2;
	v8 =	vadd.f32 v15, v8;
	v1 =	vpop (erf)  }
0x3a0: {  	v6 =	vld [tilespmem:s6+$0xC1A0];
	v15 =	vadd.f32 v9, v5;
	[tilespmem:s6+$0xC130] =	vst v3;
	v2 =	vpop (erf)  }
0x3a1: {  	v10 =	vadd.f32 v10, v4;
	[tilespmem:s6+$0xC140] =	vst v8;
	v8 =	vld [tilespmem:s6+$0xC1B0];
	v3 =	vpop (erf)  }
0x3a2: {  	v9 =	vld [tilespmem:s6+$0xC1C0];
	[tilespmem:s6+$0xC160] =	vst v15;
	v12 =	vadd.f32 v14, v12;
	v4 =	vpop (erf)  }
0x3a3: {  	s8 =	simm.s32 $0x0;
	s12 =	simm.s32 $0x800;
	[tilespmem:s6+$0xC150] =	vst v10;
	v10 =	vld [tilespmem:s6+$0xC1D0];
	v11 =	vadd.f32 v13, v11;
	v5 =	vpop (erf)  }
.LBB2_21:
0x3a4: {  	s13 =	sshra.s32 s12, $0x2;
	s8 =	sadd.s32 $0x4, s8;
	[tilespmem:s6+$0xC170] =	vst v12;
	v0 =	vadd.f32 v0, v7;
	v7 =	vld [tilespmem:s6+$0xC1E0]  }
0x3a5: {  	v12 =	vld [tilespmem:s13+$0x61F0];
	p0 =	slt.u32 s8, $0x3C;
	[tilespmem:s6+$0xC180] =	vst v11;
	v1 =	vadd.f32 v1, v6  }
0x3a6: {  	v6 =	vld [tilespmem:s13+$0x6000];
	[tilespmem:s6+$0xC190] =	vst v0;
	v0 =	vadd.f32 v2, v8  }
0x3a7: {  	v2 =	vld [tilespmem:s13+$0x6010];
	[tilespmem:s6+$0xC1A0] =	vst v1;
	v1 =	vadd.f32 v3, v9  }
0x3a8: {  	v3 =	vld [tilespmem:s13+$0x6020];
	[tilespmem:s6+$0xC1B0] =	vst v0;
	v0 =	vadd.f32 v4, v10  }
0x3a9: {  	v4 =	vld [tilespmem:s13+$0x6030];
	[tilespmem:s6+$0xC1C0] =	vst v1;
	v1 =	vadd.f32 v5, v7  }
0x3aa: {  	v5 =	vld [tilespmem:s13+$0x6040];
	v7 =	vmul.f32 $1.442695020e+00, v12;
	[tilespmem:s6+$0xC1D0] =	vst v0  }
0x3ab: {  	v0 =	vmul.f32 $1.442695020e+00, v6;
	v6 =	vld [tilespmem:s13+$0x6050];
	[tilespmem:s6+$0xC1E0] =	vst v1;
	s6 =	smov.u32 s13  }
0x3ac: {  	v1 =	vmul.f32 $1.442695020e+00, v2;
	v2 =	vld [tilespmem:s6+$0x6060];
	(erf) = vpow2.f32 v7  }
0x3ad: {  	v3 =	vmul.f32 $1.442695020e+00, v3;
	v7 =	vld [tilespmem:s6+$0x6070];
	(erf) = vpow2.f32 v0  }
0x3ae: {  	v0 =	vmul.f32 $1.442695020e+00, v4;
	v4 =	vld [tilespmem:s6+$0x6080];
	(erf) = vpow2.f32 v1  }
0x3af: {  	v1 =	vmul.f32 $1.442695020e+00, v5;
	v5 =	vld [tilespmem:s6+$0x6090];
	(erf) = vpow2.f32 v3  }
0x3b0: {  	v3 =	vmul.f32 $1.442695020e+00, v6;
	v6 =	vld [tilespmem:s6+$0x60A0];
	(erf) = vpow2.f32 v0  }
0x3b1: {  	v0 =	vmul.f32 $1.442695020e+00, v2;
	v2 =	vld [tilespmem:s6+$0xC1F0];
	(erf) = vpow2.f32 v1  }
0x3b2: {  	v1 =	vmul.f32 $1.442695020e+00, v7;
	v7 =	vld [tilespmem:s6+$0x60B0];
	(erf) = vpow2.f32 v3  }
0x3b3: {  	v8 =	vmul.f32 $1.442695020e+00, v4;
	v4 =	vld [tilespmem:s6+$0x60C0];
	(erf) = vpow2.f32 v0  }
0x3b4: {  	v0 =	vmul.f32 $1.442695020e+00, v5;
	v5 =	vld [tilespmem:s6+$0x60D0];
	(erf) = vpow2.f32 v1  }
0x3b5: {  	v1 =	vmul.f32 $1.442695020e+00, v6;
	v6 =	vld [tilespmem:s6+$0x60E0];
	(erf) = vpow2.f32 v8;
	v3 =	vpop (erf)  }
0x3b6: {  	v8 =	vld [tilespmem:s6+$0x60F0];
	v10 =	vadd.f32 v3, v2;
	v3 =	vpop (erf);
	(erf) = vpow2.f32 v0  }
0x3b7: {  	v0 =	vmul.f32 $1.442695020e+00, v7;
	v7 =	vld [tilespmem:s6+$0x6100];
	v9 =	vpop (erf);
	(erf) = vpow2.f32 v1  }
0x3b8: {  	v1 =	vmul.f32 $1.442695020e+00, v4;
	v4 =	vld [tilespmem:s6+$0x6110];
	[tilespmem:s6+$0xC1F0] =	vst v10;
	v2 =	vpop (erf)  }
0x3b9: {  	v5 =	vmul.f32 $1.442695020e+00, v5;
	v10 =	vld [tilespmem:s6+$0x6120];
	v11 =	vpop (erf);
	(erf) = vpow2.f32 v0  }
0x3ba: {  	v0 =	vmul.f32 $1.442695020e+00, v6;
	v6 =	vld [tilespmem:s6+$0x6130];
	v12 =	vpop (erf);
	(erf) = vpow2.f32 v1  }
0x3bb: {  	v1 =	vmul.f32 $1.442695020e+00, v8;
	v8 =	vld [tilespmem:s6+$0x6140];
	v13 =	vpop (erf);
	(erf) = vpow2.f32 v5  }
0x3bc: {  	v5 =	vmul.f32 $1.442695020e+00, v7;
	v7 =	vld [tilespmem:s6+$0x6150];
	v14 =	vpop (erf);
	(erf) = vpow2.f32 v0  }
0x3bd: {  	v0 =	vmul.f32 $1.442695020e+00, v4;
	v4 =	vld [tilespmem:s6+$0x6160];
	v15 =	vpop (erf);
	(erf) = vpow2.f32 v1  }
0x3be: {  	v1 =	vmul.f32 $1.442695020e+00, v10;
	v10 =	vld [tilespmem:s6+$0x6170];
	v16 =	vpop (erf);
	(erf) = vpow2.f32 v5  }
0x3bf: {  	v5 =	vmul.f32 $1.442695020e+00, v6;
	v6 =	vld [tilespmem:s6+$0x6180];
	v17 =	vpop (erf);
	(erf) = vpow2.f32 v0  }
0x3c0: {  	v0 =	vmul.f32 $1.442695020e+00, v8;
	v8 =	vld [tilespmem:s6+$0x6190];
	v18 =	vpop (erf);
	(erf) = vpow2.f32 v1  }
0x3c1: {  	v1 =	vmul.f32 $1.442695020e+00, v7;
	v7 =	vld [tilespmem:s6+$0x61A0];
	(erf) = vpow2.f32 v5  }
0x3c2: {  	v4 =	vmul.f32 $1.442695020e+00, v4;
	v5 =	vld [tilespmem:s6+$0x61B0];
	v19 =	vpop (erf);
	(erf) = vpow2.f32 v0  }
0x3c3: {  	v0 =	vmul.f32 $1.442695020e+00, v10;
	v10 =	vld [tilespmem:s6+$0x61C0];
	v20 =	vpop (erf);
	(erf) = vpow2.f32 v1  }
0x3c4: {  	v1 =	vmul.f32 $1.442695020e+00, v6;
	v6 =	vld [tilespmem:s6+$0x61D0];
	v21 =	vpop (erf);
	(erf) = vpow2.f32 v4  }
0x3c5: {  	v4 =	vmul.f32 $1.442695020e+00, v8;
	v8 =	vld [tilespmem:s6+$0x61E0];
	v22 =	vpop (erf);
	(erf) = vpow2.f32 v0  }
0x3c6: {  	v0 =	vld [tilespmem:s6+$0xC000];
	v7 =	vmul.f32 $1.442695020e+00, v7;
	v23 =	vpop (erf);
	(erf) = vpow2.f32 v1  }
0x3c7: {  	v1 =	vld [tilespmem:s6+$0xC010];
	v5 =	vmul.f32 $1.442695020e+00, v5;
	v24 =	vpop (erf);
	(erf) = vpow2.f32 v4  }
0x3c8: {  	v4 =	vld [tilespmem:s6+$0xC020];
	v28 =	vmul.f32 $1.442695020e+00, v10;
	v25 =	vpop (erf);
	(erf) = vpow2.f32 v7  }
0x3c9: {  	v7 =	vld [tilespmem:s6+$0xC030];
	v6 =	vmul.f32 $1.442695020e+00, v6;
	v26 =	vpop (erf);
	(erf) = vpow2.f32 v5  }
0x3ca: {  	v5 =	vld [tilespmem:s6+$0xC040];
	v29 =	vmul.f32 $1.442695020e+00, v8;
	v27 =	vpop (erf);
	(erf) = vpow2.f32 v28  }
0x3cb: {  	v0 =	vadd.f32 v3, v0;
	v3 =	vld [tilespmem:s6+$0xC050];
	v10 =	vpop (erf);
	(erf) = vpow2.f32 v6  }
0x3cc: {  	v1 =	vadd.f32 v9, v1;
	v6 =	vld [tilespmem:s6+$0xC060];
	v9 =	vpop (erf);
	(erf) = vpow2.f32 v29  }
0x3cd: {  	[tilespmem:s6+$0xC000] =	vst v0;
	v29 =	vadd.f32 v2, v4;
	v2 =	vld [tilespmem:s6+$0xC070];
	v8 =	vpop (erf)  }
0x3ce: {  	[tilespmem:s6+$0xC010] =	vst v1;
	v30 =	vadd.f32 v11, v7;
	v4 =	vld [tilespmem:s6+$0xC080];
	v11 =	vpop (erf)  }
0x3cf: {  	[tilespmem:s6+$0xC020] =	vst v29;
	v5 =	vadd.f32 v12, v5;
	v7 =	vld [tilespmem:s6+$0xC090];
	v28 =	vpop (erf)  }
0x3d0: {  	[tilespmem:s6+$0xC030] =	vst v30;
	v29 =	vadd.f32 v13, v3;
	v12 =	vld [tilespmem:s6+$0xC0A0];
	v0 =	vpop (erf)  }
0x3d1: {  	[tilespmem:s6+$0xC040] =	vst v5;
	v5 =	vadd.f32 v14, v6;
	v6 =	vld [tilespmem:s6+$0xC0B0];
	v1 =	vpop (erf)  }
0x3d2: {  	[tilespmem:s6+$0xC050] =	vst v29;
	v13 =	vadd.f32 v15, v2;
	v14 =	vld [tilespmem:s6+$0xC0C0];
	v2 =	vpop (erf)  }
0x3d3: {  	[tilespmem:s6+$0xC060] =	vst v5;
	v29 =	vadd.f32 v16, v4;
	v15 =	vld [tilespmem:s6+$0xC0D0];
	v3 =	vpop (erf)  }
0x3d4: {  	[tilespmem:s6+$0xC070] =	vst v13;
	v7 =	vadd.f32 v17, v7;
	v13 =	vld [tilespmem:s6+$0xC0E0];
	v4 =	vpop (erf)  }
0x3d5: {  	[tilespmem:s6+$0xC080] =	vst v29;
	v12 =	vadd.f32 v18, v12;
	v16 =	vld [tilespmem:s6+$0xC0F0];
	v5 =	vpop (erf)  }
0x3d6: {  	[tilespmem:s6+$0xC090] =	vst v7;
	v6 =	vadd.f32 v19, v6;
	v7 =	vld [tilespmem:s6+$0xC100]  }
0x3d7: {  	[tilespmem:s6+$0xC0A0] =	vst v12;
	v12 =	vadd.f32 v20, v14;
	v14 =	vld [tilespmem:s6+$0xC110]  }
0x3d8: {  	[tilespmem:s6+$0xC0B0] =	vst v6;
	v6 =	vadd.f32 v21, v15;
	v15 =	vld [tilespmem:s6+$0xC120]  }
0x3d9: {  	[tilespmem:s6+$0xC0C0] =	vst v12;
	v12 =	vadd.f32 v22, v13;
	v13 =	vld [tilespmem:s6+$0xC130]  }
0x3da: {  	[tilespmem:s6+$0xC0D0] =	vst v6;
	v6 =	vadd.f32 v23, v16;
	v16 =	vld [tilespmem:s6+$0xC140]  }
0x3db: {  	[tilespmem:s6+$0xC0E0] =	vst v12;
	v7 =	vadd.f32 v24, v7;
	v12 =	vld [tilespmem:s6+$0xC150]  }
0x3dc: {  	[tilespmem:s6+$0xC0F0] =	vst v6;
	v6 =	vadd.f32 v25, v14;
	v14 =	vld [tilespmem:s6+$0xC160]  }
0x3dd: {  	[tilespmem:s6+$0xC100] =	vst v7;
	v7 =	vadd.f32 v26, v15;
	v15 =	vld [tilespmem:s6+$0xC170]  }
0x3de: {  	[tilespmem:s6+$0xC110] =	vst v6;
	v6 =	vadd.f32 v27, v13;
	v13 =	vld [tilespmem:s6+$0xC180]  }
.Ltmp16:
0x3df: {  	[tilespmem:s6+$0xC120] =	vst v7;
	v10 =	vadd.f32 v10, v16;
	v7 =	vld [tilespmem:s6+$0xC190];
	(pc) =	sbr.rel @p0 .LBB2_21-.Ltmp16, $4  }
0x3e0: {  	[tilespmem:s6+$0xC130] =	vst v6;
	v9 =	vadd.f32 v9, v12;
	v6 =	vld [tilespmem:s6+$0xC1A0]  }
0x3e1: {  	[tilespmem:s6+$0xC140] =	vst v10;
	v10 =	vadd.f32 v8, v14;
	v8 =	vld [tilespmem:s6+$0xC1B0]  }
0x3e2: {  	[tilespmem:s6+$0xC150] =	vst v9;
	v12 =	vadd.f32 v11, v15;
	v9 =	vld [tilespmem:s6+$0xC1C0]  }
0x3e3: {  	s12 =	sadd.s32 $0x800, s12;
	[tilespmem:s6+$0xC160] =	vst v10;
	v11 =	vadd.f32 v28, v13;
	v10 =	vld [tilespmem:s6+$0xC1D0]  }
0x3e4: {  	[tilespmem:s6+$0xC170] =	vst v12;
	v0 =	vadd.f32 v0, v7;
	v59 =	vld [tilespmem:s6+$0xC1E0]  }
0x3e5: {  	[tilespmem:s6+$0xC180] =	vst v11;
	v1 =	vadd.f32 v1, v6  }
0x3e6: {  	[tilespmem:s6+$0xC190] =	vst v0;
	v60 =	vadd.f32 v2, v8  }
0x3e7: {  	[tilespmem:s6+$0xC1A0] =	vst v1;
	v61 =	vadd.f32 v3, v9  }
.Ltmp17:
0x3e8: {  	[tilespmem:s6+$0xC1B0] =	vst v60;
	v62 =	vadd.f32 v4, v10;
	(pc) =	sbr.rel .LBB2_23-.Ltmp17, $4  }
0x3e9: {  	[tilespmem:s6+$0xC1C0] =	vst v61;
	v63 =	vadd.f32 v5, v59  }
0x3ea: {  	[tilespmem:s6+$0xC1D0] =	vst v62  }
0x3eb: {  	[tilespmem:s6+$0xC1E0] =	vst v63  }
0x3ec: {  	[spmem:s11] =	stream.linear.scatter [tilespmem:s24], [sflag:$0x9], $0x2000, $0x38;
	[tilespmem:$0x14000] =	vst v63  }
.LBB2_25:
0x3ed: {  	_ =	sfence.sel $0x180000  }
0x3ee: {  	[bflag:$0x0] =	sbarrier.arrive $0xFFFF  }
0x3ef: {  	_ =	strace $0x90000047  }
0x3f0: {  	[bflag:$0x2] =	sbarrier.arrive $0xFFFF  }
0x3f1: {  	p0 =	sne.s32 s3, $0x0;
	s0 =	rddreg [dreg:$0x5]  }
0x3f2: {  	s0 =	sadd.s32 @!p0 $0x100000, s0  }
0x3f3: {  	[sflag:s0] =	ssyncadd.tile.s32 @!p0 $0x1;
	_ =	shalt  }
.Lfunc_end2:
_tile_overlayer_lowered:
.L_overlay_start_2:
0x3f4: {  	(tag) =	ssettag $0x2  }
0x3f5: {  	s0 =	rddreg [dreg:$0x0];
	s2 =	stileid.u32  }
0x3f6: {  	s1 =	rddreg [dreg:$0x1];
	p0 =	sne.s32 s2, $0x0  }
0x3f7: {  	s3 =	rddreg [dreg:$0x2];
	[bflag:$0x3] =	sbarrier.arrive $0xFFFF;
	s2 =	simm.s32 @!p0 $0x1C0D  }
0x3f8: {  	[timem:s3], [sflag:s2] =	dma.local @!p0 [hbm:s0], s1  }
0x3f9: {  	s0 =	simm.s32 @!p0 $0xD  }
0x3fa: {  	_ =	swait.ge @!p0 [sflag:s0], s1  }
0x3fb: {  	s1 =	ssub.s32 @!p0 $0x0, s1;
	[sflag:s0] =	ssyncset.done @!p0 $0x0  }
0x3fc: {  	[sflag:s0] =	ssyncadd.s32 @!p0 s1  }
0x3fd: {  	[bflag:$0x3] =	sbarrier.arrive $0xFFFF  }
0x3fe: {  	_ =	shalt  }

</sc_bundles>
